<compile_context>
chip_gen: v7x
topology: tpu7x:2x2x1
jax: 0.10.2.dev20260603
libtpu: 0.0.44.dev20260713+nightly
codegen_flags: <defaults>
</compile_context>

<pallas_src>
import functools

import jax
import jax.numpy as jnp
from jax import lax
from jax.experimental import pallas as pl
from jax.experimental.pallas import tpu as pltpu
from jax.experimental.pallas import tpu_sc as plsc

F32 = jnp.float32

N = 10000
D = 128
NP = 10240
NB = NP // 128
E = 320000
CH = 128
TILES = 32
NSTEP = 80
EP = TILES * NSTEP * CH
NACC = 10304
ZSTRIPE = NACC // 16
DSTRIPE = NP // 16
NGRAPHS = 64


def _sc_mesh():
    return plsc.VectorSubcoreMesh(core_axis_name="c", subcore_axis_name="s")


def _sc_deg(dst4, zeros16, ones16):

    @functools.partial(
        pl.kernel,
        out_type=jax.ShapeDtypeStruct((2, NP, 16), F32),
        mesh=_sc_mesh(),
        compiler_params=pltpu.CompilerParams(use_tc_tiling_on_sc=False),
        scratch_types=[
            pltpu.VMEM((NSTEP // 2, 2 * CH), jnp.int32),
            pltpu.VMEM((2 * CH, 16), F32),
            pltpu.VMEM_SHARED((NACC, 16), F32),
        ],
    )
    def k(dst_hbm, z_hbm, ones_hbm, out_hbm, idx_v, ones_v, acc_sh):
        c = lax.axis_index("c")
        s = lax.axis_index("s")
        wid = c * 16 + s
        pltpu.sync_copy(dst_hbm.at[wid], idx_v)
        pltpu.sync_copy(ones_hbm, ones_v)
        pltpu.sync_copy(z_hbm, acc_sh.at[pl.ds(s * ZSTRIPE, ZSTRIPE)])
        plsc.subcore_barrier()

        def step(j, carry):
            pltpu.sync_copy(ones_v, acc_sh.at[idx_v.at[j]], add=True)
            return carry

        lax.fori_loop(0, NSTEP // 2, step, 0)
        plsc.subcore_barrier()
        pltpu.sync_copy(acc_sh.at[pl.ds(s * DSTRIPE, DSTRIPE)],
                        out_hbm.at[c, pl.ds(s * DSTRIPE, DSTRIPE)])

    return k(dst4, zeros16, ones16)


def _sc_scatter(basesS, src4, dst4, zeros64):

    @functools.partial(
        pl.kernel,
        out_type=jax.ShapeDtypeStruct((NP, 128), F32),
        mesh=_sc_mesh(),
        compiler_params=pltpu.CompilerParams(use_tc_tiling_on_sc=False),
        scratch_types=[
            pltpu.VMEM((NSTEP // 4, 2 * CH), jnp.int32),
            pltpu.VMEM((NSTEP // 4, 2 * CH), jnp.int32),
            pltpu.VMEM((2, 2 * CH, 64), F32),
            pltpu.VMEM_SHARED((NP, 64), F32),
            pltpu.VMEM_SHARED((NACC, 64), F32),
            pltpu.SemaphoreType.DMA,
            pltpu.SemaphoreType.DMA,
        ],
    )
    def k(b_hbm, src_hbm, dst_hbm, z_hbm, out_hbm, sidx, didx, buf, bs_sh,
          acc_sh, sem_g, sem_s):
        c = lax.axis_index("c")
        s = lax.axis_index("s")
        wid = c * 16 + s
        pltpu.sync_copy(src_hbm.at[wid, pl.ds(0, NSTEP // 4)], sidx)
        pltpu.sync_copy(dst_hbm.at[wid, pl.ds(0, NSTEP // 4)], didx)
        pltpu.sync_copy(b_hbm.at[pl.ds(s * DSTRIPE, DSTRIPE)],
                        bs_sh.at[pl.ds(s * DSTRIPE, DSTRIPE)])
        pltpu.sync_copy(z_hbm, acc_sh.at[pl.ds(s * ZSTRIPE, ZSTRIPE)])
        plsc.subcore_barrier()

        HS = NSTEP // 2
        HH = HS // 2

        def drain_g(slot):
            pltpu.make_async_copy(b_hbm.at[pl.ds(0, 2 * CH)], buf.at[slot],
                                  sem_g).wait()

        pltpu.async_copy(bs_sh.at[sidx.at[0]], buf.at[0], sem_g)

        def step(r, carry):
            drain_g(r % 2)

            @pl.when(r == HH - 1)
            def _():
                pltpu.sync_copy(src_hbm.at[wid, pl.ds(HH, HH)], sidx)

            @pl.when(r + 1 < HS)
            def _():
                pltpu.async_copy(bs_sh.at[sidx.at[lax.rem(r + 1, HH)]],
                                 buf.at[(r + 1) % 2], sem_g)

            pltpu.sync_copy(buf.at[r % 2], acc_sh.at[didx.at[lax.rem(r, HH)]],
                            add=True)

            @pl.when(r == HH - 1)
            def _():
                pltpu.sync_copy(dst_hbm.at[wid, pl.ds(HH, HH)], didx)

            return carry

        lax.fori_loop(0, HS, step, 0)
        plsc.subcore_barrier()
        pltpu.sync_copy(acc_sh.at[pl.ds(s * DSTRIPE, DSTRIPE)],
                        out_hbm.at[pl.ds(s * DSTRIPE, DSTRIPE),
                                   pl.ds(c * 64, 64)])

    return k(basesS, src4, dst4, zeros64)


R = 1024
GB = NP // R


def _dinv_of(dg_ref):
    deg = 1.0 + dg_ref[0][:, 0:1] + dg_ref[1][:, 0:1]
    return lax.rsqrt(deg)


def _onehot(bt_ref):
    bt = jnp.broadcast_to(bt_ref[...].reshape(1, R), (NGRAPHS, R))
    gid = lax.broadcasted_iota(jnp.int32, (NGRAPHS, R), 0)
    return (gid == bt).astype(F32)


def _headmix(a_ref, bs_ref, w_ref, dinv, bias_ref):
    av = a_ref[...]
    agg = (av[:, 0:64] + av[:, 64:128] + bs_ref[...]) * dinv
    wv = w_ref[...]
    lane16 = lax.broadcasted_iota(jnp.int32, (16, 128), 1)
    row16 = lax.broadcasted_iota(jnp.int32, (16, 128), 0)
    tile_mat = (lane16 % 16 == row16).astype(F32)
    lane32 = lax.broadcasted_iota(jnp.int32, (32, 128), 1)
    row32 = lax.broadcasted_iota(jnp.int32, (32, 128), 0)
    out = None
    for b in range(4):
        sel = (row32 == 4 * (lane32 // 16) + b).astype(F32)
        wexp = jnp.dot(wv, sel, preferred_element_type=F32)
        atile = jnp.dot(agg[:, 16 * b:16 * (b + 1)], tile_mat,
                        preferred_element_type=F32)
        term = wexp * atile
        out = term if out is None else out + term
    out = out + bias_ref[...]
    return jnp.where(out >= 0, out, 0.01 * out)


def _proj(h, wb_ref, wc_ref, bcn_ref, dinv, bsn_ref, wn_ref):
    bsn_ref[...] = jnp.dot(h, wb_ref[...], preferred_element_type=F32) * dinv
    wn_ref[...] = jnp.dot(h, wc_ref[...],
                          preferred_element_type=F32) + bcn_ref[...]


def _tc_first(xp, Wb, Wc, bc, deg2, batch3):

    def body(h_ref, wb_ref, wc_ref, bc_ref, dg_ref, bt_ref, bs_ref, w_ref,
             px_ref, pacc):
        i = pl.program_id(0)

        @pl.when(i == 0)
        def _():
            pacc[...] = jnp.zeros_like(pacc)

        hv = h_ref[...]
        _proj(hv, wb_ref, wc_ref, bc_ref, _dinv_of(dg_ref), bs_ref, w_ref)
        pacc[...] += jnp.dot(_onehot(bt_ref), hv, preferred_element_type=F32)

        @pl.when(i == GB - 1)
        def _():
            px_ref[...] = pacc[...]

    return pl.pallas_call(
        body,
        grid=(GB,),
        in_specs=[
            pl.BlockSpec((R, 128), lambda i: (i, 0)),
            pl.BlockSpec((128, 64), lambda i: (0, 0)),
            pl.BlockSpec((128, 32), lambda i: (0, 0)),
            pl.BlockSpec((1, 32), lambda i: (0, 0)),
            pl.BlockSpec((2, R, 16), lambda i: (0, i, 0)),
            pl.BlockSpec((1, 1, R), lambda i: (i, 0, 0)),
        ],
        out_specs=[
            pl.BlockSpec((R, 64), lambda i: (i, 0)),
            pl.BlockSpec((R, 32), lambda i: (i, 0)),
            pl.BlockSpec((NGRAPHS, 128), lambda i: (0, 0)),
        ],
        out_shape=[
            jax.ShapeDtypeStruct((NP, 64), F32),
            jax.ShapeDtypeStruct((NP, 32), F32),
            jax.ShapeDtypeStruct((NGRAPHS, 128), F32),
        ],
        scratch_shapes=[pltpu.VMEM((NGRAPHS, 128), F32)],
        interpret=False,
    )(xp, Wb, Wc, bc.reshape(1, 32), deg2, batch3)


def _tc_mid(acc2, basesS, w, deg2, bias, batch3, Wbn, Wcn, bcn):

    def body(a_ref, bs_ref, w_ref, dg_ref, bias_ref, bt_ref, wb_ref, wc_ref,
             bcn_ref, bsn_ref, wn_ref, ph_ref, pacc):
        i = pl.program_id(0)

        @pl.when(i == 0)
        def _():
            pacc[...] = jnp.zeros_like(pacc)

        dinv = _dinv_of(dg_ref)
        h = _headmix(a_ref, bs_ref, w_ref, dinv, bias_ref)
        _proj(h, wb_ref, wc_ref, bcn_ref, dinv, bsn_ref, wn_ref)
        pacc[...] += jnp.dot(_onehot(bt_ref), h, preferred_element_type=F32)

        @pl.when(i == GB - 1)
        def _():
            ph_ref[...] = pacc[...]

    return pl.pallas_call(
        body,
        grid=(GB,),
        in_specs=[
            pl.BlockSpec((R, 128), lambda i: (i, 0)),
            pl.BlockSpec((R, 64), lambda i: (i, 0)),
            pl.BlockSpec((R, 32), lambda i: (i, 0)),
            pl.BlockSpec((2, R, 16), lambda i: (0, i, 0)),
            pl.BlockSpec((1, 128), lambda i: (0, 0)),
            pl.BlockSpec((1, 1, R), lambda i: (i, 0, 0)),
            pl.BlockSpec((128, 64), lambda i: (0, 0)),
            pl.BlockSpec((128, 32), lambda i: (0, 0)),
            pl.BlockSpec((1, 32), lambda i: (0, 0)),
        ],
        out_specs=[
            pl.BlockSpec((R, 64), lambda i: (i, 0)),
            pl.BlockSpec((R, 32), lambda i: (i, 0)),
            pl.BlockSpec((NGRAPHS, 128), lambda i: (0, 0)),
        ],
        out_shape=[
            jax.ShapeDtypeStruct((NP, 64), F32),
            jax.ShapeDtypeStruct((NP, 32), F32),
            jax.ShapeDtypeStruct((NGRAPHS, 128), F32),
        ],
        scratch_shapes=[pltpu.VMEM((NGRAPHS, 128), F32)],
        interpret=False,
    )(acc2, basesS, w, deg2, bias.reshape(1, 128), batch3, Wbn, Wcn,
      bcn.reshape(1, 32))


def _tc_last(acc2, basesS, w, deg2, bias, batch3, px, p1, p2, pt, W1a, w1b,
             b1, W2, b2, W3p, b3p):

    def body(a_ref, bs_ref, w_ref, dg_ref, bias_ref, bt_ref, px_ref, p1_ref,
             p2_ref, pt_ref, w1a_ref, w1b_ref, b1_ref, w2_ref, b2_ref, w3_ref,
             b3_ref, o_ref, pacc, cacc):
        i = pl.program_id(0)

        @pl.when(i == 0)
        def _():
            pacc[...] = jnp.zeros_like(pacc)
            cacc[...] = jnp.zeros_like(cacc)

        h = _headmix(a_ref, bs_ref, w_ref, _dinv_of(dg_ref), bias_ref)
        oneh = _onehot(bt_ref)
        pacc[...] += jnp.dot(oneh, h, preferred_element_type=F32)
        cacc[...] += jnp.sum(oneh, axis=1, keepdims=True)

        @pl.when(i == GB - 1)
        def _():
            cnt = jnp.maximum(cacc[...], 1.0)
            mean = jnp.concatenate(
                [px_ref[...] / cnt, p1_ref[...] / cnt, p2_ref[...] / cnt,
                 pacc[...] / cnt], axis=1)
            g = jnp.dot(mean, w1a_ref[...], preferred_element_type=F32)
            g = g + jnp.dot(pt_ref[...], w1b_ref[...],
                            preferred_element_type=F32)
            g = g + b1_ref[...]
            g = jnp.where(g >= 0, g, 0.01 * g)
            g = jnp.dot(g, w2_ref[...], preferred_element_type=F32) + b2_ref[...]
            g = jnp.where(g >= 0, g, 0.01 * g)
            o_ref[...] = jnp.dot(g, w3_ref[...],
                                 preferred_element_type=F32) + b3_ref[...]

    return pl.pallas_call(
        body,
        grid=(GB,),
        in_specs=[
            pl.BlockSpec((R, 128), lambda i: (i, 0)),
            pl.BlockSpec((R, 64), lambda i: (i, 0)),
            pl.BlockSpec((R, 32), lambda i: (i, 0)),
            pl.BlockSpec((2, R, 16), lambda i: (0, i, 0)),
            pl.BlockSpec((1, 128), lambda i: (0, 0)),
            pl.BlockSpec((1, 1, R), lambda i: (i, 0, 0)),
            pl.BlockSpec((NGRAPHS, 128), lambda i: (0, 0)),
            pl.BlockSpec((NGRAPHS, 128), lambda i: (0, 0)),
            pl.BlockSpec((NGRAPHS, 128), lambda i: (0, 0)),
            pl.BlockSpec((NGRAPHS, 1), lambda i: (0, 0)),
            pl.BlockSpec((512, 256), lambda i: (0, 0)),
            pl.BlockSpec((1, 256), lambda i: (0, 0)),
            pl.BlockSpec((1, 256), lambda i: (0, 0)),
            pl.BlockSpec((256, 256), lambda i: (0, 0)),
            pl.BlockSpec((1, 256), lambda i: (0, 0)),
            pl.BlockSpec((256, 128), lambda i: (0, 0)),
            pl.BlockSpec((1, 128), lambda i: (0, 0)),
        ],
        out_specs=pl.BlockSpec((NGRAPHS, 128), lambda i: (0, 0)),
        out_shape=jax.ShapeDtypeStruct((NGRAPHS, 128), F32),
        scratch_shapes=[
            pltpu.VMEM((NGRAPHS, 128), F32),
            pltpu.VMEM((NGRAPHS, 1), F32),
        ],
        interpret=False,
    )(acc2, basesS, w, deg2, bias.reshape(1, 128), batch3, px, p1, p2, pt,
      W1a, w1b, b1, W2, b2, W3p, b3p)


def kernel(x, edge_index, batch, problemType, Wb0, Wc0, bc0, bias0, Wb1, Wc1,
           bc1, bias1, Wb2, Wc2, bc2, bias2, W1, b1, W2, b2, W3, b3):
    ei = edge_index.astype(jnp.int32)
    npad = EP - E
    src4 = jnp.concatenate([ei[0], jnp.zeros((npad,), jnp.int32)]).reshape(
        TILES, NSTEP // 2, 2 * CH)
    dst4 = jnp.concatenate([ei[1], jnp.full((npad,), NP, jnp.int32)]).reshape(
        TILES, NSTEP // 2, 2 * CH)
    xp = jnp.concatenate([x, jnp.zeros((NP - N, D), F32)])
    zeros16 = jnp.zeros((ZSTRIPE, 16), F32)
    zeros64 = jnp.zeros((ZSTRIPE, 64), F32)
    ones16 = jnp.ones((2 * CH, 16), F32)

    batch3 = jnp.concatenate([batch.astype(jnp.int32),
                              jnp.full((NP - N,), NGRAPHS, jnp.int32)]
                             ).reshape(GB, 1, R)

    deg2 = _sc_deg(dst4, zeros16, ones16)

    basesS, w, px = _tc_first(xp, Wb0, Wc0, bc0, deg2, batch3)
    acc2 = _sc_scatter(basesS, src4, dst4, zeros64)
    basesS1, w1_, p1 = _tc_mid(acc2, basesS, w, deg2, bias0, batch3,
                               Wb1, Wc1, bc1)
    acc2 = _sc_scatter(basesS1, src4, dst4, zeros64)
    basesS2, w2_, p2 = _tc_mid(acc2, basesS1, w1_, deg2, bias1, batch3,
                               Wb2, Wc2, bc2)
    acc2 = _sc_scatter(basesS2, src4, dst4, zeros64)

    W3p = jnp.pad(W3, ((0, 0), (0, 128 - W3.shape[1])))
    b3p = jnp.pad(b3, (0, 128 - b3.shape[0])).reshape(1, 128)
    out = _tc_last(acc2, basesS2, w2_, deg2, bias2, batch3, px, p1, p2,
                   problemType.reshape(NGRAPHS, 1), W1[:512], W1[512:513],
                   b1.reshape(1, 256), W2, b2.reshape(1, 256), W3p, b3p)
    return out[:, :2]

# --- scband reference (transcript-rebuilt; emitter-appended) ---
"""Pipeline reference for scband-egc-27900107554988 (READ-ONLY COPY).

The authoritative reference and input builder live on the scoring server;
editing this copy changes nothing except your own understanding.
"""

import jax, jax.numpy as jnp
import numpy as np

N = 10000
E = 320000
D = 128
HEADS = 8
NBASES = 4
PASSES = 3
NGRAPHS = 64
OUT = 2


def gcn_norm(edge_index, num_nodes):
    # add self loops then symmetric normalization (PyG gcn_norm, as used by EGConv 'symnorm')
    loop = jnp.arange(num_nodes, dtype=edge_index.dtype)
    row = jnp.concatenate([edge_index[0], loop])
    col = jnp.concatenate([edge_index[1], loop])
    w = jnp.ones(row.shape[0], dtype=jnp.float32)
    deg = jnp.zeros(num_nodes, dtype=jnp.float32).at[col].add(w)
    dinv = jnp.where(deg > 0, deg ** -0.5, 0.0)
    norm = dinv[row] * w * dinv[col]
    return row, col, norm


def egconv(x, row, col, norm, Wb, Wc, bc, bias):
    # EGConv: bases projection, per-node combination weights, symnorm aggregation, head-wise mix
    n = x.shape[0]
    bases = x @ Wb                      # [N, (D//HEADS)*NBASES]
    weightings = x @ Wc + bc            # [N, HEADS*NBASES] (num_aggrs=1)
    msg = bases[row] * norm[:, None]    # gather + edge weighting
    agg = jnp.zeros((n, bases.shape[1]), dtype=x.dtype).at[col].add(msg)  # scatter-add
    weightings = weightings.reshape(n, HEADS, NBASES)
    agg = agg.reshape(n, NBASES, D // HEADS)
    out = jnp.einsum('nhb,nbd->nhd', weightings, agg).reshape(n, D)
    return out + bias


def setup_inputs(seed: int = 0):
    key = jax.random.key(seed)
    ks = jax.random.split(key, 32)
    inp = {}
    inp['x'] = jax.random.normal(ks[0], (N, D), dtype=jnp.float32)
    src = jax.random.randint(ks[1], (E,), 0, N)
    dst = jax.random.randint(ks[2], (E,), 0, N)
    inp['edge_index'] = jnp.stack([src, dst]).astype(jnp.int64)
    inp['batch'] = jnp.sort(jax.random.randint(ks[3], (N,), 0, NGRAPHS)).astype(jnp.int64)
    inp['problemType'] = jnp.ones((NGRAPHS,), dtype=jnp.float32)
    s = 1.0 / np.sqrt(D)
    for i in range(PASSES):
        inp['Wb%d' % i] = jax.random.uniform(ks[4 + 4 * i], (D, (D // HEADS) * NBASES), minval=-s, maxval=s, dtype=jnp.float32)
        inp['Wc%d' % i] = jax.random.uniform(ks[5 + 4 * i], (D, HEADS * NBASES), minval=-s, maxval=s, dtype=jnp.float32)
        inp['bc%d' % i] = jnp.zeros((HEADS * NBASES,), dtype=jnp.float32)
        inp['bias%d' % i] = jnp.zeros((D,), dtype=jnp.float32)
    F1 = PASSES * D + D   # jump cat: 512
    FC_IN = F1 + 1        # 513 (problemType column)
    H = FC_IN // 2        # 256
    inp['W1'] = jax.random.uniform(ks[20], (FC_IN, H), minval=-1.0 / np.sqrt(FC_IN), maxval=1.0 / np.sqrt(FC_IN), dtype=jnp.float32)
    inp['b1'] = jnp.zeros((H,), dtype=jnp.float32)
    inp['W2'] = jax.random.uniform(ks[21], (H, H), minval=-1.0 / np.sqrt(H), maxval=1.0 / np.sqrt(H), dtype=jnp.float32)
    inp['b2'] = jnp.zeros((H,), dtype=jnp.float32)
    inp['W3'] = jax.random.uniform(ks[22], (H, OUT), minval=-1.0 / np.sqrt(H), maxval=1.0 / np.sqrt(H), dtype=jnp.float32)
    inp['b3'] = jnp.zeros((OUT,), dtype=jnp.float32)
    return inp


def reference(x, edge_index, batch, problemType, Wb0, Wc0, bc0, bias0, Wb1, Wc1, bc1, bias1, Wb2, Wc2, bc2, bias2, W1, b1, W2, b2, W3, b3):
    row, col, norm = gcn_norm(edge_index, N)
    xs = [x]
    h = x
    for (Wb, Wc, bc, bias) in ((Wb0, Wc0, bc0, bias0), (Wb1, Wc1, bc1, bias1), (Wb2, Wc2, bc2, bias2)):
        h = jax.nn.leaky_relu(egconv(h, row, col, norm, Wb, Wc, bc, bias))
        xs.append(h)
    h = jnp.concatenate(xs, axis=1)  # JumpingKnowledge('cat')
    sums = jax.ops.segment_sum(h, batch, num_segments=NGRAPHS)
    cnts = jax.ops.segment_sum(jnp.ones((N,), dtype=h.dtype), batch, num_segments=NGRAPHS)
    pooled = sums / jnp.clip(cnts, 1.0)[:, None]  # MeanAggregation
    g = jnp.concatenate([pooled, problemType[:, None]], axis=1)
    g = jax.nn.leaky_relu(g @ W1 + b1)
    g = jax.nn.leaky_relu(g @ W2 + b2)
    return g @ W3 + b3

if __name__ == "__main__":
    import jax
    _d = setup_inputs()
    print(jax.jit(kernel)(*tuple(_d.values())))

</pallas_src>

<mosaic_0001>
#map = affine_map<(d0, d1) -> (0, 0)>
#map1 = affine_map<(d0, d1) -> (0, 0, 0)>
module attributes {stable_mosaic.version = 14 : i64} {
  func.func @k(%arg0: i32, %arg1: i32, %arg2: memref<10240x64xf32, #tpu.memory_space<hbm>>, %arg3: memref<32x40x256xi32, #tpu.memory_space<hbm>>, %arg4: memref<32x40x256xi32, #tpu.memory_space<hbm>>, %arg5: memref<644x64xf32, #tpu.memory_space<hbm>>, %arg6: memref<10240x128xf32, #tpu.memory_space<hbm>>, %arg7: memref<20x256xi32, #tpu.memory_space<vmem>>, %arg8: memref<20x256xi32, #tpu.memory_space<vmem>>, %arg9: memref<2x256x64xf32, #tpu.memory_space<vmem>>, %arg10: memref<10240x64xf32, #tpu.memory_space<vmem_shared>>, %arg11: memref<10304x64xf32, #tpu.memory_space<vmem_shared>>, %arg12: memref<!tpu.dma_semaphore, #tpu.memory_space<semaphore_mem>>, %arg13: memref<!tpu.dma_semaphore, #tpu.memory_space<semaphore_mem>>) attributes {dimension_semantics = [#tpu.dimension_semantics<core_parallel>, #tpu.dimension_semantics<subcore_parallel>], iteration_bounds = array<i64: 2, 16>, scalar_prefetch = 0 : i64, scratch_operands = 7 : i64, tpu.core_type = #tpu.core_type<sc_vector_subcore>, window_params = [{transform_indices = #map}, {transform_indices = #map1}, {transform_indices = #map1}, {transform_indices = #map}, {transform_indices = #map}]} {
    %mul3A = arith.constant 16 : i32
    %mul3A_0 = arith.muli %arg0, %mul3A : i32
    %add3A = arith.addi %mul3A_0, %arg1 : i32
    "tpu.region"() ({
      %run_scoped3A = tpu.sem_alloc : memref<!tpu.dma_semaphore, #tpu.memory_space<semaphore_mem>>
      %dma_start3A_30 = arith.constant 0 : i32
      %dma_start3A_31 = arith.constant 0 : i32
      %dma_start3A_32 = tpu.memref_slice %arg3[%add3A, %dma_start3A_30, %dma_start3A_31] : memref<32x40x256xi32, #tpu.memory_space<hbm>> -> memref<1x20x256xi32, #tpu.memory_space<hbm>>
      %dma_start3A_33 = tpu.memref_squeeze %dma_start3A_32 : memref<1x20x256xi32, #tpu.memory_space<hbm>> -> memref<20x256xi32, #tpu.memory_space<hbm>>
      %dma_start3A_34 = arith.constant 0 : i32
      %dma_start3A_35 = arith.constant 0 : i32
      %dma_start3A_36 = tpu.memref_slice %arg3[%add3A, %dma_start3A_34, %dma_start3A_35] : memref<32x40x256xi32, #tpu.memory_space<hbm>> -> memref<1x20x256xi32, #tpu.memory_space<hbm>>
      %dma_start3A_37 = tpu.memref_squeeze %dma_start3A_36 : memref<1x20x256xi32, #tpu.memory_space<hbm>> -> memref<20x256xi32, #tpu.memory_space<hbm>>
      tpu.enqueue_dma source(%dma_start3A_37 : memref<20x256xi32, #tpu.memory_space<hbm>>) target(%arg7 : memref<20x256xi32, #tpu.memory_space<vmem>>) target_semaphore(%run_scoped3A : memref<!tpu.dma_semaphore, #tpu.memory_space<semaphore_mem>>)
      %dma_wait3A = arith.constant 0 : i32
      %dma_wait3A_38 = arith.constant 0 : i32
      %dma_wait3A_39 = tpu.memref_slice %arg3[%add3A, %dma_wait3A, %dma_wait3A_38] : memref<32x40x256xi32, #tpu.memory_space<hbm>> -> memref<1x20x256xi32, #tpu.memory_space<hbm>>
      %dma_wait3A_40 = tpu.memref_squeeze %dma_wait3A_39 : memref<1x20x256xi32, #tpu.memory_space<hbm>> -> memref<20x256xi32, #tpu.memory_space<hbm>>
      %dma_wait3A_41 = arith.constant 0 : i32
      %dma_wait3A_42 = arith.constant 0 : i32
      %dma_wait3A_43 = tpu.memref_slice %arg3[%add3A, %dma_wait3A_41, %dma_wait3A_42] : memref<32x40x256xi32, #tpu.memory_space<hbm>> -> memref<1x20x256xi32, #tpu.memory_space<hbm>>
      %dma_wait3A_44 = tpu.memref_squeeze %dma_wait3A_43 : memref<1x20x256xi32, #tpu.memory_space<hbm>> -> memref<20x256xi32, #tpu.memory_space<hbm>>
      tpu.wait_dma2 semaphore(%run_scoped3A : memref<!tpu.dma_semaphore, #tpu.memory_space<semaphore_mem>>) src(%dma_wait3A_44 : memref<20x256xi32, #tpu.memory_space<hbm>>) dst(%arg7 : memref<20x256xi32, #tpu.memory_space<vmem>>)
      tpu.yield
    }) : () -> ()
    "tpu.region"() ({
      %run_scoped3A = tpu.sem_alloc : memref<!tpu.dma_semaphore, #tpu.memory_space<semaphore_mem>>
      %dma_start3A_30 = arith.constant 0 : i32
      %dma_start3A_31 = arith.constant 0 : i32
      %dma_start3A_32 = tpu.memref_slice %arg4[%add3A, %dma_start3A_30, %dma_start3A_31] : memref<32x40x256xi32, #tpu.memory_space<hbm>> -> memref<1x20x256xi32, #tpu.memory_space<hbm>>
      %dma_start3A_33 = tpu.memref_squeeze %dma_start3A_32 : memref<1x20x256xi32, #tpu.memory_space<hbm>> -> memref<20x256xi32, #tpu.memory_space<hbm>>
      %dma_start3A_34 = arith.constant 0 : i32
      %dma_start3A_35 = arith.constant 0 : i32
      %dma_start3A_36 = tpu.memref_slice %arg4[%add3A, %dma_start3A_34, %dma_start3A_35] : memref<32x40x256xi32, #tpu.memory_space<hbm>> -> memref<1x20x256xi32, #tpu.memory_space<hbm>>
      %dma_start3A_37 = tpu.memref_squeeze %dma_start3A_36 : memref<1x20x256xi32, #tpu.memory_space<hbm>> -> memref<20x256xi32, #tpu.memory_space<hbm>>
      tpu.enqueue_dma source(%dma_start3A_37 : memref<20x256xi32, #tpu.memory_space<hbm>>) target(%arg8 : memref<20x256xi32, #tpu.memory_space<vmem>>) target_semaphore(%run_scoped3A : memref<!tpu.dma_semaphore, #tpu.memory_space<semaphore_mem>>)
      %dma_wait3A = arith.constant 0 : i32
      %dma_wait3A_38 = arith.constant 0 : i32
      %dma_wait3A_39 = tpu.memref_slice %arg4[%add3A, %dma_wait3A, %dma_wait3A_38] : memref<32x40x256xi32, #tpu.memory_space<hbm>> -> memref<1x20x256xi32, #tpu.memory_space<hbm>>
      %dma_wait3A_40 = tpu.memref_squeeze %dma_wait3A_39 : memref<1x20x256xi32, #tpu.memory_space<hbm>> -> memref<20x256xi32, #tpu.memory_space<hbm>>
      %dma_wait3A_41 = arith.constant 0 : i32
      %dma_wait3A_42 = arith.constant 0 : i32
      %dma_wait3A_43 = tpu.memref_slice %arg4[%add3A, %dma_wait3A_41, %dma_wait3A_42] : memref<32x40x256xi32, #tpu.memory_space<hbm>> -> memref<1x20x256xi32, #tpu.memory_space<hbm>>
      %dma_wait3A_44 = tpu.memref_squeeze %dma_wait3A_43 : memref<1x20x256xi32, #tpu.memory_space<hbm>> -> memref<20x256xi32, #tpu.memory_space<hbm>>
      tpu.wait_dma2 semaphore(%run_scoped3A : memref<!tpu.dma_semaphore, #tpu.memory_space<semaphore_mem>>) src(%dma_wait3A_44 : memref<20x256xi32, #tpu.memory_space<hbm>>) dst(%arg8 : memref<20x256xi32, #tpu.memory_space<vmem>>)
      tpu.yield
    }) : () -> ()
    %mul3A_1 = arith.constant 640 : i32
    %mul3A_2 = arith.muli %arg1, %mul3A_1 : i32
    %mul3A_3 = arith.constant 640 : i32
    %mul3A_4 = arith.muli %arg1, %mul3A_3 : i32
    "tpu.region"() ({
      %run_scoped3A = tpu.sem_alloc : memref<!tpu.dma_semaphore, #tpu.memory_space<semaphore_mem>>
      %dma_start3A_30 = arith.constant 0 : i32
      %dma_start3A_31 = tpu.memref_slice %arg10[%mul3A_4, %dma_start3A_30] : memref<10240x64xf32, #tpu.memory_space<vmem_shared>> -> memref<640x64xf32, #tpu.memory_space<vmem_shared>>
      %dma_start3A_32 = arith.constant 0 : i32
      %dma_start3A_33 = tpu.memref_slice %arg2[%mul3A_2, %dma_start3A_32] : memref<10240x64xf32, #tpu.memory_space<hbm>> -> memref<640x64xf32, #tpu.memory_space<hbm>>
      tpu.enqueue_dma source(%dma_start3A_33 : memref<640x64xf32, #tpu.memory_space<hbm>>) target(%dma_start3A_31 : memref<640x64xf32, #tpu.memory_space<vmem_shared>>) target_semaphore(%run_scoped3A : memref<!tpu.dma_semaphore, #tpu.memory_space<semaphore_mem>>)
      %dma_wait3A = arith.constant 0 : i32
      %dma_wait3A_34 = tpu.memref_slice %arg10[%mul3A_4, %dma_wait3A] : memref<10240x64xf32, #tpu.memory_space<vmem_shared>> -> memref<640x64xf32, #tpu.memory_space<vmem_shared>>
      %dma_wait3A_35 = arith.constant 0 : i32
      %dma_wait3A_36 = tpu.memref_slice %arg2[%mul3A_2, %dma_wait3A_35] : memref<10240x64xf32, #tpu.memory_space<hbm>> -> memref<640x64xf32, #tpu.memory_space<hbm>>
      tpu.wait_dma2 semaphore(%run_scoped3A : memref<!tpu.dma_semaphore, #tpu.memory_space<semaphore_mem>>) src(%dma_wait3A_36 : memref<640x64xf32, #tpu.memory_space<hbm>>) dst(%dma_wait3A_34 : memref<640x64xf32, #tpu.memory_space<vmem_shared>>)
      tpu.yield
    }) : () -> ()
    %mul3A_5 = arith.constant 644 : i32
    %mul3A_6 = arith.muli %arg1, %mul3A_5 : i32
    "tpu.region"() ({
      %run_scoped3A = tpu.sem_alloc : memref<!tpu.dma_semaphore, #tpu.memory_space<semaphore_mem>>
      %dma_start3A_30 = arith.constant 0 : i32
      %dma_start3A_31 = tpu.memref_slice %arg11[%mul3A_6, %dma_start3A_30] : memref<10304x64xf32, #tpu.memory_space<vmem_shared>> -> memref<644x64xf32, #tpu.memory_space<vmem_shared>>
      tpu.enqueue_dma source(%arg5 : memref<644x64xf32, #tpu.memory_space<hbm>>) target(%dma_start3A_31 : memref<644x64xf32, #tpu.memory_space<vmem_shared>>) target_semaphore(%run_scoped3A : memref<!tpu.dma_semaphore, #tpu.memory_space<semaphore_mem>>)
      %dma_wait3A = arith.constant 0 : i32
      %dma_wait3A_32 = tpu.memref_slice %arg11[%mul3A_6, %dma_wait3A] : memref<10304x64xf32, #tpu.memory_space<vmem_shared>> -> memref<644x64xf32, #tpu.memory_space<vmem_shared>>
      tpu.wait_dma2 semaphore(%run_scoped3A : memref<!tpu.dma_semaphore, #tpu.memory_space<semaphore_mem>>) src(%arg5 : memref<644x64xf32, #tpu.memory_space<hbm>>) dst(%dma_wait3A_32 : memref<644x64xf32, #tpu.memory_space<vmem_shared>>)
      tpu.yield
    }) : () -> ()
    %barrier3A = arith.constant 0 : index
    tpu.barrier barrier_id(%barrier3A)
    %dma_start3A = arith.constant 0 : i32
    %dma_start3A_7 = arith.constant 0 : i32
    %dma_start3A_8 = arith.constant 0 : i32
    %dma_start3A_9 = arith.constant 0 : i32
    %dma_start3A_10 = tpu.memref_slice %arg9[%dma_start3A_7, %dma_start3A_8, %dma_start3A_9] : memref<2x256x64xf32, #tpu.memory_space<vmem>> -> memref<1x256x64xf32, #tpu.memory_space<vmem>>
    %dma_start3A_11 = tpu.memref_squeeze %dma_start3A_10 : memref<1x256x64xf32, #tpu.memory_space<vmem>> -> memref<256x64xf32, #tpu.memory_space<vmem>>
    %dma_start3A_12 = arith.constant 0 : i32
    %dma_start3A_13 = tpu.memref_slice %arg7[%dma_start3A, %dma_start3A_12] : memref<20x256xi32, #tpu.memory_space<vmem>> -> memref<1x256xi32, #tpu.memory_space<vmem>>
    %dma_start3A_14 = tpu.memref_squeeze %dma_start3A_13 : memref<1x256xi32, #tpu.memory_space<vmem>> -> memref<256xi32, #tpu.memory_space<vmem>>
    %dma_start3A_15 = arith.constant 0 : i32
    %dma_start3A_16 = arith.constant 0 : i32
    %dma_start3A_17 = tpu.memref_slice %arg10[%dma_start3A_15, %dma_start3A_16] : memref<10240x64xf32, #tpu.memory_space<vmem_shared>> -> memref<10240x64xf32, #tpu.memory_space<vmem_shared>>
    tpu.enqueue_indirect_dma source(%dma_start3A_17 : memref<10240x64xf32, #tpu.memory_space<vmem_shared>>) target(%dma_start3A_11 : memref<256x64xf32, #tpu.memory_space<vmem>>) offsets(%dma_start3A_14 : memref<256xi32, #tpu.memory_space<vmem>>) semaphore(%arg12 : memref<!tpu.dma_semaphore, #tpu.memory_space<semaphore_mem>>)
    %scan3A = arith.constant 0 : i32
    %scan3A_18 = arith.constant 0 : i32
    %scan3A_19 = arith.constant 40 : i32
    %scan3A_20 = arith.addi %scan3A_18, %scan3A_19 : i32
    %scan3A_21 = arith.constant 1 : i32
    scf.for %scan3A_30 = %scan3A_18 to %scan3A_20 step %scan3A_21  : i32 {
      %jit3A = arith.constant 2 : i32
      %eq3A = arith.constant 0 : i32
      %eq3A_31 = arith.cmpi eq, %jit3A, %eq3A : i32
      %jit3A_32 = arith.constant 1 : i32
      %select_n3A = arith.select %eq3A_31, %jit3A_32, %jit3A : i32
      %rem3A = arith.remsi %scan3A_30, %select_n3A : i32
      %ne3A = arith.constant 0 : i32
      %ne3A_33 = arith.cmpi ne, %rem3A, %ne3A : i32
      %lt3A = arith.constant 0 : i32
      %lt3A_34 = arith.cmpi slt, %rem3A, %lt3A : i32
      %lt3A_35 = arith.constant 0 : i32
      %lt3A_36 = arith.cmpi slt, %select_n3A, %lt3A_35 : i32
      %ne3A_37 = arith.xori %lt3A_34, %lt3A_36 : i1
      %and3A = arith.andi %ne3A_37, %ne3A_33 : i1
      %add3A_38 = arith.addi %rem3A, %select_n3A : i32
      %select_n3A_39 = arith.select %and3A, %add3A_38, %rem3A : i32
      %dma_wait3A = arith.constant 0 : i32
      %dma_wait3A_40 = arith.constant 0 : i32
      %dma_wait3A_41 = tpu.memref_slice %arg9[%select_n3A_39, %dma_wait3A, %dma_wait3A_40] : memref<2x256x64xf32, #tpu.memory_space<vmem>> -> memref<1x256x64xf32, #tpu.memory_space<vmem>>
      %dma_wait3A_42 = tpu.memref_squeeze %dma_wait3A_41 : memref<1x256x64xf32, #tpu.memory_space<vmem>> -> memref<256x64xf32, #tpu.memory_space<vmem>>
      %dma_wait3A_43 = arith.constant 0 : i32
      %dma_wait3A_44 = arith.constant 0 : i32
      %dma_wait3A_45 = tpu.memref_slice %arg2[%dma_wait3A_43, %dma_wait3A_44] : memref<10240x64xf32, #tpu.memory_space<hbm>> -> memref<256x64xf32, #tpu.memory_space<hbm>>
      %dma_wait3A_46 = arith.constant 0 : i32
      %dma_wait3A_47 = arith.constant 0 : i32
      %dma_wait3A_48 = tpu.memref_slice %arg9[%select_n3A_39, %dma_wait3A_46, %dma_wait3A_47] : memref<2x256x64xf32, #tpu.memory_space<vmem>> -> memref<1x256x64xf32, #tpu.memory_space<vmem>>
      %dma_wait3A_49 = tpu.memref_squeeze %dma_wait3A_48 : memref<1x256x64xf32, #tpu.memory_space<vmem>> -> memref<256x64xf32, #tpu.memory_space<vmem>>
      %dma_wait3A_50 = arith.constant 0 : i32
      %dma_wait3A_51 = arith.constant 0 : i32
      %dma_wait3A_52 = tpu.memref_slice %arg2[%dma_wait3A_50, %dma_wait3A_51] : memref<10240x64xf32, #tpu.memory_space<hbm>> -> memref<256x64xf32, #tpu.memory_space<hbm>>
      tpu.wait_dma2 semaphore(%arg12 : memref<!tpu.dma_semaphore, #tpu.memory_space<semaphore_mem>>) src(%dma_wait3A_52 : memref<256x64xf32, #tpu.memory_space<hbm>>) dst(%dma_wait3A_49 : memref<256x64xf32, #tpu.memory_space<vmem>>)
      %eq3A_53 = arith.constant 19 : i32
      %eq3A_54 = arith.cmpi eq, %scan3A_30, %eq3A_53 : i32
      %convert_element_type3A = arith.extui %eq3A_54 : i1 to i32
      %cond3A = arith.constant 0 : i32
      %cond3A_55 = arith.cmpi ne, %convert_element_type3A, %cond3A : i32
      scf.if %cond3A_55 {
        "tpu.region"() ({
          %run_scoped3A = tpu.sem_alloc : memref<!tpu.dma_semaphore, #tpu.memory_space<semaphore_mem>>
          %dma_start3A_86 = arith.constant 20 : i32
          %dma_start3A_87 = arith.constant 0 : i32
          %dma_start3A_88 = tpu.memref_slice %arg3[%add3A, %dma_start3A_86, %dma_start3A_87] : memref<32x40x256xi32, #tpu.memory_space<hbm>> -> memref<1x20x256xi32, #tpu.memory_space<hbm>>
          %dma_start3A_89 = tpu.memref_squeeze %dma_start3A_88 : memref<1x20x256xi32, #tpu.memory_space<hbm>> -> memref<20x256xi32, #tpu.memory_space<hbm>>
          %dma_start3A_90 = arith.constant 20 : i32
          %dma_start3A_91 = arith.constant 0 : i32
          %dma_start3A_92 = tpu.memref_slice %arg3[%add3A, %dma_start3A_90, %dma_start3A_91] : memref<32x40x256xi32, #tpu.memory_space<hbm>> -> memref<1x20x256xi32, #tpu.memory_space<hbm>>
          %dma_start3A_93 = tpu.memref_squeeze %dma_start3A_92 : memref<1x20x256xi32, #tpu.memory_space<hbm>> -> memref<20x256xi32, #tpu.memory_space<hbm>>
          tpu.enqueue_dma source(%dma_start3A_93 : memref<20x256xi32, #tpu.memory_space<hbm>>) target(%arg7 : memref<20x256xi32, #tpu.memory_space<vmem>>) target_semaphore(%run_scoped3A : memref<!tpu.dma_semaphore, #tpu.memory_space<semaphore_mem>>)
          %dma_wait3A_94 = arith.constant 20 : i32
          %dma_wait3A_95 = arith.constant 0 : i32
          %dma_wait3A_96 = tpu.memref_slice %arg3[%add3A, %dma_wait3A_94, %dma_wait3A_95] : memref<32x40x256xi32, #tpu.memory_space<hbm>> -> memref<1x20x256xi32, #tpu.memory_space<hbm>>
          %dma_wait3A_97 = tpu.memref_squeeze %dma_wait3A_96 : memref<1x20x256xi32, #tpu.memory_space<hbm>> -> memref<20x256xi32, #tpu.memory_space<hbm>>
          %dma_wait3A_98 = arith.constant 20 : i32
          %dma_wait3A_99 = arith.constant 0 : i32
          %dma_wait3A_100 = tpu.memref_slice %arg3[%add3A, %dma_wait3A_98, %dma_wait3A_99] : memref<32x40x256xi32, #tpu.memory_space<hbm>> -> memref<1x20x256xi32, #tpu.memory_space<hbm>>
          %dma_wait3A_101 = tpu.memref_squeeze %dma_wait3A_100 : memref<1x20x256xi32, #tpu.memory_space<hbm>> -> memref<20x256xi32, #tpu.memory_space<hbm>>
          tpu.wait_dma2 semaphore(%run_scoped3A : memref<!tpu.dma_semaphore, #tpu.memory_space<semaphore_mem>>) src(%dma_wait3A_101 : memref<20x256xi32, #tpu.memory_space<hbm>>) dst(%arg7 : memref<20x256xi32, #tpu.memory_space<vmem>>)
          tpu.yield
        }) : () -> ()
      } else {
      }
      %add3A_56 = arith.constant 1 : i32
      %add3A_57 = arith.addi %scan3A_30, %add3A_56 : i32
      %lt3A_58 = arith.constant 40 : i32
      %lt3A_59 = arith.cmpi slt, %add3A_57, %lt3A_58 : i32
      %convert_element_type3A_60 = arith.extui %lt3A_59 : i1 to i32
      %cond3A_61 = arith.constant 0 : i32
      %cond3A_62 = arith.cmpi ne, %convert_element_type3A_60, %cond3A_61 : i32
      scf.if %cond3A_62 {
        %add3A_86 = arith.constant 1 : i32
        %add3A_87 = arith.addi %scan3A_30, %add3A_86 : i32
        %rem3A_88 = arith.constant 20 : i32
        %rem3A_89 = arith.remsi %add3A_87, %rem3A_88 : i32
        %add3A_90 = arith.constant 1 : i32
        %add3A_91 = arith.addi %scan3A_30, %add3A_90 : i32
        %jit3A_92 = arith.constant 2 : i32
        %eq3A_93 = arith.constant 0 : i32
        %eq3A_94 = arith.cmpi eq, %jit3A_92, %eq3A_93 : i32
        %jit3A_95 = arith.constant 1 : i32
        %select_n3A_96 = arith.select %eq3A_94, %jit3A_95, %jit3A_92 : i32
        %rem3A_97 = arith.remsi %add3A_91, %select_n3A_96 : i32
        %ne3A_98 = arith.constant 0 : i32
        %ne3A_99 = arith.cmpi ne, %rem3A_97, %ne3A_98 : i32
        %lt3A_100 = arith.constant 0 : i32
        %lt3A_101 = arith.cmpi slt, %rem3A_97, %lt3A_100 : i32
        %lt3A_102 = arith.constant 0 : i32
        %lt3A_103 = arith.cmpi slt, %select_n3A_96, %lt3A_102 : i32
        %ne3A_104 = arith.xori %lt3A_101, %lt3A_103 : i1
        %and3A_105 = arith.andi %ne3A_104, %ne3A_99 : i1
        %add3A_106 = arith.addi %rem3A_97, %select_n3A_96 : i32
        %select_n3A_107 = arith.select %and3A_105, %add3A_106, %rem3A_97 : i32
        %dma_start3A_108 = arith.constant 0 : i32
        %dma_start3A_109 = arith.constant 0 : i32
        %dma_start3A_110 = tpu.memref_slice %arg9[%select_n3A_107, %dma_start3A_108, %dma_start3A_109] : memref<2x256x64xf32, #tpu.memory_space<vmem>> -> memref<1x256x64xf32, #tpu.memory_space<vmem>>
        %dma_start3A_111 = tpu.memref_squeeze %dma_start3A_110 : memref<1x256x64xf32, #tpu.memory_space<vmem>> -> memref<256x64xf32, #tpu.memory_space<vmem>>
        %dma_start3A_112 = arith.constant 0 : i32
        %dma_start3A_113 = tpu.memref_slice %arg7[%rem3A_89, %dma_start3A_112] : memref<20x256xi32, #tpu.memory_space<vmem>> -> memref<1x256xi32, #tpu.memory_space<vmem>>
        %dma_start3A_114 = tpu.memref_squeeze %dma_start3A_113 : memref<1x256xi32, #tpu.memory_space<vmem>> -> memref<256xi32, #tpu.memory_space<vmem>>
        %dma_start3A_115 = arith.constant 0 : i32
        %dma_start3A_116 = arith.constant 0 : i32
        %dma_start3A_117 = tpu.memref_slice %arg10[%dma_start3A_115, %dma_start3A_116] : memref<10240x64xf32, #tpu.memory_space<vmem_shared>> -> memref<10240x64xf32, #tpu.memory_space<vmem_shared>>
        tpu.enqueue_indirect_dma source(%dma_start3A_117 : memref<10240x64xf32, #tpu.memory_space<vmem_shared>>) target(%dma_start3A_111 : memref<256x64xf32, #tpu.memory_space<vmem>>) offsets(%dma_start3A_114 : memref<256xi32, #tpu.memory_space<vmem>>) semaphore(%arg12 : memref<!tpu.dma_semaphore, #tpu.memory_space<semaphore_mem>>)
      } else {
      }
      %jit3A_63 = arith.constant 2 : i32
      %eq3A_64 = arith.constant 0 : i32
      %eq3A_65 = arith.cmpi eq, %jit3A_63, %eq3A_64 : i32
      %jit3A_66 = arith.constant 1 : i32
      %select_n3A_67 = arith.select %eq3A_65, %jit3A_66, %jit3A_63 : i32
      %rem3A_68 = arith.remsi %scan3A_30, %select_n3A_67 : i32
      %ne3A_69 = arith.constant 0 : i32
      %ne3A_70 = arith.cmpi ne, %rem3A_68, %ne3A_69 : i32
      %lt3A_71 = arith.constant 0 : i32
      %lt3A_72 = arith.cmpi slt, %rem3A_68, %lt3A_71 : i32
      %lt3A_73 = arith.constant 0 : i32
      %lt3A_74 = arith.cmpi slt, %select_n3A_67, %lt3A_73 : i32
      %ne3A_75 = arith.xori %lt3A_72, %lt3A_74 : i1
      %and3A_76 = arith.andi %ne3A_75, %ne3A_70 : i1
      %add3A_77 = arith.addi %rem3A_68, %select_n3A_67 : i32
      %select_n3A_78 = arith.select %and3A_76, %add3A_77, %rem3A_68 : i32
      %rem3A_79 = arith.constant 20 : i32
      %rem3A_80 = arith.remsi %scan3A_30, %rem3A_79 : i32
      "tpu.region"() ({
        %run_scoped3A = tpu.sem_alloc : memref<!tpu.dma_semaphore, #tpu.memory_space<semaphore_mem>>
        %dma_start3A_86 = arith.constant 0 : i32
        %dma_start3A_87 = arith.constant 0 : i32
        %dma_start3A_88 = tpu.memref_slice %arg9[%select_n3A_78, %dma_start3A_86, %dma_start3A_87] : memref<2x256x64xf32, #tpu.memory_space<vmem>> -> memref<1x256x64xf32, #tpu.memory_space<vmem>>
        %dma_start3A_89 = tpu.memref_squeeze %dma_start3A_88 : memref<1x256x64xf32, #tpu.memory_space<vmem>> -> memref<256x64xf32, #tpu.memory_space<vmem>>
        %dma_start3A_90 = arith.constant 0 : i32
        %dma_start3A_91 = tpu.memref_slice %arg8[%rem3A_80, %dma_start3A_90] : memref<20x256xi32, #tpu.memory_space<vmem>> -> memref<1x256xi32, #tpu.memory_space<vmem>>
        %dma_start3A_92 = tpu.memref_squeeze %dma_start3A_91 : memref<1x256xi32, #tpu.memory_space<vmem>> -> memref<256xi32, #tpu.memory_space<vmem>>
        %dma_start3A_93 = arith.constant 0 : i32
        %dma_start3A_94 = arith.constant 0 : i32
        %dma_start3A_95 = tpu.memref_slice %arg11[%dma_start3A_93, %dma_start3A_94] : memref<10304x64xf32, #tpu.memory_space<vmem_shared>> -> memref<10304x64xf32, #tpu.memory_space<vmem_shared>>
        tpu.enqueue_indirect_dma source(%dma_start3A_89 : memref<256x64xf32, #tpu.memory_space<vmem>>) target(%dma_start3A_95 : memref<10304x64xf32, #tpu.memory_space<vmem_shared>>) offsets(%dma_start3A_92 : memref<256xi32, #tpu.memory_space<vmem>>) semaphore(%run_scoped3A : memref<!tpu.dma_semaphore, #tpu.memory_space<semaphore_mem>>) {add = true}
        %dma_wait3A_96 = arith.constant 0 : i32
        %dma_wait3A_97 = arith.constant 0 : i32
        %dma_wait3A_98 = tpu.memref_slice %arg9[%select_n3A_78, %dma_wait3A_96, %dma_wait3A_97] : memref<2x256x64xf32, #tpu.memory_space<vmem>> -> memref<1x256x64xf32, #tpu.memory_space<vmem>>
        %dma_wait3A_99 = tpu.memref_squeeze %dma_wait3A_98 : memref<1x256x64xf32, #tpu.memory_space<vmem>> -> memref<256x64xf32, #tpu.memory_space<vmem>>
        %dma_wait3A_100 = arith.constant 0 : i32
        %dma_wait3A_101 = tpu.memref_slice %arg8[%rem3A_80, %dma_wait3A_100] : memref<20x256xi32, #tpu.memory_space<vmem>> -> memref<1x256xi32, #tpu.memory_space<vmem>>
        %dma_wait3A_102 = tpu.memref_squeeze %dma_wait3A_101 : memref<1x256xi32, #tpu.memory_space<vmem>> -> memref<256xi32, #tpu.memory_space<vmem>>
        %dma_wait3A_103 = arith.constant 0 : i32
        %dma_wait3A_104 = arith.constant 0 : i32
        %dma_wait3A_105 = tpu.memref_slice %arg11[%dma_wait3A_103, %dma_wait3A_104] : memref<10304x64xf32, #tpu.memory_space<vmem_shared>> -> memref<10304x64xf32, #tpu.memory_space<vmem_shared>>
        tpu.wait_indirect_dma semaphore(%run_scoped3A : memref<!tpu.dma_semaphore, #tpu.memory_space<semaphore_mem>>) src(%dma_wait3A_99 : memref<256x64xf32, #tpu.memory_space<vmem>>) dst(%dma_wait3A_105 : memref<10304x64xf32, #tpu.memory_space<vmem_shared>>)
        tpu.yield
      }) : () -> ()
      %eq3A_81 = arith.constant 19 : i32
      %eq3A_82 = arith.cmpi eq, %scan3A_30, %eq3A_81 : i32
      %convert_element_type3A_83 = arith.extui %eq3A_82 : i1 to i32
      %cond3A_84 = arith.constant 0 : i32
      %cond3A_85 = arith.cmpi ne, %convert_element_type3A_83, %cond3A_84 : i32
      scf.if %cond3A_85 {
        "tpu.region"() ({
          %run_scoped3A = tpu.sem_alloc : memref<!tpu.dma_semaphore, #tpu.memory_space<semaphore_mem>>
          %dma_start3A_86 = arith.constant 20 : i32
          %dma_start3A_87 = arith.constant 0 : i32
          %dma_start3A_88 = tpu.memref_slice %arg4[%add3A, %dma_start3A_86, %dma_start3A_87] : memref<32x40x256xi32, #tpu.memory_space<hbm>> -> memref<1x20x256xi32, #tpu.memory_space<hbm>>
          %dma_start3A_89 = tpu.memref_squeeze %dma_start3A_88 : memref<1x20x256xi32, #tpu.memory_space<hbm>> -> memref<20x256xi32, #tpu.memory_space<hbm>>
          %dma_start3A_90 = arith.constant 20 : i32
          %dma_start3A_91 = arith.constant 0 : i32
          %dma_start3A_92 = tpu.memref_slice %arg4[%add3A, %dma_start3A_90, %dma_start3A_91] : memref<32x40x256xi32, #tpu.memory_space<hbm>> -> memref<1x20x256xi32, #tpu.memory_space<hbm>>
          %dma_start3A_93 = tpu.memref_squeeze %dma_start3A_92 : memref<1x20x256xi32, #tpu.memory_space<hbm>> -> memref<20x256xi32, #tpu.memory_space<hbm>>
          tpu.enqueue_dma source(%dma_start3A_93 : memref<20x256xi32, #tpu.memory_space<hbm>>) target(%arg8 : memref<20x256xi32, #tpu.memory_space<vmem>>) target_semaphore(%run_scoped3A : memref<!tpu.dma_semaphore, #tpu.memory_space<semaphore_mem>>)
          %dma_wait3A_94 = arith.constant 20 : i32
          %dma_wait3A_95 = arith.constant 0 : i32
          %dma_wait3A_96 = tpu.memref_slice %arg4[%add3A, %dma_wait3A_94, %dma_wait3A_95] : memref<32x40x256xi32, #tpu.memory_space<hbm>> -> memref<1x20x256xi32, #tpu.memory_space<hbm>>
          %dma_wait3A_97 = tpu.memref_squeeze %dma_wait3A_96 : memref<1x20x256xi32, #tpu.memory_space<hbm>> -> memref<20x256xi32, #tpu.memory_space<hbm>>
          %dma_wait3A_98 = arith.constant 20 : i32
          %dma_wait3A_99 = arith.constant 0 : i32
          %dma_wait3A_100 = tpu.memref_slice %arg4[%add3A, %dma_wait3A_98, %dma_wait3A_99] : memref<32x40x256xi32, #tpu.memory_space<hbm>> -> memref<1x20x256xi32, #tpu.memory_space<hbm>>
          %dma_wait3A_101 = tpu.memref_squeeze %dma_wait3A_100 : memref<1x20x256xi32, #tpu.memory_space<hbm>> -> memref<20x256xi32, #tpu.memory_space<hbm>>
          tpu.wait_dma2 semaphore(%run_scoped3A : memref<!tpu.dma_semaphore, #tpu.memory_space<semaphore_mem>>) src(%dma_wait3A_101 : memref<20x256xi32, #tpu.memory_space<hbm>>) dst(%arg8 : memref<20x256xi32, #tpu.memory_space<vmem>>)
          tpu.yield
        }) : () -> ()
      } else {
      }
    }
    %scan3A_22 = arith.constant 40 : i32
    %barrier3A_23 = arith.constant 0 : index
    tpu.barrier barrier_id(%barrier3A_23)
    %mul3A_24 = arith.constant 640 : i32
    %mul3A_25 = arith.muli %arg1, %mul3A_24 : i32
    %mul3A_26 = arith.constant 640 : i32
    %mul3A_27 = arith.muli %arg1, %mul3A_26 : i32
    %mul3A_28 = arith.constant 64 : i32
    %mul3A_29 = arith.muli %arg0, %mul3A_28 : i32
    "tpu.region"() ({
      %run_scoped3A = tpu.sem_alloc : memref<!tpu.dma_semaphore, #tpu.memory_space<semaphore_mem>>
      %dma_start3A_30 = tpu.memref_slice %arg6[%mul3A_27, %mul3A_29] : memref<10240x128xf32, #tpu.memory_space<hbm>> -> memref<640x64xf32, #tpu.memory_space<hbm>>
      %dma_start3A_31 = arith.constant 0 : i32
      %dma_start3A_32 = tpu.memref_slice %arg11[%mul3A_25, %dma_start3A_31] : memref<10304x64xf32, #tpu.memory_space<vmem_shared>> -> memref<640x64xf32, #tpu.memory_space<vmem_shared>>
      tpu.enqueue_dma source(%dma_start3A_32 : memref<640x64xf32, #tpu.memory_space<vmem_shared>>) target(%dma_start3A_30 : memref<640x64xf32, #tpu.memory_space<hbm>>) target_semaphore(%run_scoped3A : memref<!tpu.dma_semaphore, #tpu.memory_space<semaphore_mem>>)
      %dma_wait3A = tpu.memref_slice %arg6[%mul3A_27, %mul3A_29] : memref<10240x128xf32, #tpu.memory_space<hbm>> -> memref<640x64xf32, #tpu.memory_space<hbm>>
      %dma_wait3A_33 = arith.constant 0 : i32
      %dma_wait3A_34 = tpu.memref_slice %arg11[%mul3A_25, %dma_wait3A_33] : memref<10304x64xf32, #tpu.memory_space<vmem_shared>> -> memref<640x64xf32, #tpu.memory_space<vmem_shared>>
      tpu.wait_dma2 semaphore(%run_scoped3A : memref<!tpu.dma_semaphore, #tpu.memory_space<semaphore_mem>>) src(%dma_wait3A_34 : memref<640x64xf32, #tpu.memory_space<vmem_shared>>) dst(%dma_wait3A : memref<640x64xf32, #tpu.memory_space<hbm>>)
      tpu.yield
    }) : () -> ()
    return
  }
}

#map = affine_map<(d0, d1) -> (0, 0, 0)>
#map1 = affine_map<(d0, d1) -> (0, 0)>
module attributes {stable_mosaic.version = 14 : i64} {
  func.func @k(%arg0: i32, %arg1: i32, %arg2: memref<32x40x256xi32, #tpu.memory_space<hbm>>, %arg3: memref<644x16xf32, #tpu.memory_space<hbm>>, %arg4: memref<256x16xf32, #tpu.memory_space<hbm>>, %arg5: memref<2x10240x16xf32, #tpu.memory_space<hbm>>, %arg6: memref<40x256xi32, #tpu.memory_space<vmem>>, %arg7: memref<256x16xf32, #tpu.memory_space<vmem>>, %arg8: memref<10304x16xf32, #tpu.memory_space<vmem_shared>>) attributes {dimension_semantics = [#tpu.dimension_semantics<core_parallel>, #tpu.dimension_semantics<subcore_parallel>], iteration_bounds = array<i64: 2, 16>, scalar_prefetch = 0 : i64, scratch_operands = 3 : i64, tpu.core_type = #tpu.core_type<sc_vector_subcore>, window_params = [{transform_indices = #map}, {transform_indices = #map1}, {transform_indices = #map1}, {transform_indices = #map}]} {
    %mul3A = arith.constant 16 : i32
    %mul3A_0 = arith.muli %arg0, %mul3A : i32
    %add3A = arith.addi %mul3A_0, %arg1 : i32
    "tpu.region"() ({
      %run_scoped3A = tpu.sem_alloc : memref<!tpu.dma_semaphore, #tpu.memory_space<semaphore_mem>>
      %dma_start3A = arith.constant 0 : i32
      %dma_start3A_13 = arith.constant 0 : i32
      %dma_start3A_14 = tpu.memref_slice %arg2[%add3A, %dma_start3A, %dma_start3A_13] : memref<32x40x256xi32, #tpu.memory_space<hbm>> -> memref<1x40x256xi32, #tpu.memory_space<hbm>>
      %dma_start3A_15 = tpu.memref_squeeze %dma_start3A_14 : memref<1x40x256xi32, #tpu.memory_space<hbm>> -> memref<40x256xi32, #tpu.memory_space<hbm>>
      %dma_start3A_16 = arith.constant 0 : i32
      %dma_start3A_17 = arith.constant 0 : i32
      %dma_start3A_18 = tpu.memref_slice %arg2[%add3A, %dma_start3A_16, %dma_start3A_17] : memref<32x40x256xi32, #tpu.memory_space<hbm>> -> memref<1x40x256xi32, #tpu.memory_space<hbm>>
      %dma_start3A_19 = tpu.memref_squeeze %dma_start3A_18 : memref<1x40x256xi32, #tpu.memory_space<hbm>> -> memref<40x256xi32, #tpu.memory_space<hbm>>
      tpu.enqueue_dma source(%dma_start3A_19 : memref<40x256xi32, #tpu.memory_space<hbm>>) target(%arg6 : memref<40x256xi32, #tpu.memory_space<vmem>>) target_semaphore(%run_scoped3A : memref<!tpu.dma_semaphore, #tpu.memory_space<semaphore_mem>>)
      %dma_wait3A = arith.constant 0 : i32
      %dma_wait3A_20 = arith.constant 0 : i32
      %dma_wait3A_21 = tpu.memref_slice %arg2[%add3A, %dma_wait3A, %dma_wait3A_20] : memref<32x40x256xi32, #tpu.memory_space<hbm>> -> memref<1x40x256xi32, #tpu.memory_space<hbm>>
      %dma_wait3A_22 = tpu.memref_squeeze %dma_wait3A_21 : memref<1x40x256xi32, #tpu.memory_space<hbm>> -> memref<40x256xi32, #tpu.memory_space<hbm>>
      %dma_wait3A_23 = arith.constant 0 : i32
      %dma_wait3A_24 = arith.constant 0 : i32
      %dma_wait3A_25 = tpu.memref_slice %arg2[%add3A, %dma_wait3A_23, %dma_wait3A_24] : memref<32x40x256xi32, #tpu.memory_space<hbm>> -> memref<1x40x256xi32, #tpu.memory_space<hbm>>
      %dma_wait3A_26 = tpu.memref_squeeze %dma_wait3A_25 : memref<1x40x256xi32, #tpu.memory_space<hbm>> -> memref<40x256xi32, #tpu.memory_space<hbm>>
      tpu.wait_dma2 semaphore(%run_scoped3A : memref<!tpu.dma_semaphore, #tpu.memory_space<semaphore_mem>>) src(%dma_wait3A_26 : memref<40x256xi32, #tpu.memory_space<hbm>>) dst(%arg6 : memref<40x256xi32, #tpu.memory_space<vmem>>)
      tpu.yield
    }) : () -> ()
    "tpu.region"() ({
      %run_scoped3A = tpu.sem_alloc : memref<!tpu.dma_semaphore, #tpu.memory_space<semaphore_mem>>
      tpu.enqueue_dma source(%arg4 : memref<256x16xf32, #tpu.memory_space<hbm>>) target(%arg7 : memref<256x16xf32, #tpu.memory_space<vmem>>) target_semaphore(%run_scoped3A : memref<!tpu.dma_semaphore, #tpu.memory_space<semaphore_mem>>)
      tpu.wait_dma2 semaphore(%run_scoped3A : memref<!tpu.dma_semaphore, #tpu.memory_space<semaphore_mem>>) src(%arg4 : memref<256x16xf32, #tpu.memory_space<hbm>>) dst(%arg7 : memref<256x16xf32, #tpu.memory_space<vmem>>)
      tpu.yield
    }) : () -> ()
    %mul3A_1 = arith.constant 644 : i32
    %mul3A_2 = arith.muli %arg1, %mul3A_1 : i32
    "tpu.region"() ({
      %run_scoped3A = tpu.sem_alloc : memref<!tpu.dma_semaphore, #tpu.memory_space<semaphore_mem>>
      %dma_start3A = arith.constant 0 : i32
      %dma_start3A_13 = tpu.memref_slice %arg8[%mul3A_2, %dma_start3A] : memref<10304x16xf32, #tpu.memory_space<vmem_shared>> -> memref<644x16xf32, #tpu.memory_space<vmem_shared>>
      tpu.enqueue_dma source(%arg3 : memref<644x16xf32, #tpu.memory_space<hbm>>) target(%dma_start3A_13 : memref<644x16xf32, #tpu.memory_space<vmem_shared>>) target_semaphore(%run_scoped3A : memref<!tpu.dma_semaphore, #tpu.memory_space<semaphore_mem>>)
      %dma_wait3A = arith.constant 0 : i32
      %dma_wait3A_14 = tpu.memref_slice %arg8[%mul3A_2, %dma_wait3A] : memref<10304x16xf32, #tpu.memory_space<vmem_shared>> -> memref<644x16xf32, #tpu.memory_space<vmem_shared>>
      tpu.wait_dma2 semaphore(%run_scoped3A : memref<!tpu.dma_semaphore, #tpu.memory_space<semaphore_mem>>) src(%arg3 : memref<644x16xf32, #tpu.memory_space<hbm>>) dst(%dma_wait3A_14 : memref<644x16xf32, #tpu.memory_space<vmem_shared>>)
      tpu.yield
    }) : () -> ()
    %barrier3A = arith.constant 0 : index
    tpu.barrier barrier_id(%barrier3A)
    %scan3A = arith.constant 0 : i32
    %scan3A_3 = arith.constant 0 : i32
    %scan3A_4 = arith.constant 40 : i32
    %scan3A_5 = arith.addi %scan3A_3, %scan3A_4 : i32
    %scan3A_6 = arith.constant 1 : i32
    scf.for %scan3A_13 = %scan3A_3 to %scan3A_5 step %scan3A_6  : i32 {
      "tpu.region"() ({
        %run_scoped3A = tpu.sem_alloc : memref<!tpu.dma_semaphore, #tpu.memory_space<semaphore_mem>>
        %dma_start3A = arith.constant 0 : i32
        %dma_start3A_14 = tpu.memref_slice %arg6[%scan3A_13, %dma_start3A] : memref<40x256xi32, #tpu.memory_space<vmem>> -> memref<1x256xi32, #tpu.memory_space<vmem>>
        %dma_start3A_15 = tpu.memref_squeeze %dma_start3A_14 : memref<1x256xi32, #tpu.memory_space<vmem>> -> memref<256xi32, #tpu.memory_space<vmem>>
        %dma_start3A_16 = arith.constant 0 : i32
        %dma_start3A_17 = arith.constant 0 : i32
        %dma_start3A_18 = tpu.memref_slice %arg8[%dma_start3A_16, %dma_start3A_17] : memref<10304x16xf32, #tpu.memory_space<vmem_shared>> -> memref<10304x16xf32, #tpu.memory_space<vmem_shared>>
        tpu.enqueue_indirect_dma source(%arg7 : memref<256x16xf32, #tpu.memory_space<vmem>>) target(%dma_start3A_18 : memref<10304x16xf32, #tpu.memory_space<vmem_shared>>) offsets(%dma_start3A_15 : memref<256xi32, #tpu.memory_space<vmem>>) semaphore(%run_scoped3A : memref<!tpu.dma_semaphore, #tpu.memory_space<semaphore_mem>>) {add = true}
        %dma_wait3A = arith.constant 0 : i32
        %dma_wait3A_19 = tpu.memref_slice %arg6[%scan3A_13, %dma_wait3A] : memref<40x256xi32, #tpu.memory_space<vmem>> -> memref<1x256xi32, #tpu.memory_space<vmem>>
        %dma_wait3A_20 = tpu.memref_squeeze %dma_wait3A_19 : memref<1x256xi32, #tpu.memory_space<vmem>> -> memref<256xi32, #tpu.memory_space<vmem>>
        %dma_wait3A_21 = arith.constant 0 : i32
        %dma_wait3A_22 = arith.constant 0 : i32
        %dma_wait3A_23 = tpu.memref_slice %arg8[%dma_wait3A_21, %dma_wait3A_22] : memref<10304x16xf32, #tpu.memory_space<vmem_shared>> -> memref<10304x16xf32, #tpu.memory_space<vmem_shared>>
        tpu.wait_indirect_dma semaphore(%run_scoped3A : memref<!tpu.dma_semaphore, #tpu.memory_space<semaphore_mem>>) src(%arg7 : memref<256x16xf32, #tpu.memory_space<vmem>>) dst(%dma_wait3A_23 : memref<10304x16xf32, #tpu.memory_space<vmem_shared>>)
        tpu.yield
      }) : () -> ()
    }
    %scan3A_7 = arith.constant 40 : i32
    %barrier3A_8 = arith.constant 0 : index
    tpu.barrier barrier_id(%barrier3A_8)
    %mul3A_9 = arith.constant 640 : i32
    %mul3A_10 = arith.muli %arg1, %mul3A_9 : i32
    %mul3A_11 = arith.constant 640 : i32
    %mul3A_12 = arith.muli %arg1, %mul3A_11 : i32
    "tpu.region"() ({
      %run_scoped3A = tpu.sem_alloc : memref<!tpu.dma_semaphore, #tpu.memory_space<semaphore_mem>>
      %dma_start3A = arith.constant 0 : i32
      %dma_start3A_13 = tpu.memref_slice %arg5[%arg0, %mul3A_12, %dma_start3A] : memref<2x10240x16xf32, #tpu.memory_space<hbm>> -> memref<1x640x16xf32, #tpu.memory_space<hbm>>
      %dma_start3A_14 = tpu.memref_squeeze %dma_start3A_13 : memref<1x640x16xf32, #tpu.memory_space<hbm>> -> memref<640x16xf32, #tpu.memory_space<hbm>>
      %dma_start3A_15 = arith.constant 0 : i32
      %dma_start3A_16 = tpu.memref_slice %arg8[%mul3A_10, %dma_start3A_15] : memref<10304x16xf32, #tpu.memory_space<vmem_shared>> -> memref<640x16xf32, #tpu.memory_space<vmem_shared>>
      tpu.enqueue_dma source(%dma_start3A_16 : memref<640x16xf32, #tpu.memory_space<vmem_shared>>) target(%dma_start3A_14 : memref<640x16xf32, #tpu.memory_space<hbm>>) target_semaphore(%run_scoped3A : memref<!tpu.dma_semaphore, #tpu.memory_space<semaphore_mem>>)
      %dma_wait3A = arith.constant 0 : i32
      %dma_wait3A_17 = tpu.memref_slice %arg5[%arg0, %mul3A_12, %dma_wait3A] : memref<2x10240x16xf32, #tpu.memory_space<hbm>> -> memref<1x640x16xf32, #tpu.memory_space<hbm>>
      %dma_wait3A_18 = tpu.memref_squeeze %dma_wait3A_17 : memref<1x640x16xf32, #tpu.memory_space<hbm>> -> memref<640x16xf32, #tpu.memory_space<hbm>>
      %dma_wait3A_19 = arith.constant 0 : i32
      %dma_wait3A_20 = tpu.memref_slice %arg8[%mul3A_10, %dma_wait3A_19] : memref<10304x16xf32, #tpu.memory_space<vmem_shared>> -> memref<640x16xf32, #tpu.memory_space<vmem_shared>>
      tpu.wait_dma2 semaphore(%run_scoped3A : memref<!tpu.dma_semaphore, #tpu.memory_space<semaphore_mem>>) src(%dma_wait3A_20 : memref<640x16xf32, #tpu.memory_space<vmem_shared>>) dst(%dma_wait3A_18 : memref<640x16xf32, #tpu.memory_space<hbm>>)
      tpu.yield
    }) : () -> ()
    return
  }
}

#map = affine_map<(d0, d1) -> (0, 0)>
#map1 = affine_map<(d0, d1) -> (0, 0, 0)>
module attributes {stable_mosaic.version = 14 : i64} {
  func.func @k(%arg0: i32, %arg1: i32, %arg2: memref<10240x64xf32, #tpu.memory_space<hbm>>, %arg3: memref<32x40x256xi32, #tpu.memory_space<hbm>>, %arg4: memref<32x40x256xi32, #tpu.memory_space<hbm>>, %arg5: memref<644x64xf32, #tpu.memory_space<hbm>>, %arg6: memref<10240x128xf32, #tpu.memory_space<hbm>>, %arg7: memref<20x256xi32, #tpu.memory_space<vmem>>, %arg8: memref<20x256xi32, #tpu.memory_space<vmem>>, %arg9: memref<2x256x64xf32, #tpu.memory_space<vmem>>, %arg10: memref<10240x64xf32, #tpu.memory_space<vmem_shared>>, %arg11: memref<10304x64xf32, #tpu.memory_space<vmem_shared>>, %arg12: memref<!tpu.dma_semaphore, #tpu.memory_space<semaphore_mem>>, %arg13: memref<!tpu.dma_semaphore, #tpu.memory_space<semaphore_mem>>) attributes {dimension_semantics = [#tpu.dimension_semantics<core_parallel>, #tpu.dimension_semantics<subcore_parallel>], iteration_bounds = array<i64: 2, 16>, scalar_prefetch = 0 : i64, scratch_operands = 7 : i64, tpu.core_type = #tpu.core_type<sc_vector_subcore>, window_params = [{transform_indices = #map}, {transform_indices = #map1}, {transform_indices = #map1}, {transform_indices = #map}, {transform_indices = #map}]} {
    %mul3A = arith.constant 16 : i32
    %mul3A_0 = arith.muli %arg0, %mul3A : i32
    %add3A = arith.addi %mul3A_0, %arg1 : i32
    "tpu.region"() ({
      %run_scoped3A = tpu.sem_alloc : memref<!tpu.dma_semaphore, #tpu.memory_space<semaphore_mem>>
      %dma_start3A_30 = arith.constant 0 : i32
      %dma_start3A_31 = arith.constant 0 : i32
      %dma_start3A_32 = tpu.memref_slice %arg3[%add3A, %dma_start3A_30, %dma_start3A_31] : memref<32x40x256xi32, #tpu.memory_space<hbm>> -> memref<1x20x256xi32, #tpu.memory_space<hbm>>
      %dma_start3A_33 = tpu.memref_squeeze %dma_start3A_32 : memref<1x20x256xi32, #tpu.memory_space<hbm>> -> memref<20x256xi32, #tpu.memory_space<hbm>>
      %dma_start3A_34 = arith.constant 0 : i32
      %dma_start3A_35 = arith.constant 0 : i32
      %dma_start3A_36 = tpu.memref_slice %arg3[%add3A, %dma_start3A_34, %dma_start3A_35] : memref<32x40x256xi32, #tpu.memory_space<hbm>> -> memref<1x20x256xi32, #tpu.memory_space<hbm>>
      %dma_start3A_37 = tpu.memref_squeeze %dma_start3A_36 : memref<1x20x256xi32, #tpu.memory_space<hbm>> -> memref<20x256xi32, #tpu.memory_space<hbm>>
      tpu.enqueue_dma source(%dma_start3A_37 : memref<20x256xi32, #tpu.memory_space<hbm>>) target(%arg7 : memref<20x256xi32, #tpu.memory_space<vmem>>) target_semaphore(%run_scoped3A : memref<!tpu.dma_semaphore, #tpu.memory_space<semaphore_mem>>)
      %dma_wait3A = arith.constant 0 : i32
      %dma_wait3A_38 = arith.constant 0 : i32
      %dma_wait3A_39 = tpu.memref_slice %arg3[%add3A, %dma_wait3A, %dma_wait3A_38] : memref<32x40x256xi32, #tpu.memory_space<hbm>> -> memref<1x20x256xi32, #tpu.memory_space<hbm>>
      %dma_wait3A_40 = tpu.memref_squeeze %dma_wait3A_39 : memref<1x20x256xi32, #tpu.memory_space<hbm>> -> memref<20x256xi32, #tpu.memory_space<hbm>>
      %dma_wait3A_41 = arith.constant 0 : i32
      %dma_wait3A_42 = arith.constant 0 : i32
      %dma_wait3A_43 = tpu.memref_slice %arg3[%add3A, %dma_wait3A_41, %dma_wait3A_42] : memref<32x40x256xi32, #tpu.memory_space<hbm>> -> memref<1x20x256xi32, #tpu.memory_space<hbm>>
      %dma_wait3A_44 = tpu.memref_squeeze %dma_wait3A_43 : memref<1x20x256xi32, #tpu.memory_space<hbm>> -> memref<20x256xi32, #tpu.memory_space<hbm>>
      tpu.wait_dma2 semaphore(%run_scoped3A : memref<!tpu.dma_semaphore, #tpu.memory_space<semaphore_mem>>) src(%dma_wait3A_44 : memref<20x256xi32, #tpu.memory_space<hbm>>) dst(%arg7 : memref<20x256xi32, #tpu.memory_space<vmem>>)
      tpu.yield
    }) : () -> ()
    "tpu.region"() ({
      %run_scoped3A = tpu.sem_alloc : memref<!tpu.dma_semaphore, #tpu.memory_space<semaphore_mem>>
      %dma_start3A_30 = arith.constant 0 : i32
      %dma_start3A_31 = arith.constant 0 : i32
      %dma_start3A_32 = tpu.memref_slice %arg4[%add3A, %dma_start3A_30, %dma_start3A_31] : memref<32x40x256xi32, #tpu.memory_space<hbm>> -> memref<1x20x256xi32, #tpu.memory_space<hbm>>
      %dma_start3A_33 = tpu.memref_squeeze %dma_start3A_32 : memref<1x20x256xi32, #tpu.memory_space<hbm>> -> memref<20x256xi32, #tpu.memory_space<hbm>>
      %dma_start3A_34 = arith.constant 0 : i32
      %dma_start3A_35 = arith.constant 0 : i32
      %dma_start3A_36 = tpu.memref_slice %arg4[%add3A, %dma_start3A_34, %dma_start3A_35] : memref<32x40x256xi32, #tpu.memory_space<hbm>> -> memref<1x20x256xi32, #tpu.memory_space<hbm>>
      %dma_start3A_37 = tpu.memref_squeeze %dma_start3A_36 : memref<1x20x256xi32, #tpu.memory_space<hbm>> -> memref<20x256xi32, #tpu.memory_space<hbm>>
      tpu.enqueue_dma source(%dma_start3A_37 : memref<20x256xi32, #tpu.memory_space<hbm>>) target(%arg8 : memref<20x256xi32, #tpu.memory_space<vmem>>) target_semaphore(%run_scoped3A : memref<!tpu.dma_semaphore, #tpu.memory_space<semaphore_mem>>)
      %dma_wait3A = arith.constant 0 : i32
      %dma_wait3A_38 = arith.constant 0 : i32
      %dma_wait3A_39 = tpu.memref_slice %arg4[%add3A, %dma_wait3A, %dma_wait3A_38] : memref<32x40x256xi32, #tpu.memory_space<hbm>> -> memref<1x20x256xi32, #tpu.memory_space<hbm>>
      %dma_wait3A_40 = tpu.memref_squeeze %dma_wait3A_39 : memref<1x20x256xi32, #tpu.memory_space<hbm>> -> memref<20x256xi32, #tpu.memory_space<hbm>>
      %dma_wait3A_41 = arith.constant 0 : i32
      %dma_wait3A_42 = arith.constant 0 : i32
      %dma_wait3A_43 = tpu.memref_slice %arg4[%add3A, %dma_wait3A_41, %dma_wait3A_42] : memref<32x40x256xi32, #tpu.memory_space<hbm>> -> memref<1x20x256xi32, #tpu.memory_space<hbm>>
      %dma_wait3A_44 = tpu.memref_squeeze %dma_wait3A_43 : memref<1x20x256xi32, #tpu.memory_space<hbm>> -> memref<20x256xi32, #tpu.memory_space<hbm>>
      tpu.wait_dma2 semaphore(%run_scoped3A : memref<!tpu.dma_semaphore, #tpu.memory_space<semaphore_mem>>) src(%dma_wait3A_44 : memref<20x256xi32, #tpu.memory_space<hbm>>) dst(%arg8 : memref<20x256xi32, #tpu.memory_space<vmem>>)
      tpu.yield
    }) : () -> ()
    %mul3A_1 = arith.constant 640 : i32
    %mul3A_2 = arith.muli %arg1, %mul3A_1 : i32
    %mul3A_3 = arith.constant 640 : i32
    %mul3A_4 = arith.muli %arg1, %mul3A_3 : i32
    "tpu.region"() ({
      %run_scoped3A = tpu.sem_alloc : memref<!tpu.dma_semaphore, #tpu.memory_space<semaphore_mem>>
      %dma_start3A_30 = arith.constant 0 : i32
      %dma_start3A_31 = tpu.memref_slice %arg10[%mul3A_4, %dma_start3A_30] : memref<10240x64xf32, #tpu.memory_space<vmem_shared>> -> memref<640x64xf32, #tpu.memory_space<vmem_shared>>
      %dma_start3A_32 = arith.constant 0 : i32
      %dma_start3A_33 = tpu.memref_slice %arg2[%mul3A_2, %dma_start3A_32] : memref<10240x64xf32, #tpu.memory_space<hbm>> -> memref<640x64xf32, #tpu.memory_space<hbm>>
      tpu.enqueue_dma source(%dma_start3A_33 : memref<640x64xf32, #tpu.memory_space<hbm>>) target(%dma_start3A_31 : memref<640x64xf32, #tpu.memory_space<vmem_shared>>) target_semaphore(%run_scoped3A : memref<!tpu.dma_semaphore, #tpu.memory_space<semaphore_mem>>)
      %dma_wait3A = arith.constant 0 : i32
      %dma_wait3A_34 = tpu.memref_slice %arg10[%mul3A_4, %dma_wait3A] : memref<10240x64xf32, #tpu.memory_space<vmem_shared>> -> memref<640x64xf32, #tpu.memory_space<vmem_shared>>
      %dma_wait3A_35 = arith.constant 0 : i32
      %dma_wait3A_36 = tpu.memref_slice %arg2[%mul3A_2, %dma_wait3A_35] : memref<10240x64xf32, #tpu.memory_space<hbm>> -> memref<640x64xf32, #tpu.memory_space<hbm>>
      tpu.wait_dma2 semaphore(%run_scoped3A : memref<!tpu.dma_semaphore, #tpu.memory_space<semaphore_mem>>) src(%dma_wait3A_36 : memref<640x64xf32, #tpu.memory_space<hbm>>) dst(%dma_wait3A_34 : memref<640x64xf32, #tpu.memory_space<vmem_shared>>)
      tpu.yield
    }) : () -> ()
    %mul3A_5 = arith.constant 644 : i32
    %mul3A_6 = arith.muli %arg1, %mul3A_5 : i32
    "tpu.region"() ({
      %run_scoped3A = tpu.sem_alloc : memref<!tpu.dma_semaphore, #tpu.memory_space<semaphore_mem>>
      %dma_start3A_30 = arith.constant 0 : i32
      %dma_start3A_31 = tpu.memref_slice %arg11[%mul3A_6, %dma_start3A_30] : memref<10304x64xf32, #tpu.memory_space<vmem_shared>> -> memref<644x64xf32, #tpu.memory_space<vmem_shared>>
      tpu.enqueue_dma source(%arg5 : memref<644x64xf32, #tpu.memory_space<hbm>>) target(%dma_start3A_31 : memref<644x64xf32, #tpu.memory_space<vmem_shared>>) target_semaphore(%run_scoped3A : memref<!tpu.dma_semaphore, #tpu.memory_space<semaphore_mem>>)
      %dma_wait3A = arith.constant 0 : i32
      %dma_wait3A_32 = tpu.memref_slice %arg11[%mul3A_6, %dma_wait3A] : memref<10304x64xf32, #tpu.memory_space<vmem_shared>> -> memref<644x64xf32, #tpu.memory_space<vmem_shared>>
      tpu.wait_dma2 semaphore(%run_scoped3A : memref<!tpu.dma_semaphore, #tpu.memory_space<semaphore_mem>>) src(%arg5 : memref<644x64xf32, #tpu.memory_space<hbm>>) dst(%dma_wait3A_32 : memref<644x64xf32, #tpu.memory_space<vmem_shared>>)
      tpu.yield
    }) : () -> ()
    %barrier3A = arith.constant 0 : index
    tpu.barrier barrier_id(%barrier3A)
    %dma_start3A = arith.constant 0 : i32
    %dma_start3A_7 = arith.constant 0 : i32
    %dma_start3A_8 = arith.constant 0 : i32
    %dma_start3A_9 = arith.constant 0 : i32
    %dma_start3A_10 = tpu.memref_slice %arg9[%dma_start3A_7, %dma_start3A_8, %dma_start3A_9] : memref<2x256x64xf32, #tpu.memory_space<vmem>> -> memref<1x256x64xf32, #tpu.memory_space<vmem>>
    %dma_start3A_11 = tpu.memref_squeeze %dma_start3A_10 : memref<1x256x64xf32, #tpu.memory_space<vmem>> -> memref<256x64xf32, #tpu.memory_space<vmem>>
    %dma_start3A_12 = arith.constant 0 : i32
    %dma_start3A_13 = tpu.memref_slice %arg7[%dma_start3A, %dma_start3A_12] : memref<20x256xi32, #tpu.memory_space<vmem>> -> memref<1x256xi32, #tpu.memory_space<vmem>>
    %dma_start3A_14 = tpu.memref_squeeze %dma_start3A_13 : memref<1x256xi32, #tpu.memory_space<vmem>> -> memref<256xi32, #tpu.memory_space<vmem>>
    %dma_start3A_15 = arith.constant 0 : i32
    %dma_start3A_16 = arith.constant 0 : i32
    %dma_start3A_17 = tpu.memref_slice %arg10[%dma_start3A_15, %dma_start3A_16] : memref<10240x64xf32, #tpu.memory_space<vmem_shared>> -> memref<10240x64xf32, #tpu.memory_space<vmem_shared>>
    tpu.enqueue_indirect_dma source(%dma_start3A_17 : memref<10240x64xf32, #tpu.memory_space<vmem_shared>>) target(%dma_start3A_11 : memref<256x64xf32, #tpu.memory_space<vmem>>) offsets(%dma_start3A_14 : memref<256xi32, #tpu.memory_space<vmem>>) semaphore(%arg12 : memref<!tpu.dma_semaphore, #tpu.memory_space<semaphore_mem>>)
    %scan3A = arith.constant 0 : i32
    %scan3A_18 = arith.constant 0 : i32
    %scan3A_19 = arith.constant 40 : i32
    %scan3A_20 = arith.addi %scan3A_18, %scan3A_19 : i32
    %scan3A_21 = arith.constant 1 : i32
    scf.for %scan3A_30 = %scan3A_18 to %scan3A_20 step %scan3A_21  : i32 {
      %jit3A = arith.constant 2 : i32
      %eq3A = arith.constant 0 : i32
      %eq3A_31 = arith.cmpi eq, %jit3A, %eq3A : i32
      %jit3A_32 = arith.constant 1 : i32
      %select_n3A = arith.select %eq3A_31, %jit3A_32, %jit3A : i32
      %rem3A = arith.remsi %scan3A_30, %select_n3A : i32
      %ne3A = arith.constant 0 : i32
      %ne3A_33 = arith.cmpi ne, %rem3A, %ne3A : i32
      %lt3A = arith.constant 0 : i32
      %lt3A_34 = arith.cmpi slt, %rem3A, %lt3A : i32
      %lt3A_35 = arith.constant 0 : i32
      %lt3A_36 = arith.cmpi slt, %select_n3A, %lt3A_35 : i32
      %ne3A_37 = arith.xori %lt3A_34, %lt3A_36 : i1
      %and3A = arith.andi %ne3A_37, %ne3A_33 : i1
      %add3A_38 = arith.addi %rem3A, %select_n3A : i32
      %select_n3A_39 = arith.select %and3A, %add3A_38, %rem3A : i32
      %dma_wait3A = arith.constant 0 : i32
      %dma_wait3A_40 = arith.constant 0 : i32
      %dma_wait3A_41 = tpu.memref_slice %arg9[%select_n3A_39, %dma_wait3A, %dma_wait3A_40] : memref<2x256x64xf32, #tpu.memory_space<vmem>> -> memref<1x256x64xf32, #tpu.memory_space<vmem>>
      %dma_wait3A_42 = tpu.memref_squeeze %dma_wait3A_41 : memref<1x256x64xf32, #tpu.memory_space<vmem>> -> memref<256x64xf32, #tpu.memory_space<vmem>>
      %dma_wait3A_43 = arith.constant 0 : i32
      %dma_wait3A_44 = arith.constant 0 : i32
      %dma_wait3A_45 = tpu.memref_slice %arg2[%dma_wait3A_43, %dma_wait3A_44] : memref<10240x64xf32, #tpu.memory_space<hbm>> -> memref<256x64xf32, #tpu.memory_space<hbm>>
      %dma_wait3A_46 = arith.constant 0 : i32
      %dma_wait3A_47 = arith.constant 0 : i32
      %dma_wait3A_48 = tpu.memref_slice %arg9[%select_n3A_39, %dma_wait3A_46, %dma_wait3A_47] : memref<2x256x64xf32, #tpu.memory_space<vmem>> -> memref<1x256x64xf32, #tpu.memory_space<vmem>>
      %dma_wait3A_49 = tpu.memref_squeeze %dma_wait3A_48 : memref<1x256x64xf32, #tpu.memory_space<vmem>> -> memref<256x64xf32, #tpu.memory_space<vmem>>
      %dma_wait3A_50 = arith.constant 0 : i32
      %dma_wait3A_51 = arith.constant 0 : i32
      %dma_wait3A_52 = tpu.memref_slice %arg2[%dma_wait3A_50, %dma_wait3A_51] : memref<10240x64xf32, #tpu.memory_space<hbm>> -> memref<256x64xf32, #tpu.memory_space<hbm>>
      tpu.wait_dma2 semaphore(%arg12 : memref<!tpu.dma_semaphore, #tpu.memory_space<semaphore_mem>>) src(%dma_wait3A_52 : memref<256x64xf32, #tpu.memory_space<hbm>>) dst(%dma_wait3A_49 : memref<256x64xf32, #tpu.memory_space<vmem>>)
      %eq3A_53 = arith.constant 19 : i32
      %eq3A_54 = arith.cmpi eq, %scan3A_30, %eq3A_53 : i32
      %convert_element_type3A = arith.extui %eq3A_54 : i1 to i32
      %cond3A = arith.constant 0 : i32
      %cond3A_55 = arith.cmpi ne, %convert_element_type3A, %cond3A : i32
      scf.if %cond3A_55 {
        "tpu.region"() ({
          %run_scoped3A = tpu.sem_alloc : memref<!tpu.dma_semaphore, #tpu.memory_space<semaphore_mem>>
          %dma_start3A_86 = arith.constant 20 : i32
          %dma_start3A_87 = arith.constant 0 : i32
          %dma_start3A_88 = tpu.memref_slice %arg3[%add3A, %dma_start3A_86, %dma_start3A_87] : memref<32x40x256xi32, #tpu.memory_space<hbm>> -> memref<1x20x256xi32, #tpu.memory_space<hbm>>
          %dma_start3A_89 = tpu.memref_squeeze %dma_start3A_88 : memref<1x20x256xi32, #tpu.memory_space<hbm>> -> memref<20x256xi32, #tpu.memory_space<hbm>>
          %dma_start3A_90 = arith.constant 20 : i32
          %dma_start3A_91 = arith.constant 0 : i32
          %dma_start3A_92 = tpu.memref_slice %arg3[%add3A, %dma_start3A_90, %dma_start3A_91] : memref<32x40x256xi32, #tpu.memory_space<hbm>> -> memref<1x20x256xi32, #tpu.memory_space<hbm>>
          %dma_start3A_93 = tpu.memref_squeeze %dma_start3A_92 : memref<1x20x256xi32, #tpu.memory_space<hbm>> -> memref<20x256xi32, #tpu.memory_space<hbm>>
          tpu.enqueue_dma source(%dma_start3A_93 : memref<20x256xi32, #tpu.memory_space<hbm>>) target(%arg7 : memref<20x256xi32, #tpu.memory_space<vmem>>) target_semaphore(%run_scoped3A : memref<!tpu.dma_semaphore, #tpu.memory_space<semaphore_mem>>)
          %dma_wait3A_94 = arith.constant 20 : i32
          %dma_wait3A_95 = arith.constant 0 : i32
          %dma_wait3A_96 = tpu.memref_slice %arg3[%add3A, %dma_wait3A_94, %dma_wait3A_95] : memref<32x40x256xi32, #tpu.memory_space<hbm>> -> memref<1x20x256xi32, #tpu.memory_space<hbm>>
          %dma_wait3A_97 = tpu.memref_squeeze %dma_wait3A_96 : memref<1x20x256xi32, #tpu.memory_space<hbm>> -> memref<20x256xi32, #tpu.memory_space<hbm>>
          %dma_wait3A_98 = arith.constant 20 : i32
          %dma_wait3A_99 = arith.constant 0 : i32
          %dma_wait3A_100 = tpu.memref_slice %arg3[%add3A, %dma_wait3A_98, %dma_wait3A_99] : memref<32x40x256xi32, #tpu.memory_space<hbm>> -> memref<1x20x256xi32, #tpu.memory_space<hbm>>
          %dma_wait3A_101 = tpu.memref_squeeze %dma_wait3A_100 : memref<1x20x256xi32, #tpu.memory_space<hbm>> -> memref<20x256xi32, #tpu.memory_space<hbm>>
          tpu.wait_dma2 semaphore(%run_scoped3A : memref<!tpu.dma_semaphore, #tpu.memory_space<semaphore_mem>>) src(%dma_wait3A_101 : memref<20x256xi32, #tpu.memory_space<hbm>>) dst(%arg7 : memref<20x256xi32, #tpu.memory_space<vmem>>)
          tpu.yield
        }) : () -> ()
      } else {
      }
      %add3A_56 = arith.constant 1 : i32
      %add3A_57 = arith.addi %scan3A_30, %add3A_56 : i32
      %lt3A_58 = arith.constant 40 : i32
      %lt3A_59 = arith.cmpi slt, %add3A_57, %lt3A_58 : i32
      %convert_element_type3A_60 = arith.extui %lt3A_59 : i1 to i32
      %cond3A_61 = arith.constant 0 : i32
      %cond3A_62 = arith.cmpi ne, %convert_element_type3A_60, %cond3A_61 : i32
      scf.if %cond3A_62 {
        %add3A_86 = arith.constant 1 : i32
        %add3A_87 = arith.addi %scan3A_30, %add3A_86 : i32
        %rem3A_88 = arith.constant 20 : i32
        %rem3A_89 = arith.remsi %add3A_87, %rem3A_88 : i32
        %add3A_90 = arith.constant 1 : i32
        %add3A_91 = arith.addi %scan3A_30, %add3A_90 : i32
        %jit3A_92 = arith.constant 2 : i32
        %eq3A_93 = arith.constant 0 : i32
        %eq3A_94 = arith.cmpi eq, %jit3A_92, %eq3A_93 : i32
        %jit3A_95 = arith.constant 1 : i32
        %select_n3A_96 = arith.select %eq3A_94, %jit3A_95, %jit3A_92 : i32
        %rem3A_97 = arith.remsi %add3A_91, %select_n3A_96 : i32
        %ne3A_98 = arith.constant 0 : i32
        %ne3A_99 = arith.cmpi ne, %rem3A_97, %ne3A_98 : i32
        %lt3A_100 = arith.constant 0 : i32
        %lt3A_101 = arith.cmpi slt, %rem3A_97, %lt3A_100 : i32
        %lt3A_102 = arith.constant 0 : i32
        %lt3A_103 = arith.cmpi slt, %select_n3A_96, %lt3A_102 : i32
        %ne3A_104 = arith.xori %lt3A_101, %lt3A_103 : i1
        %and3A_105 = arith.andi %ne3A_104, %ne3A_99 : i1
        %add3A_106 = arith.addi %rem3A_97, %select_n3A_96 : i32
        %select_n3A_107 = arith.select %and3A_105, %add3A_106, %rem3A_97 : i32
        %dma_start3A_108 = arith.constant 0 : i32
        %dma_start3A_109 = arith.constant 0 : i32
        %dma_start3A_110 = tpu.memref_slice %arg9[%select_n3A_107, %dma_start3A_108, %dma_start3A_109] : memref<2x256x64xf32, #tpu.memory_space<vmem>> -> memref<1x256x64xf32, #tpu.memory_space<vmem>>
        %dma_start3A_111 = tpu.memref_squeeze %dma_start3A_110 : memref<1x256x64xf32, #tpu.memory_space<vmem>> -> memref<256x64xf32, #tpu.memory_space<vmem>>
        %dma_start3A_112 = arith.constant 0 : i32
        %dma_start3A_113 = tpu.memref_slice %arg7[%rem3A_89, %dma_start3A_112] : memref<20x256xi32, #tpu.memory_space<vmem>> -> memref<1x256xi32, #tpu.memory_space<vmem>>
        %dma_start3A_114 = tpu.memref_squeeze %dma_start3A_113 : memref<1x256xi32, #tpu.memory_space<vmem>> -> memref<256xi32, #tpu.memory_space<vmem>>
        %dma_start3A_115 = arith.constant 0 : i32
        %dma_start3A_116 = arith.constant 0 : i32
        %dma_start3A_117 = tpu.memref_slice %arg10[%dma_start3A_115, %dma_start3A_116] : memref<10240x64xf32, #tpu.memory_space<vmem_shared>> -> memref<10240x64xf32, #tpu.memory_space<vmem_shared>>
        tpu.enqueue_indirect_dma source(%dma_start3A_117 : memref<10240x64xf32, #tpu.memory_space<vmem_shared>>) target(%dma_start3A_111 : memref<256x64xf32, #tpu.memory_space<vmem>>) offsets(%dma_start3A_114 : memref<256xi32, #tpu.memory_space<vmem>>) semaphore(%arg12 : memref<!tpu.dma_semaphore, #tpu.memory_space<semaphore_mem>>)
      } else {
      }
      %jit3A_63 = arith.constant 2 : i32
      %eq3A_64 = arith.constant 0 : i32
      %eq3A_65 = arith.cmpi eq, %jit3A_63, %eq3A_64 : i32
      %jit3A_66 = arith.constant 1 : i32
      %select_n3A_67 = arith.select %eq3A_65, %jit3A_66, %jit3A_63 : i32
      %rem3A_68 = arith.remsi %scan3A_30, %select_n3A_67 : i32
      %ne3A_69 = arith.constant 0 : i32
      %ne3A_70 = arith.cmpi ne, %rem3A_68, %ne3A_69 : i32
      %lt3A_71 = arith.constant 0 : i32
      %lt3A_72 = arith.cmpi slt, %rem3A_68, %lt3A_71 : i32
      %lt3A_73 = arith.constant 0 : i32
      %lt3A_74 = arith.cmpi slt, %select_n3A_67, %lt3A_73 : i32
      %ne3A_75 = arith.xori %lt3A_72, %lt3A_74 : i1
      %and3A_76 = arith.andi %ne3A_75, %ne3A_70 : i1
      %add3A_77 = arith.addi %rem3A_68, %select_n3A_67 : i32
      %select_n3A_78 = arith.select %and3A_76, %add3A_77, %rem3A_68 : i32
      %rem3A_79 = arith.constant 20 : i32
      %rem3A_80 = arith.remsi %scan3A_30, %rem3A_79 : i32
      "tpu.region"() ({
        %run_scoped3A = tpu.sem_alloc : memref<!tpu.dma_semaphore, #tpu.memory_space<semaphore_mem>>
        %dma_start3A_86 = arith.constant 0 : i32
        %dma_start3A_87 = arith.constant 0 : i32
        %dma_start3A_88 = tpu.memref_slice %arg9[%select_n3A_78, %dma_start3A_86, %dma_start3A_87] : memref<2x256x64xf32, #tpu.memory_space<vmem>> -> memref<1x256x64xf32, #tpu.memory_space<vmem>>
        %dma_start3A_89 = tpu.memref_squeeze %dma_start3A_88 : memref<1x256x64xf32, #tpu.memory_space<vmem>> -> memref<256x64xf32, #tpu.memory_space<vmem>>
        %dma_start3A_90 = arith.constant 0 : i32
        %dma_start3A_91 = tpu.memref_slice %arg8[%rem3A_80, %dma_start3A_90] : memref<20x256xi32, #tpu.memory_space<vmem>> -> memref<1x256xi32, #tpu.memory_space<vmem>>
        %dma_start3A_92 = tpu.memref_squeeze %dma_start3A_91 : memref<1x256xi32, #tpu.memory_space<vmem>> -> memref<256xi32, #tpu.memory_space<vmem>>
        %dma_start3A_93 = arith.constant 0 : i32
        %dma_start3A_94 = arith.constant 0 : i32
        %dma_start3A_95 = tpu.memref_slice %arg11[%dma_start3A_93, %dma_start3A_94] : memref<10304x64xf32, #tpu.memory_space<vmem_shared>> -> memref<10304x64xf32, #tpu.memory_space<vmem_shared>>
        tpu.enqueue_indirect_dma source(%dma_start3A_89 : memref<256x64xf32, #tpu.memory_space<vmem>>) target(%dma_start3A_95 : memref<10304x64xf32, #tpu.memory_space<vmem_shared>>) offsets(%dma_start3A_92 : memref<256xi32, #tpu.memory_space<vmem>>) semaphore(%run_scoped3A : memref<!tpu.dma_semaphore, #tpu.memory_space<semaphore_mem>>) {add = true}
        %dma_wait3A_96 = arith.constant 0 : i32
        %dma_wait3A_97 = arith.constant 0 : i32
        %dma_wait3A_98 = tpu.memref_slice %arg9[%select_n3A_78, %dma_wait3A_96, %dma_wait3A_97] : memref<2x256x64xf32, #tpu.memory_space<vmem>> -> memref<1x256x64xf32, #tpu.memory_space<vmem>>
        %dma_wait3A_99 = tpu.memref_squeeze %dma_wait3A_98 : memref<1x256x64xf32, #tpu.memory_space<vmem>> -> memref<256x64xf32, #tpu.memory_space<vmem>>
        %dma_wait3A_100 = arith.constant 0 : i32
        %dma_wait3A_101 = tpu.memref_slice %arg8[%rem3A_80, %dma_wait3A_100] : memref<20x256xi32, #tpu.memory_space<vmem>> -> memref<1x256xi32, #tpu.memory_space<vmem>>
        %dma_wait3A_102 = tpu.memref_squeeze %dma_wait3A_101 : memref<1x256xi32, #tpu.memory_space<vmem>> -> memref<256xi32, #tpu.memory_space<vmem>>
        %dma_wait3A_103 = arith.constant 0 : i32
        %dma_wait3A_104 = arith.constant 0 : i32
        %dma_wait3A_105 = tpu.memref_slice %arg11[%dma_wait3A_103, %dma_wait3A_104] : memref<10304x64xf32, #tpu.memory_space<vmem_shared>> -> memref<10304x64xf32, #tpu.memory_space<vmem_shared>>
        tpu.wait_indirect_dma semaphore(%run_scoped3A : memref<!tpu.dma_semaphore, #tpu.memory_space<semaphore_mem>>) src(%dma_wait3A_99 : memref<256x64xf32, #tpu.memory_space<vmem>>) dst(%dma_wait3A_105 : memref<10304x64xf32, #tpu.memory_space<vmem_shared>>)
        tpu.yield
      }) : () -> ()
      %eq3A_81 = arith.constant 19 : i32
      %eq3A_82 = arith.cmpi eq, %scan3A_30, %eq3A_81 : i32
      %convert_element_type3A_83 = arith.extui %eq3A_82 : i1 to i32
      %cond3A_84 = arith.constant 0 : i32
      %cond3A_85 = arith.cmpi ne, %convert_element_type3A_83, %cond3A_84 : i32
      scf.if %cond3A_85 {
        "tpu.region"() ({
          %run_scoped3A = tpu.sem_alloc : memref<!tpu.dma_semaphore, #tpu.memory_space<semaphore_mem>>
          %dma_start3A_86 = arith.constant 20 : i32
          %dma_start3A_87 = arith.constant 0 : i32
          %dma_start3A_88 = tpu.memref_slice %arg4[%add3A, %dma_start3A_86, %dma_start3A_87] : memref<32x40x256xi32, #tpu.memory_space<hbm>> -> memref<1x20x256xi32, #tpu.memory_space<hbm>>
          %dma_start3A_89 = tpu.memref_squeeze %dma_start3A_88 : memref<1x20x256xi32, #tpu.memory_space<hbm>> -> memref<20x256xi32, #tpu.memory_space<hbm>>
          %dma_start3A_90 = arith.constant 20 : i32
          %dma_start3A_91 = arith.constant 0 : i32
          %dma_start3A_92 = tpu.memref_slice %arg4[%add3A, %dma_start3A_90, %dma_start3A_91] : memref<32x40x256xi32, #tpu.memory_space<hbm>> -> memref<1x20x256xi32, #tpu.memory_space<hbm>>
          %dma_start3A_93 = tpu.memref_squeeze %dma_start3A_92 : memref<1x20x256xi32, #tpu.memory_space<hbm>> -> memref<20x256xi32, #tpu.memory_space<hbm>>
          tpu.enqueue_dma source(%dma_start3A_93 : memref<20x256xi32, #tpu.memory_space<hbm>>) target(%arg8 : memref<20x256xi32, #tpu.memory_space<vmem>>) target_semaphore(%run_scoped3A : memref<!tpu.dma_semaphore, #tpu.memory_space<semaphore_mem>>)
          %dma_wait3A_94 = arith.constant 20 : i32
          %dma_wait3A_95 = arith.constant 0 : i32
          %dma_wait3A_96 = tpu.memref_slice %arg4[%add3A, %dma_wait3A_94, %dma_wait3A_95] : memref<32x40x256xi32, #tpu.memory_space<hbm>> -> memref<1x20x256xi32, #tpu.memory_space<hbm>>
          %dma_wait3A_97 = tpu.memref_squeeze %dma_wait3A_96 : memref<1x20x256xi32, #tpu.memory_space<hbm>> -> memref<20x256xi32, #tpu.memory_space<hbm>>
          %dma_wait3A_98 = arith.constant 20 : i32
          %dma_wait3A_99 = arith.constant 0 : i32
          %dma_wait3A_100 = tpu.memref_slice %arg4[%add3A, %dma_wait3A_98, %dma_wait3A_99] : memref<32x40x256xi32, #tpu.memory_space<hbm>> -> memref<1x20x256xi32, #tpu.memory_space<hbm>>
          %dma_wait3A_101 = tpu.memref_squeeze %dma_wait3A_100 : memref<1x20x256xi32, #tpu.memory_space<hbm>> -> memref<20x256xi32, #tpu.memory_space<hbm>>
          tpu.wait_dma2 semaphore(%run_scoped3A : memref<!tpu.dma_semaphore, #tpu.memory_space<semaphore_mem>>) src(%dma_wait3A_101 : memref<20x256xi32, #tpu.memory_space<hbm>>) dst(%arg8 : memref<20x256xi32, #tpu.memory_space<vmem>>)
          tpu.yield
        }) : () -> ()
      } else {
      }
    }
    %scan3A_22 = arith.constant 40 : i32
    %barrier3A_23 = arith.constant 0 : index
    tpu.barrier barrier_id(%barrier3A_23)
    %mul3A_24 = arith.constant 640 : i32
    %mul3A_25 = arith.muli %arg1, %mul3A_24 : i32
    %mul3A_26 = arith.constant 640 : i32
    %mul3A_27 = arith.muli %arg1, %mul3A_26 : i32
    %mul3A_28 = arith.constant 64 : i32
    %mul3A_29 = arith.muli %arg0, %mul3A_28 : i32
    "tpu.region"() ({
      %run_scoped3A = tpu.sem_alloc : memref<!tpu.dma_semaphore, #tpu.memory_space<semaphore_mem>>
      %dma_start3A_30 = tpu.memref_slice %arg6[%mul3A_27, %mul3A_29] : memref<10240x128xf32, #tpu.memory_space<hbm>> -> memref<640x64xf32, #tpu.memory_space<hbm>>
      %dma_start3A_31 = arith.constant 0 : i32
      %dma_start3A_32 = tpu.memref_slice %arg11[%mul3A_25, %dma_start3A_31] : memref<10304x64xf32, #tpu.memory_space<vmem_shared>> -> memref<640x64xf32, #tpu.memory_space<vmem_shared>>
      tpu.enqueue_dma source(%dma_start3A_32 : memref<640x64xf32, #tpu.memory_space<vmem_shared>>) target(%dma_start3A_30 : memref<640x64xf32, #tpu.memory_space<hbm>>) target_semaphore(%run_scoped3A : memref<!tpu.dma_semaphore, #tpu.memory_space<semaphore_mem>>)
      %dma_wait3A = tpu.memref_slice %arg6[%mul3A_27, %mul3A_29] : memref<10240x128xf32, #tpu.memory_space<hbm>> -> memref<640x64xf32, #tpu.memory_space<hbm>>
      %dma_wait3A_33 = arith.constant 0 : i32
      %dma_wait3A_34 = tpu.memref_slice %arg11[%mul3A_25, %dma_wait3A_33] : memref<10304x64xf32, #tpu.memory_space<vmem_shared>> -> memref<640x64xf32, #tpu.memory_space<vmem_shared>>
      tpu.wait_dma2 semaphore(%run_scoped3A : memref<!tpu.dma_semaphore, #tpu.memory_space<semaphore_mem>>) src(%dma_wait3A_34 : memref<640x64xf32, #tpu.memory_space<vmem_shared>>) dst(%dma_wait3A : memref<640x64xf32, #tpu.memory_space<hbm>>)
      tpu.yield
    }) : () -> ()
    return
  }
}

#map = affine_map<(d0, d1) -> (0, 0)>
#map1 = affine_map<(d0, d1) -> (0, 0, 0)>
module attributes {stable_mosaic.version = 14 : i64} {
  func.func @k(%arg0: i32, %arg1: i32, %arg2: memref<10240x64xf32, #tpu.memory_space<hbm>>, %arg3: memref<32x40x256xi32, #tpu.memory_space<hbm>>, %arg4: memref<32x40x256xi32, #tpu.memory_space<hbm>>, %arg5: memref<644x64xf32, #tpu.memory_space<hbm>>, %arg6: memref<10240x128xf32, #tpu.memory_space<hbm>>, %arg7: memref<20x256xi32, #tpu.memory_space<vmem>>, %arg8: memref<20x256xi32, #tpu.memory_space<vmem>>, %arg9: memref<2x256x64xf32, #tpu.memory_space<vmem>>, %arg10: memref<10240x64xf32, #tpu.memory_space<vmem_shared>>, %arg11: memref<10304x64xf32, #tpu.memory_space<vmem_shared>>, %arg12: memref<!tpu.dma_semaphore, #tpu.memory_space<semaphore_mem>>, %arg13: memref<!tpu.dma_semaphore, #tpu.memory_space<semaphore_mem>>) attributes {dimension_semantics = [#tpu.dimension_semantics<core_parallel>, #tpu.dimension_semantics<subcore_parallel>], iteration_bounds = array<i64: 2, 16>, scalar_prefetch = 0 : i64, scratch_operands = 7 : i64, tpu.core_type = #tpu.core_type<sc_vector_subcore>, window_params = [{transform_indices = #map}, {transform_indices = #map1}, {transform_indices = #map1}, {transform_indices = #map}, {transform_indices = #map}]} {
    %mul3A = arith.constant 16 : i32
    %mul3A_0 = arith.muli %arg0, %mul3A : i32
    %add3A = arith.addi %mul3A_0, %arg1 : i32
    "tpu.region"() ({
      %run_scoped3A = tpu.sem_alloc : memref<!tpu.dma_semaphore, #tpu.memory_space<semaphore_mem>>
      %dma_start3A_30 = arith.constant 0 : i32
      %dma_start3A_31 = arith.constant 0 : i32
      %dma_start3A_32 = tpu.memref_slice %arg3[%add3A, %dma_start3A_30, %dma_start3A_31] : memref<32x40x256xi32, #tpu.memory_space<hbm>> -> memref<1x20x256xi32, #tpu.memory_space<hbm>>
      %dma_start3A_33 = tpu.memref_squeeze %dma_start3A_32 : memref<1x20x256xi32, #tpu.memory_space<hbm>> -> memref<20x256xi32, #tpu.memory_space<hbm>>
      %dma_start3A_34 = arith.constant 0 : i32
      %dma_start3A_35 = arith.constant 0 : i32
      %dma_start3A_36 = tpu.memref_slice %arg3[%add3A, %dma_start3A_34, %dma_start3A_35] : memref<32x40x256xi32, #tpu.memory_space<hbm>> -> memref<1x20x256xi32, #tpu.memory_space<hbm>>
      %dma_start3A_37 = tpu.memref_squeeze %dma_start3A_36 : memref<1x20x256xi32, #tpu.memory_space<hbm>> -> memref<20x256xi32, #tpu.memory_space<hbm>>
      tpu.enqueue_dma source(%dma_start3A_37 : memref<20x256xi32, #tpu.memory_space<hbm>>) target(%arg7 : memref<20x256xi32, #tpu.memory_space<vmem>>) target_semaphore(%run_scoped3A : memref<!tpu.dma_semaphore, #tpu.memory_space<semaphore_mem>>)
      %dma_wait3A = arith.constant 0 : i32
      %dma_wait3A_38 = arith.constant 0 : i32
      %dma_wait3A_39 = tpu.memref_slice %arg3[%add3A, %dma_wait3A, %dma_wait3A_38] : memref<32x40x256xi32, #tpu.memory_space<hbm>> -> memref<1x20x256xi32, #tpu.memory_space<hbm>>
      %dma_wait3A_40 = tpu.memref_squeeze %dma_wait3A_39 : memref<1x20x256xi32, #tpu.memory_space<hbm>> -> memref<20x256xi32, #tpu.memory_space<hbm>>
      %dma_wait3A_41 = arith.constant 0 : i32
      %dma_wait3A_42 = arith.constant 0 : i32
      %dma_wait3A_43 = tpu.memref_slice %arg3[%add3A, %dma_wait3A_41, %dma_wait3A_42] : memref<32x40x256xi32, #tpu.memory_space<hbm>> -> memref<1x20x256xi32, #tpu.memory_space<hbm>>
      %dma_wait3A_44 = tpu.memref_squeeze %dma_wait3A_43 : memref<1x20x256xi32, #tpu.memory_space<hbm>> -> memref<20x256xi32, #tpu.memory_space<hbm>>
      tpu.wait_dma2 semaphore(%run_scoped3A : memref<!tpu.dma_semaphore, #tpu.memory_space<semaphore_mem>>) src(%dma_wait3A_44 : memref<20x256xi32, #tpu.memory_space<hbm>>) dst(%arg7 : memref<20x256xi32, #tpu.memory_space<vmem>>)
      tpu.yield
    }) : () -> ()
    "tpu.region"() ({
      %run_scoped3A = tpu.sem_alloc : memref<!tpu.dma_semaphore, #tpu.memory_space<semaphore_mem>>
      %dma_start3A_30 = arith.constant 0 : i32
      %dma_start3A_31 = arith.constant 0 : i32
      %dma_start3A_32 = tpu.memref_slice %arg4[%add3A, %dma_start3A_30, %dma_start3A_31] : memref<32x40x256xi32, #tpu.memory_space<hbm>> -> memref<1x20x256xi32, #tpu.memory_space<hbm>>
      %dma_start3A_33 = tpu.memref_squeeze %dma_start3A_32 : memref<1x20x256xi32, #tpu.memory_space<hbm>> -> memref<20x256xi32, #tpu.memory_space<hbm>>
      %dma_start3A_34 = arith.constant 0 : i32
      %dma_start3A_35 = arith.constant 0 : i32
      %dma_start3A_36 = tpu.memref_slice %arg4[%add3A, %dma_start3A_34, %dma_start3A_35] : memref<32x40x256xi32, #tpu.memory_space<hbm>> -> memref<1x20x256xi32, #tpu.memory_space<hbm>>
      %dma_start3A_37 = tpu.memref_squeeze %dma_start3A_36 : memref<1x20x256xi32, #tpu.memory_space<hbm>> -> memref<20x256xi32, #tpu.memory_space<hbm>>
      tpu.enqueue_dma source(%dma_start3A_37 : memref<20x256xi32, #tpu.memory_space<hbm>>) target(%arg8 : memref<20x256xi32, #tpu.memory_space<vmem>>) target_semaphore(%run_scoped3A : memref<!tpu.dma_semaphore, #tpu.memory_space<semaphore_mem>>)
      %dma_wait3A = arith.constant 0 : i32
      %dma_wait3A_38 = arith.constant 0 : i32
      %dma_wait3A_39 = tpu.memref_slice %arg4[%add3A, %dma_wait3A, %dma_wait3A_38] : memref<32x40x256xi32, #tpu.memory_space<hbm>> -> memref<1x20x256xi32, #tpu.memory_space<hbm>>
      %dma_wait3A_40 = tpu.memref_squeeze %dma_wait3A_39 : memref<1x20x256xi32, #tpu.memory_space<hbm>> -> memref<20x256xi32, #tpu.memory_space<hbm>>
      %dma_wait3A_41 = arith.constant 0 : i32
      %dma_wait3A_42 = arith.constant 0 : i32
      %dma_wait3A_43 = tpu.memref_slice %arg4[%add3A, %dma_wait3A_41, %dma_wait3A_42] : memref<32x40x256xi32, #tpu.memory_space<hbm>> -> memref<1x20x256xi32, #tpu.memory_space<hbm>>
      %dma_wait3A_44 = tpu.memref_squeeze %dma_wait3A_43 : memref<1x20x256xi32, #tpu.memory_space<hbm>> -> memref<20x256xi32, #tpu.memory_space<hbm>>
      tpu.wait_dma2 semaphore(%run_scoped3A : memref<!tpu.dma_semaphore, #tpu.memory_space<semaphore_mem>>) src(%dma_wait3A_44 : memref<20x256xi32, #tpu.memory_space<hbm>>) dst(%arg8 : memref<20x256xi32, #tpu.memory_space<vmem>>)
      tpu.yield
    }) : () -> ()
    %mul3A_1 = arith.constant 640 : i32
    %mul3A_2 = arith.muli %arg1, %mul3A_1 : i32
    %mul3A_3 = arith.constant 640 : i32
    %mul3A_4 = arith.muli %arg1, %mul3A_3 : i32
    "tpu.region"() ({
      %run_scoped3A = tpu.sem_alloc : memref<!tpu.dma_semaphore, #tpu.memory_space<semaphore_mem>>
      %dma_start3A_30 = arith.constant 0 : i32
      %dma_start3A_31 = tpu.memref_slice %arg10[%mul3A_4, %dma_start3A_30] : memref<10240x64xf32, #tpu.memory_space<vmem_shared>> -> memref<640x64xf32, #tpu.memory_space<vmem_shared>>
      %dma_start3A_32 = arith.constant 0 : i32
      %dma_start3A_33 = tpu.memref_slice %arg2[%mul3A_2, %dma_start3A_32] : memref<10240x64xf32, #tpu.memory_space<hbm>> -> memref<640x64xf32, #tpu.memory_space<hbm>>
      tpu.enqueue_dma source(%dma_start3A_33 : memref<640x64xf32, #tpu.memory_space<hbm>>) target(%dma_start3A_31 : memref<640x64xf32, #tpu.memory_space<vmem_shared>>) target_semaphore(%run_scoped3A : memref<!tpu.dma_semaphore, #tpu.memory_space<semaphore_mem>>)
      %dma_wait3A = arith.constant 0 : i32
      %dma_wait3A_34 = tpu.memref_slice %arg10[%mul3A_4, %dma_wait3A] : memref<10240x64xf32, #tpu.memory_space<vmem_shared>> -> memref<640x64xf32, #tpu.memory_space<vmem_shared>>
      %dma_wait3A_35 = arith.constant 0 : i32
      %dma_wait3A_36 = tpu.memref_slice %arg2[%mul3A_2, %dma_wait3A_35] : memref<10240x64xf32, #tpu.memory_space<hbm>> -> memref<640x64xf32, #tpu.memory_space<hbm>>
      tpu.wait_dma2 semaphore(%run_scoped3A : memref<!tpu.dma_semaphore, #tpu.memory_space<semaphore_mem>>) src(%dma_wait3A_36 : memref<640x64xf32, #tpu.memory_space<hbm>>) dst(%dma_wait3A_34 : memref<640x64xf32, #tpu.memory_space<vmem_shared>>)
      tpu.yield
    }) : () -> ()
    %mul3A_5 = arith.constant 644 : i32
    %mul3A_6 = arith.muli %arg1, %mul3A_5 : i32
    "tpu.region"() ({
      %run_scoped3A = tpu.sem_alloc : memref<!tpu.dma_semaphore, #tpu.memory_space<semaphore_mem>>
      %dma_start3A_30 = arith.constant 0 : i32
      %dma_start3A_31 = tpu.memref_slice %arg11[%mul3A_6, %dma_start3A_30] : memref<10304x64xf32, #tpu.memory_space<vmem_shared>> -> memref<644x64xf32, #tpu.memory_space<vmem_shared>>
      tpu.enqueue_dma source(%arg5 : memref<644x64xf32, #tpu.memory_space<hbm>>) target(%dma_start3A_31 : memref<644x64xf32, #tpu.memory_space<vmem_shared>>) target_semaphore(%run_scoped3A : memref<!tpu.dma_semaphore, #tpu.memory_space<semaphore_mem>>)
      %dma_wait3A = arith.constant 0 : i32
      %dma_wait3A_32 = tpu.memref_slice %arg11[%mul3A_6, %dma_wait3A] : memref<10304x64xf32, #tpu.memory_space<vmem_shared>> -> memref<644x64xf32, #tpu.memory_space<vmem_shared>>
      tpu.wait_dma2 semaphore(%run_scoped3A : memref<!tpu.dma_semaphore, #tpu.memory_space<semaphore_mem>>) src(%arg5 : memref<644x64xf32, #tpu.memory_space<hbm>>) dst(%dma_wait3A_32 : memref<644x64xf32, #tpu.memory_space<vmem_shared>>)
      tpu.yield
    }) : () -> ()
    %barrier3A = arith.constant 0 : index
    tpu.barrier barrier_id(%barrier3A)
    %dma_start3A = arith.constant 0 : i32
    %dma_start3A_7 = arith.constant 0 : i32
    %dma_start3A_8 = arith.constant 0 : i32
    %dma_start3A_9 = arith.constant 0 : i32
    %dma_start3A_10 = tpu.memref_slice %arg9[%dma_start3A_7, %dma_start3A_8, %dma_start3A_9] : memref<2x256x64xf32, #tpu.memory_space<vmem>> -> memref<1x256x64xf32, #tpu.memory_space<vmem>>
    %dma_start3A_11 = tpu.memref_squeeze %dma_start3A_10 : memref<1x256x64xf32, #tpu.memory_space<vmem>> -> memref<256x64xf32, #tpu.memory_space<vmem>>
    %dma_start3A_12 = arith.constant 0 : i32
    %dma_start3A_13 = tpu.memref_slice %arg7[%dma_start3A, %dma_start3A_12] : memref<20x256xi32, #tpu.memory_space<vmem>> -> memref<1x256xi32, #tpu.memory_space<vmem>>
    %dma_start3A_14 = tpu.memref_squeeze %dma_start3A_13 : memref<1x256xi32, #tpu.memory_space<vmem>> -> memref<256xi32, #tpu.memory_space<vmem>>
    %dma_start3A_15 = arith.constant 0 : i32
    %dma_start3A_16 = arith.constant 0 : i32
    %dma_start3A_17 = tpu.memref_slice %arg10[%dma_start3A_15, %dma_start3A_16] : memref<10240x64xf32, #tpu.memory_space<vmem_shared>> -> memref<10240x64xf32, #tpu.memory_space<vmem_shared>>
    tpu.enqueue_indirect_dma source(%dma_start3A_17 : memref<10240x64xf32, #tpu.memory_space<vmem_shared>>) target(%dma_start3A_11 : memref<256x64xf32, #tpu.memory_space<vmem>>) offsets(%dma_start3A_14 : memref<256xi32, #tpu.memory_space<vmem>>) semaphore(%arg12 : memref<!tpu.dma_semaphore, #tpu.memory_space<semaphore_mem>>)
    %scan3A = arith.constant 0 : i32
    %scan3A_18 = arith.constant 0 : i32
    %scan3A_19 = arith.constant 40 : i32
    %scan3A_20 = arith.addi %scan3A_18, %scan3A_19 : i32
    %scan3A_21 = arith.constant 1 : i32
    scf.for %scan3A_30 = %scan3A_18 to %scan3A_20 step %scan3A_21  : i32 {
      %jit3A = arith.constant 2 : i32
      %eq3A = arith.constant 0 : i32
      %eq3A_31 = arith.cmpi eq, %jit3A, %eq3A : i32
      %jit3A_32 = arith.constant 1 : i32
      %select_n3A = arith.select %eq3A_31, %jit3A_32, %jit3A : i32
      %rem3A = arith.remsi %scan3A_30, %select_n3A : i32
      %ne3A = arith.constant 0 : i32
      %ne3A_33 = arith.cmpi ne, %rem3A, %ne3A : i32
      %lt3A = arith.constant 0 : i32
      %lt3A_34 = arith.cmpi slt, %rem3A, %lt3A : i32
      %lt3A_35 = arith.constant 0 : i32
      %lt3A_36 = arith.cmpi slt, %select_n3A, %lt3A_35 : i32
      %ne3A_37 = arith.xori %lt3A_34, %lt3A_36 : i1
      %and3A = arith.andi %ne3A_37, %ne3A_33 : i1
      %add3A_38 = arith.addi %rem3A, %select_n3A : i32
      %select_n3A_39 = arith.select %and3A, %add3A_38, %rem3A : i32
      %dma_wait3A = arith.constant 0 : i32
      %dma_wait3A_40 = arith.constant 0 : i32
      %dma_wait3A_41 = tpu.memref_slice %arg9[%select_n3A_39, %dma_wait3A, %dma_wait3A_40] : memref<2x256x64xf32, #tpu.memory_space<vmem>> -> memref<1x256x64xf32, #tpu.memory_space<vmem>>
      %dma_wait3A_42 = tpu.memref_squeeze %dma_wait3A_41 : memref<1x256x64xf32, #tpu.memory_space<vmem>> -> memref<256x64xf32, #tpu.memory_space<vmem>>
      %dma_wait3A_43 = arith.constant 0 : i32
      %dma_wait3A_44 = arith.constant 0 : i32
      %dma_wait3A_45 = tpu.memref_slice %arg2[%dma_wait3A_43, %dma_wait3A_44] : memref<10240x64xf32, #tpu.memory_space<hbm>> -> memref<256x64xf32, #tpu.memory_space<hbm>>
      %dma_wait3A_46 = arith.constant 0 : i32
      %dma_wait3A_47 = arith.constant 0 : i32
      %dma_wait3A_48 = tpu.memref_slice %arg9[%select_n3A_39, %dma_wait3A_46, %dma_wait3A_47] : memref<2x256x64xf32, #tpu.memory_space<vmem>> -> memref<1x256x64xf32, #tpu.memory_space<vmem>>
      %dma_wait3A_49 = tpu.memref_squeeze %dma_wait3A_48 : memref<1x256x64xf32, #tpu.memory_space<vmem>> -> memref<256x64xf32, #tpu.memory_space<vmem>>
      %dma_wait3A_50 = arith.constant 0 : i32
      %dma_wait3A_51 = arith.constant 0 : i32
      %dma_wait3A_52 = tpu.memref_slice %arg2[%dma_wait3A_50, %dma_wait3A_51] : memref<10240x64xf32, #tpu.memory_space<hbm>> -> memref<256x64xf32, #tpu.memory_space<hbm>>
      tpu.wait_dma2 semaphore(%arg12 : memref<!tpu.dma_semaphore, #tpu.memory_space<semaphore_mem>>) src(%dma_wait3A_52 : memref<256x64xf32, #tpu.memory_space<hbm>>) dst(%dma_wait3A_49 : memref<256x64xf32, #tpu.memory_space<vmem>>)
      %eq3A_53 = arith.constant 19 : i32
      %eq3A_54 = arith.cmpi eq, %scan3A_30, %eq3A_53 : i32
      %convert_element_type3A = arith.extui %eq3A_54 : i1 to i32
      %cond3A = arith.constant 0 : i32
      %cond3A_55 = arith.cmpi ne, %convert_element_type3A, %cond3A : i32
      scf.if %cond3A_55 {
        "tpu.region"() ({
          %run_scoped3A = tpu.sem_alloc : memref<!tpu.dma_semaphore, #tpu.memory_space<semaphore_mem>>
          %dma_start3A_86 = arith.constant 20 : i32
          %dma_start3A_87 = arith.constant 0 : i32
          %dma_start3A_88 = tpu.memref_slice %arg3[%add3A, %dma_start3A_86, %dma_start3A_87] : memref<32x40x256xi32, #tpu.memory_space<hbm>> -> memref<1x20x256xi32, #tpu.memory_space<hbm>>
          %dma_start3A_89 = tpu.memref_squeeze %dma_start3A_88 : memref<1x20x256xi32, #tpu.memory_space<hbm>> -> memref<20x256xi32, #tpu.memory_space<hbm>>
          %dma_start3A_90 = arith.constant 20 : i32
          %dma_start3A_91 = arith.constant 0 : i32
          %dma_start3A_92 = tpu.memref_slice %arg3[%add3A, %dma_start3A_90, %dma_start3A_91] : memref<32x40x256xi32, #tpu.memory_space<hbm>> -> memref<1x20x256xi32, #tpu.memory_space<hbm>>
          %dma_start3A_93 = tpu.memref_squeeze %dma_start3A_92 : memref<1x20x256xi32, #tpu.memory_space<hbm>> -> memref<20x256xi32, #tpu.memory_space<hbm>>
          tpu.enqueue_dma source(%dma_start3A_93 : memref<20x256xi32, #tpu.memory_space<hbm>>) target(%arg7 : memref<20x256xi32, #tpu.memory_space<vmem>>) target_semaphore(%run_scoped3A : memref<!tpu.dma_semaphore, #tpu.memory_space<semaphore_mem>>)
          %dma_wait3A_94 = arith.constant 20 : i32
          %dma_wait3A_95 = arith.constant 0 : i32
          %dma_wait3A_96 = tpu.memref_slice %arg3[%add3A, %dma_wait3A_94, %dma_wait3A_95] : memref<32x40x256xi32, #tpu.memory_space<hbm>> -> memref<1x20x256xi32, #tpu.memory_space<hbm>>
          %dma_wait3A_97 = tpu.memref_squeeze %dma_wait3A_96 : memref<1x20x256xi32, #tpu.memory_space<hbm>> -> memref<20x256xi32, #tpu.memory_space<hbm>>
          %dma_wait3A_98 = arith.constant 20 : i32
          %dma_wait3A_99 = arith.constant 0 : i32
          %dma_wait3A_100 = tpu.memref_slice %arg3[%add3A, %dma_wait3A_98, %dma_wait3A_99] : memref<32x40x256xi32, #tpu.memory_space<hbm>> -> memref<1x20x256xi32, #tpu.memory_space<hbm>>
          %dma_wait3A_101 = tpu.memref_squeeze %dma_wait3A_100 : memref<1x20x256xi32, #tpu.memory_space<hbm>> -> memref<20x256xi32, #tpu.memory_space<hbm>>
          tpu.wait_dma2 semaphore(%run_scoped3A : memref<!tpu.dma_semaphore, #tpu.memory_space<semaphore_mem>>) src(%dma_wait3A_101 : memref<20x256xi32, #tpu.memory_space<hbm>>) dst(%arg7 : memref<20x256xi32, #tpu.memory_space<vmem>>)
          tpu.yield
        }) : () -> ()
      } else {
      }
      %add3A_56 = arith.constant 1 : i32
      %add3A_57 = arith.addi %scan3A_30, %add3A_56 : i32
      %lt3A_58 = arith.constant 40 : i32
      %lt3A_59 = arith.cmpi slt, %add3A_57, %lt3A_58 : i32
      %convert_element_type3A_60 = arith.extui %lt3A_59 : i1 to i32
      %cond3A_61 = arith.constant 0 : i32
      %cond3A_62 = arith.cmpi ne, %convert_element_type3A_60, %cond3A_61 : i32
      scf.if %cond3A_62 {
        %add3A_86 = arith.constant 1 : i32
        %add3A_87 = arith.addi %scan3A_30, %add3A_86 : i32
        %rem3A_88 = arith.constant 20 : i32
        %rem3A_89 = arith.remsi %add3A_87, %rem3A_88 : i32
        %add3A_90 = arith.constant 1 : i32
        %add3A_91 = arith.addi %scan3A_30, %add3A_90 : i32
        %jit3A_92 = arith.constant 2 : i32
        %eq3A_93 = arith.constant 0 : i32
        %eq3A_94 = arith.cmpi eq, %jit3A_92, %eq3A_93 : i32
        %jit3A_95 = arith.constant 1 : i32
        %select_n3A_96 = arith.select %eq3A_94, %jit3A_95, %jit3A_92 : i32
        %rem3A_97 = arith.remsi %add3A_91, %select_n3A_96 : i32
        %ne3A_98 = arith.constant 0 : i32
        %ne3A_99 = arith.cmpi ne, %rem3A_97, %ne3A_98 : i32
        %lt3A_100 = arith.constant 0 : i32
        %lt3A_101 = arith.cmpi slt, %rem3A_97, %lt3A_100 : i32
        %lt3A_102 = arith.constant 0 : i32
        %lt3A_103 = arith.cmpi slt, %select_n3A_96, %lt3A_102 : i32
        %ne3A_104 = arith.xori %lt3A_101, %lt3A_103 : i1
        %and3A_105 = arith.andi %ne3A_104, %ne3A_99 : i1
        %add3A_106 = arith.addi %rem3A_97, %select_n3A_96 : i32
        %select_n3A_107 = arith.select %and3A_105, %add3A_106, %rem3A_97 : i32
        %dma_start3A_108 = arith.constant 0 : i32
        %dma_start3A_109 = arith.constant 0 : i32
        %dma_start3A_110 = tpu.memref_slice %arg9[%select_n3A_107, %dma_start3A_108, %dma_start3A_109] : memref<2x256x64xf32, #tpu.memory_space<vmem>> -> memref<1x256x64xf32, #tpu.memory_space<vmem>>
        %dma_start3A_111 = tpu.memref_squeeze %dma_start3A_110 : memref<1x256x64xf32, #tpu.memory_space<vmem>> -> memref<256x64xf32, #tpu.memory_space<vmem>>
        %dma_start3A_112 = arith.constant 0 : i32
        %dma_start3A_113 = tpu.memref_slice %arg7[%rem3A_89, %dma_start3A_112] : memref<20x256xi32, #tpu.memory_space<vmem>> -> memref<1x256xi32, #tpu.memory_space<vmem>>
        %dma_start3A_114 = tpu.memref_squeeze %dma_start3A_113 : memref<1x256xi32, #tpu.memory_space<vmem>> -> memref<256xi32, #tpu.memory_space<vmem>>
        %dma_start3A_115 = arith.constant 0 : i32
        %dma_start3A_116 = arith.constant 0 : i32
        %dma_start3A_117 = tpu.memref_slice %arg10[%dma_start3A_115, %dma_start3A_116] : memref<10240x64xf32, #tpu.memory_space<vmem_shared>> -> memref<10240x64xf32, #tpu.memory_space<vmem_shared>>
        tpu.enqueue_indirect_dma source(%dma_start3A_117 : memref<10240x64xf32, #tpu.memory_space<vmem_shared>>) target(%dma_start3A_111 : memref<256x64xf32, #tpu.memory_space<vmem>>) offsets(%dma_start3A_114 : memref<256xi32, #tpu.memory_space<vmem>>) semaphore(%arg12 : memref<!tpu.dma_semaphore, #tpu.memory_space<semaphore_mem>>)
      } else {
      }
      %jit3A_63 = arith.constant 2 : i32
      %eq3A_64 = arith.constant 0 : i32
      %eq3A_65 = arith.cmpi eq, %jit3A_63, %eq3A_64 : i32
      %jit3A_66 = arith.constant 1 : i32
      %select_n3A_67 = arith.select %eq3A_65, %jit3A_66, %jit3A_63 : i32
      %rem3A_68 = arith.remsi %scan3A_30, %select_n3A_67 : i32
      %ne3A_69 = arith.constant 0 : i32
      %ne3A_70 = arith.cmpi ne, %rem3A_68, %ne3A_69 : i32
      %lt3A_71 = arith.constant 0 : i32
      %lt3A_72 = arith.cmpi slt, %rem3A_68, %lt3A_71 : i32
      %lt3A_73 = arith.constant 0 : i32
      %lt3A_74 = arith.cmpi slt, %select_n3A_67, %lt3A_73 : i32
      %ne3A_75 = arith.xori %lt3A_72, %lt3A_74 : i1
      %and3A_76 = arith.andi %ne3A_75, %ne3A_70 : i1
      %add3A_77 = arith.addi %rem3A_68, %select_n3A_67 : i32
      %select_n3A_78 = arith.select %and3A_76, %add3A_77, %rem3A_68 : i32
      %rem3A_79 = arith.constant 20 : i32
      %rem3A_80 = arith.remsi %scan3A_30, %rem3A_79 : i32
      "tpu.region"() ({
        %run_scoped3A = tpu.sem_alloc : memref<!tpu.dma_semaphore, #tpu.memory_space<semaphore_mem>>
        %dma_start3A_86 = arith.constant 0 : i32
        %dma_start3A_87 = arith.constant 0 : i32
        %dma_start3A_88 = tpu.memref_slice %arg9[%select_n3A_78, %dma_start3A_86, %dma_start3A_87] : memref<2x256x64xf32, #tpu.memory_space<vmem>> -> memref<1x256x64xf32, #tpu.memory_space<vmem>>
        %dma_start3A_89 = tpu.memref_squeeze %dma_start3A_88 : memref<1x256x64xf32, #tpu.memory_space<vmem>> -> memref<256x64xf32, #tpu.memory_space<vmem>>
        %dma_start3A_90 = arith.constant 0 : i32
        %dma_start3A_91 = tpu.memref_slice %arg8[%rem3A_80, %dma_start3A_90] : memref<20x256xi32, #tpu.memory_space<vmem>> -> memref<1x256xi32, #tpu.memory_space<vmem>>
        %dma_start3A_92 = tpu.memref_squeeze %dma_start3A_91 : memref<1x256xi32, #tpu.memory_space<vmem>> -> memref<256xi32, #tpu.memory_space<vmem>>
        %dma_start3A_93 = arith.constant 0 : i32
        %dma_start3A_94 = arith.constant 0 : i32
        %dma_start3A_95 = tpu.memref_slice %arg11[%dma_start3A_93, %dma_start3A_94] : memref<10304x64xf32, #tpu.memory_space<vmem_shared>> -> memref<10304x64xf32, #tpu.memory_space<vmem_shared>>
        tpu.enqueue_indirect_dma source(%dma_start3A_89 : memref<256x64xf32, #tpu.memory_space<vmem>>) target(%dma_start3A_95 : memref<10304x64xf32, #tpu.memory_space<vmem_shared>>) offsets(%dma_start3A_92 : memref<256xi32, #tpu.memory_space<vmem>>) semaphore(%run_scoped3A : memref<!tpu.dma_semaphore, #tpu.memory_space<semaphore_mem>>) {add = true}
        %dma_wait3A_96 = arith.constant 0 : i32
        %dma_wait3A_97 = arith.constant 0 : i32
        %dma_wait3A_98 = tpu.memref_slice %arg9[%select_n3A_78, %dma_wait3A_96, %dma_wait3A_97] : memref<2x256x64xf32, #tpu.memory_space<vmem>> -> memref<1x256x64xf32, #tpu.memory_space<vmem>>
        %dma_wait3A_99 = tpu.memref_squeeze %dma_wait3A_98 : memref<1x256x64xf32, #tpu.memory_space<vmem>> -> memref<256x64xf32, #tpu.memory_space<vmem>>
        %dma_wait3A_100 = arith.constant 0 : i32
        %dma_wait3A_101 = tpu.memref_slice %arg8[%rem3A_80, %dma_wait3A_100] : memref<20x256xi32, #tpu.memory_space<vmem>> -> memref<1x256xi32, #tpu.memory_space<vmem>>
        %dma_wait3A_102 = tpu.memref_squeeze %dma_wait3A_101 : memref<1x256xi32, #tpu.memory_space<vmem>> -> memref<256xi32, #tpu.memory_space<vmem>>
        %dma_wait3A_103 = arith.constant 0 : i32
        %dma_wait3A_104 = arith.constant 0 : i32
        %dma_wait3A_105 = tpu.memref_slice %arg11[%dma_wait3A_103, %dma_wait3A_104] : memref<10304x64xf32, #tpu.memory_space<vmem_shared>> -> memref<10304x64xf32, #tpu.memory_space<vmem_shared>>
        tpu.wait_indirect_dma semaphore(%run_scoped3A : memref<!tpu.dma_semaphore, #tpu.memory_space<semaphore_mem>>) src(%dma_wait3A_99 : memref<256x64xf32, #tpu.memory_space<vmem>>) dst(%dma_wait3A_105 : memref<10304x64xf32, #tpu.memory_space<vmem_shared>>)
        tpu.yield
      }) : () -> ()
      %eq3A_81 = arith.constant 19 : i32
      %eq3A_82 = arith.cmpi eq, %scan3A_30, %eq3A_81 : i32
      %convert_element_type3A_83 = arith.extui %eq3A_82 : i1 to i32
      %cond3A_84 = arith.constant 0 : i32
      %cond3A_85 = arith.cmpi ne, %convert_element_type3A_83, %cond3A_84 : i32
      scf.if %cond3A_85 {
        "tpu.region"() ({
          %run_scoped3A = tpu.sem_alloc : memref<!tpu.dma_semaphore, #tpu.memory_space<semaphore_mem>>
          %dma_start3A_86 = arith.constant 20 : i32
          %dma_start3A_87 = arith.constant 0 : i32
          %dma_start3A_88 = tpu.memref_slice %arg4[%add3A, %dma_start3A_86, %dma_start3A_87] : memref<32x40x256xi32, #tpu.memory_space<hbm>> -> memref<1x20x256xi32, #tpu.memory_space<hbm>>
          %dma_start3A_89 = tpu.memref_squeeze %dma_start3A_88 : memref<1x20x256xi32, #tpu.memory_space<hbm>> -> memref<20x256xi32, #tpu.memory_space<hbm>>
          %dma_start3A_90 = arith.constant 20 : i32
          %dma_start3A_91 = arith.constant 0 : i32
          %dma_start3A_92 = tpu.memref_slice %arg4[%add3A, %dma_start3A_90, %dma_start3A_91] : memref<32x40x256xi32, #tpu.memory_space<hbm>> -> memref<1x20x256xi32, #tpu.memory_space<hbm>>
          %dma_start3A_93 = tpu.memref_squeeze %dma_start3A_92 : memref<1x20x256xi32, #tpu.memory_space<hbm>> -> memref<20x256xi32, #tpu.memory_space<hbm>>
          tpu.enqueue_dma source(%dma_start3A_93 : memref<20x256xi32, #tpu.memory_space<hbm>>) target(%arg8 : memref<20x256xi32, #tpu.memory_space<vmem>>) target_semaphore(%run_scoped3A : memref<!tpu.dma_semaphore, #tpu.memory_space<semaphore_mem>>)
          %dma_wait3A_94 = arith.constant 20 : i32
          %dma_wait3A_95 = arith.constant 0 : i32
          %dma_wait3A_96 = tpu.memref_slice %arg4[%add3A, %dma_wait3A_94, %dma_wait3A_95] : memref<32x40x256xi32, #tpu.memory_space<hbm>> -> memref<1x20x256xi32, #tpu.memory_space<hbm>>
          %dma_wait3A_97 = tpu.memref_squeeze %dma_wait3A_96 : memref<1x20x256xi32, #tpu.memory_space<hbm>> -> memref<20x256xi32, #tpu.memory_space<hbm>>
          %dma_wait3A_98 = arith.constant 20 : i32
          %dma_wait3A_99 = arith.constant 0 : i32
          %dma_wait3A_100 = tpu.memref_slice %arg4[%add3A, %dma_wait3A_98, %dma_wait3A_99] : memref<32x40x256xi32, #tpu.memory_space<hbm>> -> memref<1x20x256xi32, #tpu.memory_space<hbm>>
          %dma_wait3A_101 = tpu.memref_squeeze %dma_wait3A_100 : memref<1x20x256xi32, #tpu.memory_space<hbm>> -> memref<20x256xi32, #tpu.memory_space<hbm>>
          tpu.wait_dma2 semaphore(%run_scoped3A : memref<!tpu.dma_semaphore, #tpu.memory_space<semaphore_mem>>) src(%dma_wait3A_101 : memref<20x256xi32, #tpu.memory_space<hbm>>) dst(%arg8 : memref<20x256xi32, #tpu.memory_space<vmem>>)
          tpu.yield
        }) : () -> ()
      } else {
      }
    }
    %scan3A_22 = arith.constant 40 : i32
    %barrier3A_23 = arith.constant 0 : index
    tpu.barrier barrier_id(%barrier3A_23)
    %mul3A_24 = arith.constant 640 : i32
    %mul3A_25 = arith.muli %arg1, %mul3A_24 : i32
    %mul3A_26 = arith.constant 640 : i32
    %mul3A_27 = arith.muli %arg1, %mul3A_26 : i32
    %mul3A_28 = arith.constant 64 : i32
    %mul3A_29 = arith.muli %arg0, %mul3A_28 : i32
    "tpu.region"() ({
      %run_scoped3A = tpu.sem_alloc : memref<!tpu.dma_semaphore, #tpu.memory_space<semaphore_mem>>
      %dma_start3A_30 = tpu.memref_slice %arg6[%mul3A_27, %mul3A_29] : memref<10240x128xf32, #tpu.memory_space<hbm>> -> memref<640x64xf32, #tpu.memory_space<hbm>>
      %dma_start3A_31 = arith.constant 0 : i32
      %dma_start3A_32 = tpu.memref_slice %arg11[%mul3A_25, %dma_start3A_31] : memref<10304x64xf32, #tpu.memory_space<vmem_shared>> -> memref<640x64xf32, #tpu.memory_space<vmem_shared>>
      tpu.enqueue_dma source(%dma_start3A_32 : memref<640x64xf32, #tpu.memory_space<vmem_shared>>) target(%dma_start3A_30 : memref<640x64xf32, #tpu.memory_space<hbm>>) target_semaphore(%run_scoped3A : memref<!tpu.dma_semaphore, #tpu.memory_space<semaphore_mem>>)
      %dma_wait3A = tpu.memref_slice %arg6[%mul3A_27, %mul3A_29] : memref<10240x128xf32, #tpu.memory_space<hbm>> -> memref<640x64xf32, #tpu.memory_space<hbm>>
      %dma_wait3A_33 = arith.constant 0 : i32
      %dma_wait3A_34 = tpu.memref_slice %arg11[%mul3A_25, %dma_wait3A_33] : memref<10304x64xf32, #tpu.memory_space<vmem_shared>> -> memref<640x64xf32, #tpu.memory_space<vmem_shared>>
      tpu.wait_dma2 semaphore(%run_scoped3A : memref<!tpu.dma_semaphore, #tpu.memory_space<semaphore_mem>>) src(%dma_wait3A_34 : memref<640x64xf32, #tpu.memory_space<vmem_shared>>) dst(%dma_wait3A : memref<640x64xf32, #tpu.memory_space<hbm>>)
      tpu.yield
    }) : () -> ()
    return
  }
}

module attributes {stable_mosaic.version = 14 : i64} {
  func.func @body(%arg0: i32, %arg1: memref<1024x128xf32, #tpu.memory_space<vmem>>, %arg2: memref<128x64xf32, #tpu.memory_space<vmem>>, %arg3: memref<128x32xf32, #tpu.memory_space<vmem>>, %arg4: memref<1x32xf32, #tpu.memory_space<vmem>>, %arg5: memref<2x1024x16xf32, #tpu.memory_space<vmem>>, %arg6: memref<1x1x1024xi32, #tpu.memory_space<vmem>>, %arg7: memref<1024x64xf32, #tpu.memory_space<vmem>>, %arg8: memref<1024x32xf32, #tpu.memory_space<vmem>>, %arg9: memref<64x128xf32, #tpu.memory_space<vmem>>, %arg10: memref<64x128xf32, #tpu.memory_space<vmem>>) attributes {dimension_semantics = [#tpu.dimension_semantics<arbitrary>], iteration_bounds = array<i64: 10>, scalar_prefetch = 0 : i64, scratch_operands = 1 : i64, tpu.core_type = #tpu.core_type<tc>, window_params = [{transform_indices = @transform_0, window_bounds = array<i64: 1024, 128>}, {pipeline_mode = #tpu.pipeline_mode<synchronous>, transform_indices = @transform_1, window_bounds = array<i64: 128, 64>}, {pipeline_mode = #tpu.pipeline_mode<synchronous>, transform_indices = @transform_2, window_bounds = array<i64: 128, 32>}, {pipeline_mode = #tpu.pipeline_mode<synchronous>, transform_indices = @transform_3, window_bounds = array<i64: 1, 32>}, {transform_indices = @transform_4, window_bounds = array<i64: 2, 1024, 16>}, {transform_indices = @transform_5, window_bounds = array<i64: 1, 1, 1024>}, {transform_indices = @transform_6, window_bounds = array<i64: 1024, 64>}, {transform_indices = @transform_7, window_bounds = array<i64: 1024, 32>}, {pipeline_mode = #tpu.pipeline_mode<synchronous>, transform_indices = @transform_8, window_bounds = array<i64: 64, 128>}]} {
    %eq3A = arith.constant 0 : i32
    %eq3A_0 = arith.cmpi eq, %arg0, %eq3A : i32
    %convert_element_type3A = arith.extui %eq3A_0 : i1 to i32
    %cond3A = arith.constant 0 : i32
    %cond3A_1 = arith.cmpi ne, %convert_element_type3A, %cond3A : i32
    scf.if %cond3A_1 {
      %broadcast_in_dim3A_60 = arith.constant 0.000000e+00 : f32
      %broadcast_in_dim3A_61 = vector.broadcast %broadcast_in_dim3A_60 : f32 to vector<64x128xf32>
      %swap3A_62 = arith.constant 0 : index
      %swap3A_63 = arith.constant 0 : index
      %swap3A_64 = vector.load %arg10[%swap3A_62, %swap3A_63] : memref<64x128xf32, #tpu.memory_space<vmem>>, vector<64x128xf32>
      tpu.vector_store %arg10[%swap3A_62, %swap3A_63], %broadcast_in_dim3A_61 {strides = array<i32>} : memref<64x128xf32, #tpu.memory_space<vmem>>, vector<64x128xf32>,
    } else {
    }
    %get3A = arith.constant 0 : index
    %get3A_2 = arith.constant 0 : index
    %get3A_3 = vector.load %arg1[%get3A, %get3A_2] : memref<1024x128xf32, #tpu.memory_space<vmem>>, vector<1024x128xf32>
    %get3A_4 = arith.constant 0 : index
    %get3A_5 = arith.constant 0 : index
    %get3A_6 = arith.constant 0 : index
    %get3A_7 = vector.load %arg5[%get3A_4, %get3A_5, %get3A_6] : memref<2x1024x16xf32, #tpu.memory_space<vmem>>, vector<1x1024x16xf32>
    %get3A_8 = vector.shape_cast %get3A_7 : vector<1x1024x16xf32> to vector<1024x16xf32>
    %slice3A = vector.extract_strided_slice %get3A_8 {offsets = [0, 0], sizes = [1024, 1], strides = [1, 1]} : vector<1024x16xf32> to vector<1024x1xf32>
    %add3A = arith.constant 1.000000e+00 : f32
    %add3A_9 = vector.broadcast %add3A : f32 to vector<1024x1xf32>
    %add3A_10 = arith.addf %add3A_9, %slice3A : vector<1024x1xf32>
    %get3A_11 = arith.constant 1 : index
    %get3A_12 = arith.constant 0 : index
    %get3A_13 = arith.constant 0 : index
    %get3A_14 = vector.load %arg5[%get3A_11, %get3A_12, %get3A_13] : memref<2x1024x16xf32, #tpu.memory_space<vmem>>, vector<1x1024x16xf32>
    %get3A_15 = vector.shape_cast %get3A_14 : vector<1x1024x16xf32> to vector<1024x16xf32>
    %slice3A_16 = vector.extract_strided_slice %get3A_15 {offsets = [0, 0], sizes = [1024, 1], strides = [1, 1]} : vector<1024x16xf32> to vector<1024x1xf32>
    %add3A_17 = arith.addf %add3A_10, %slice3A_16 : vector<1024x1xf32>
    %rsqrt3A = math.rsqrt %add3A_17 : vector<1024x1xf32>
    %get3A_18 = arith.constant 0 : index
    %get3A_19 = arith.constant 0 : index
    %get3A_20 = vector.load %arg2[%get3A_18, %get3A_19] : memref<128x64xf32, #tpu.memory_space<vmem>>, vector<128x64xf32>
    %dot_general3A = arith.constant dense<0.000000e+00> : vector<1024x64xf32>
    %dot_general3A_21 = tpu.matmul %get3A_3, %get3A_20, %dot_general3A {dimension_numbers = #tpu.dot_dimension_numbers<[1], [0], [0], [1], [0, 0, 1, 1], [], []>, transpose_lhs_hint = false} : vector<1024x128xf32>, vector<128x64xf32>, vector<1024x64xf32> -> vector<1024x64xf32>
    %mul3A = vector.broadcast %rsqrt3A : vector<1024x1xf32> to vector<1024x64xf32>
    %mul3A_22 = arith.mulf %dot_general3A_21, %mul3A : vector<1024x64xf32>
    %swap3A = arith.constant 0 : index
    %swap3A_23 = arith.constant 0 : index
    %swap3A_24 = vector.load %arg7[%swap3A, %swap3A_23] : memref<1024x64xf32, #tpu.memory_space<vmem>>, vector<1024x64xf32>
    tpu.vector_store %arg7[%swap3A, %swap3A_23], %mul3A_22 {strides = array<i32>} : memref<1024x64xf32, #tpu.memory_space<vmem>>, vector<1024x64xf32>,
    %get3A_25 = arith.constant 0 : index
    %get3A_26 = arith.constant 0 : index
    %get3A_27 = vector.load %arg3[%get3A_25, %get3A_26] : memref<128x32xf32, #tpu.memory_space<vmem>>, vector<128x32xf32>
    %dot_general3A_28 = arith.constant dense<0.000000e+00> : vector<1024x32xf32>
    %dot_general3A_29 = tpu.matmul %get3A_3, %get3A_27, %dot_general3A_28 {dimension_numbers = #tpu.dot_dimension_numbers<[1], [0], [0], [1], [0, 0, 1, 1], [], []>, transpose_lhs_hint = false} : vector<1024x128xf32>, vector<128x32xf32>, vector<1024x32xf32> -> vector<1024x32xf32>
    %get3A_30 = arith.constant 0 : index
    %get3A_31 = arith.constant 0 : index
    %get3A_32 = vector.load %arg4[%get3A_30, %get3A_31] : memref<1x32xf32, #tpu.memory_space<vmem>>, vector<1x32xf32>
    %add3A_33 = vector.broadcast %get3A_32 : vector<1x32xf32> to vector<1024x32xf32>
    %add3A_34 = arith.addf %dot_general3A_29, %add3A_33 : vector<1024x32xf32>
    %swap3A_35 = arith.constant 0 : index
    %swap3A_36 = arith.constant 0 : index
    %swap3A_37 = vector.load %arg8[%swap3A_35, %swap3A_36] : memref<1024x32xf32, #tpu.memory_space<vmem>>, vector<1024x32xf32>
    tpu.vector_store %arg8[%swap3A_35, %swap3A_36], %add3A_34 {strides = array<i32>} : memref<1024x32xf32, #tpu.memory_space<vmem>>, vector<1024x32xf32>,
    %get3A_38 = arith.constant 0 : index
    %get3A_39 = arith.constant 0 : index
    %get3A_40 = vector.load %arg10[%get3A_38, %get3A_39] : memref<64x128xf32, #tpu.memory_space<vmem>>, vector<64x128xf32>
    %get3A_41 = arith.constant 0 : index
    %get3A_42 = arith.constant 0 : index
    %get3A_43 = arith.constant 0 : index
    %get3A_44 = vector.load %arg6[%get3A_41, %get3A_42, %get3A_43] : memref<1x1x1024xi32, #tpu.memory_space<vmem>>, vector<1x1x1024xi32>
    %reshape3A = vector.shape_cast %get3A_44 : vector<1x1x1024xi32> to vector<1x1024xi32>
    %broadcast_in_dim3A = vector.shape_cast %reshape3A : vector<1x1024xi32> to vector<1x1024xi32>
    %broadcast_in_dim3A_45 = vector.broadcast %broadcast_in_dim3A : vector<1x1024xi32> to vector<64x1024xi32>
    %iota3A = tpu.iota {dimensions = array<i32: 0>} : vector<64x1024xi32>
    %eq3A_46 = arith.cmpi eq, %iota3A, %broadcast_in_dim3A_45 : vector<64x1024xi32>
    %convert_element_type3A_47 = arith.extui %eq3A_46 : vector<64x1024xi1> to vector<64x1024xi32>
    %convert_element_type3A_48 = arith.sitofp %convert_element_type3A_47 : vector<64x1024xi32> to vector<64x1024xf32>
    %dot_general3A_49 = arith.constant dense<0.000000e+00> : vector<64x128xf32>
    %dot_general3A_50 = tpu.matmul %convert_element_type3A_48, %get3A_3, %dot_general3A_49 {dimension_numbers = #tpu.dot_dimension_numbers<[1], [0], [0], [1], [0, 0, 1, 1], [], []>, transpose_lhs_hint = false} : vector<64x1024xf32>, vector<1024x128xf32>, vector<64x128xf32> -> vector<64x128xf32>
    %add3A_51 = arith.addf %get3A_40, %dot_general3A_50 : vector<64x128xf32>
    %swap3A_52 = arith.constant 0 : index
    %swap3A_53 = arith.constant 0 : index
    %swap3A_54 = vector.load %arg10[%swap3A_52, %swap3A_53] : memref<64x128xf32, #tpu.memory_space<vmem>>, vector<64x128xf32>
    tpu.vector_store %arg10[%swap3A_52, %swap3A_53], %add3A_51 {strides = array<i32>} : memref<64x128xf32, #tpu.memory_space<vmem>>, vector<64x128xf32>,
    %eq3A_55 = arith.constant 9 : i32
    %eq3A_56 = arith.cmpi eq, %arg0, %eq3A_55 : i32
    %convert_element_type3A_57 = arith.extui %eq3A_56 : i1 to i32
    %cond3A_58 = arith.constant 0 : i32
    %cond3A_59 = arith.cmpi ne, %convert_element_type3A_57, %cond3A_58 : i32
    scf.if %cond3A_59 {
      %get3A_60 = arith.constant 0 : index
      %get3A_61 = arith.constant 0 : index
      %get3A_62 = vector.load %arg10[%get3A_60, %get3A_61] : memref<64x128xf32, #tpu.memory_space<vmem>>, vector<64x128xf32>
      %swap3A_63 = arith.constant 0 : index
      %swap3A_64 = arith.constant 0 : index
      %swap3A_65 = vector.load %arg9[%swap3A_63, %swap3A_64] : memref<64x128xf32, #tpu.memory_space<vmem>>, vector<64x128xf32>
      tpu.vector_store %arg9[%swap3A_63, %swap3A_64], %get3A_62 {strides = array<i32>} : memref<64x128xf32, #tpu.memory_space<vmem>>, vector<64x128xf32>,
    } else {
    }
    return
  }
  func.func @transform_0(%arg0: i32) -> (i32, i32) {
    %c0_i32 = arith.constant 0 : i32
    %c0_i32_0 = arith.constant 0 : i32
    return %arg0, %c0_i32 : i32, i32
  }
  func.func @transform_1(%arg0: i32) -> (i32, i32) {
    %c0_i32 = arith.constant 0 : i32
    %c0_i32_0 = arith.constant 0 : i32
    %c0_i32_1 = arith.constant 0 : i32
    return %c0_i32, %c0_i32_0 : i32, i32
  }
  func.func @transform_2(%arg0: i32) -> (i32, i32) {
    %c0_i32 = arith.constant 0 : i32
    %c0_i32_0 = arith.constant 0 : i32
    %c0_i32_1 = arith.constant 0 : i32
    return %c0_i32, %c0_i32_0 : i32, i32
  }
  func.func @transform_3(%arg0: i32) -> (i32, i32) {
    %c0_i32 = arith.constant 0 : i32
    %c0_i32_0 = arith.constant 0 : i32
    %c0_i32_1 = arith.constant 0 : i32
    return %c0_i32, %c0_i32_0 : i32, i32
  }
  func.func @transform_4(%arg0: i32) -> (i32, i32, i32) {
    %c0_i32 = arith.constant 0 : i32
    %c0_i32_0 = arith.constant 0 : i32
    %c0_i32_1 = arith.constant 0 : i32
    return %c0_i32, %arg0, %c0_i32_0 : i32, i32, i32
  }
  func.func @transform_5(%arg0: i32) -> (i32, i32, i32) {
    %c0_i32 = arith.constant 0 : i32
    %c0_i32_0 = arith.constant 0 : i32
    %c0_i32_1 = arith.constant 0 : i32
    return %arg0, %c0_i32, %c0_i32_0 : i32, i32, i32
  }
  func.func @transform_6(%arg0: i32) -> (i32, i32) {
    %c0_i32 = arith.constant 0 : i32
    %c0_i32_0 = arith.constant 0 : i32
    return %arg0, %c0_i32 : i32, i32
  }
  func.func @transform_7(%arg0: i32) -> (i32, i32) {
    %c0_i32 = arith.constant 0 : i32
    %c0_i32_0 = arith.constant 0 : i32
    return %arg0, %c0_i32 : i32, i32
  }
  func.func @transform_8(%arg0: i32) -> (i32, i32) {
    %c0_i32 = arith.constant 0 : i32
    %c0_i32_0 = arith.constant 0 : i32
    %c0_i32_1 = arith.constant 0 : i32
    return %c0_i32, %c0_i32_0 : i32, i32
  }
}

module attributes {stable_mosaic.version = 14 : i64} {
  func.func @body(%arg0: i32, %arg1: memref<1024x128xf32, #tpu.memory_space<vmem>>, %arg2: memref<1024x64xf32, #tpu.memory_space<vmem>>, %arg3: memref<1024x32xf32, #tpu.memory_space<vmem>>, %arg4: memref<2x1024x16xf32, #tpu.memory_space<vmem>>, %arg5: memref<1x128xf32, #tpu.memory_space<vmem>>, %arg6: memref<1x1x1024xi32, #tpu.memory_space<vmem>>, %arg7: memref<64x128xf32, #tpu.memory_space<vmem>>, %arg8: memref<64x128xf32, #tpu.memory_space<vmem>>, %arg9: memref<64x128xf32, #tpu.memory_space<vmem>>, %arg10: memref<64x1xf32, #tpu.memory_space<vmem>>, %arg11: memref<512x256xf32, #tpu.memory_space<vmem>>, %arg12: memref<1x256xf32, #tpu.memory_space<vmem>>, %arg13: memref<1x256xf32, #tpu.memory_space<vmem>>, %arg14: memref<256x256xf32, #tpu.memory_space<vmem>>, %arg15: memref<1x256xf32, #tpu.memory_space<vmem>>, %arg16: memref<256x128xf32, #tpu.memory_space<vmem>>, %arg17: memref<1x128xf32, #tpu.memory_space<vmem>>, %arg18: memref<64x128xf32, #tpu.memory_space<vmem>>, %arg19: memref<64x128xf32, #tpu.memory_space<vmem>>, %arg20: memref<64x1xf32, #tpu.memory_space<vmem>>) attributes {dimension_semantics = [#tpu.dimension_semantics<arbitrary>], iteration_bounds = array<i64: 10>, scalar_prefetch = 0 : i64, scratch_operands = 2 : i64, tpu.core_type = #tpu.core_type<tc>, window_params = [{transform_indices = @transform_0, window_bounds = array<i64: 1024, 128>}, {transform_indices = @transform_1, window_bounds = array<i64: 1024, 64>}, {transform_indices = @transform_2, window_bounds = array<i64: 1024, 32>}, {transform_indices = @transform_3, window_bounds = array<i64: 2, 1024, 16>}, {pipeline_mode = #tpu.pipeline_mode<synchronous>, transform_indices = @transform_4, window_bounds = array<i64: 1, 128>}, {transform_indices = @transform_5, window_bounds = array<i64: 1, 1, 1024>}, {pipeline_mode = #tpu.pipeline_mode<synchronous>, transform_indices = @transform_6, window_bounds = array<i64: 64, 128>}, {pipeline_mode = #tpu.pipeline_mode<synchronous>, transform_indices = @transform_7, window_bounds = array<i64: 64, 128>}, {pipeline_mode = #tpu.pipeline_mode<synchronous>, transform_indices = @transform_8, window_bounds = array<i64: 64, 128>}, {pipeline_mode = #tpu.pipeline_mode<synchronous>, transform_indices = @transform_9, window_bounds = array<i64: 64, 1>}, {pipeline_mode = #tpu.pipeline_mode<synchronous>, transform_indices = @transform_10, window_bounds = array<i64: 512, 256>}, {pipeline_mode = #tpu.pipeline_mode<synchronous>, transform_indices = @transform_11, window_bounds = array<i64: 1, 256>}, {pipeline_mode = #tpu.pipeline_mode<synchronous>, transform_indices = @transform_12, window_bounds = array<i64: 1, 256>}, {pipeline_mode = #tpu.pipeline_mode<synchronous>, transform_indices = @transform_13, window_bounds = array<i64: 256, 256>}, {pipeline_mode = #tpu.pipeline_mode<synchronous>, transform_indices = @transform_14, window_bounds = array<i64: 1, 256>}, {pipeline_mode = #tpu.pipeline_mode<synchronous>, transform_indices = @transform_15, window_bounds = array<i64: 256, 128>}, {pipeline_mode = #tpu.pipeline_mode<synchronous>, transform_indices = @transform_16, window_bounds = array<i64: 1, 128>}, {pipeline_mode = #tpu.pipeline_mode<synchronous>, transform_indices = @transform_17, window_bounds = array<i64: 64, 128>}]} {
    %eq3A = arith.constant 0 : i32
    %eq3A_0 = arith.cmpi eq, %arg0, %eq3A : i32
    %convert_element_type3A = arith.extui %eq3A_0 : i1 to i32
    %cond3A = arith.constant 0 : i32
    %cond3A_1 = arith.cmpi ne, %convert_element_type3A, %cond3A : i32
    scf.if %cond3A_1 {
      %broadcast_in_dim3A_276 = arith.constant 0.000000e+00 : f32
      %broadcast_in_dim3A_277 = vector.broadcast %broadcast_in_dim3A_276 : f32 to vector<64x128xf32>
      %swap3A_278 = arith.constant 0 : index
      %swap3A_279 = arith.constant 0 : index
      %swap3A_280 = vector.load %arg19[%swap3A_278, %swap3A_279] : memref<64x128xf32, #tpu.memory_space<vmem>>, vector<64x128xf32>
      tpu.vector_store %arg19[%swap3A_278, %swap3A_279], %broadcast_in_dim3A_277 {strides = array<i32>} : memref<64x128xf32, #tpu.memory_space<vmem>>, vector<64x128xf32>,
      %broadcast_in_dim3A_281 = arith.constant 0.000000e+00 : f32
      %broadcast_in_dim3A_282 = vector.broadcast %broadcast_in_dim3A_281 : f32 to vector<64x1xf32>
      %swap3A_283 = arith.constant 0 : index
      %swap3A_284 = arith.constant 0 : index
      %swap3A_285 = vector.load %arg20[%swap3A_283, %swap3A_284] : memref<64x1xf32, #tpu.memory_space<vmem>>, vector<64x1xf32>
      tpu.vector_store %arg20[%swap3A_283, %swap3A_284], %broadcast_in_dim3A_282 {strides = array<i32>} : memref<64x1xf32, #tpu.memory_space<vmem>>, vector<64x1xf32>,
    } else {
    }
    %get3A = arith.constant 0 : index
    %get3A_2 = arith.constant 0 : index
    %get3A_3 = arith.constant 0 : index
    %get3A_4 = vector.load %arg4[%get3A, %get3A_2, %get3A_3] : memref<2x1024x16xf32, #tpu.memory_space<vmem>>, vector<1x1024x16xf32>
    %get3A_5 = vector.shape_cast %get3A_4 : vector<1x1024x16xf32> to vector<1024x16xf32>
    %slice3A = vector.extract_strided_slice %get3A_5 {offsets = [0, 0], sizes = [1024, 1], strides = [1, 1]} : vector<1024x16xf32> to vector<1024x1xf32>
    %add3A = arith.constant 1.000000e+00 : f32
    %add3A_6 = vector.broadcast %add3A : f32 to vector<1024x1xf32>
    %add3A_7 = arith.addf %add3A_6, %slice3A : vector<1024x1xf32>
    %get3A_8 = arith.constant 1 : index
    %get3A_9 = arith.constant 0 : index
    %get3A_10 = arith.constant 0 : index
    %get3A_11 = vector.load %arg4[%get3A_8, %get3A_9, %get3A_10] : memref<2x1024x16xf32, #tpu.memory_space<vmem>>, vector<1x1024x16xf32>
    %get3A_12 = vector.shape_cast %get3A_11 : vector<1x1024x16xf32> to vector<1024x16xf32>
    %slice3A_13 = vector.extract_strided_slice %get3A_12 {offsets = [0, 0], sizes = [1024, 1], strides = [1, 1]} : vector<1024x16xf32> to vector<1024x1xf32>
    %add3A_14 = arith.addf %add3A_7, %slice3A_13 : vector<1024x1xf32>
    %rsqrt3A = math.rsqrt %add3A_14 : vector<1024x1xf32>
    %get3A_15 = arith.constant 0 : index
    %get3A_16 = arith.constant 0 : index
    %get3A_17 = vector.load %arg1[%get3A_15, %get3A_16] : memref<1024x128xf32, #tpu.memory_space<vmem>>, vector<1024x128xf32>
    %slice3A_18 = vector.extract_strided_slice %get3A_17 {offsets = [0, 0], sizes = [1024, 64], strides = [1, 1]} : vector<1024x128xf32> to vector<1024x64xf32>
    %slice3A_19 = vector.extract_strided_slice %get3A_17 {offsets = [0, 64], sizes = [1024, 64], strides = [1, 1]} : vector<1024x128xf32> to vector<1024x64xf32>
    %add3A_20 = arith.addf %slice3A_18, %slice3A_19 : vector<1024x64xf32>
    %get3A_21 = arith.constant 0 : index
    %get3A_22 = arith.constant 0 : index
    %get3A_23 = vector.load %arg2[%get3A_21, %get3A_22] : memref<1024x64xf32, #tpu.memory_space<vmem>>, vector<1024x64xf32>
    %add3A_24 = arith.addf %add3A_20, %get3A_23 : vector<1024x64xf32>
    %mul3A = vector.broadcast %rsqrt3A : vector<1024x1xf32> to vector<1024x64xf32>
    %mul3A_25 = arith.mulf %add3A_24, %mul3A : vector<1024x64xf32>
    %get3A_26 = arith.constant 0 : index
    %get3A_27 = arith.constant 0 : index
    %get3A_28 = vector.load %arg3[%get3A_26, %get3A_27] : memref<1024x32xf32, #tpu.memory_space<vmem>>, vector<1024x32xf32>
    %iota3A = tpu.iota {dimensions = array<i32: 1>} : vector<16x128xi32>
    %iota3A_29 = tpu.iota {dimensions = array<i32: 0>} : vector<16x128xi32>
    %jit3A = arith.constant 16 : i32
    %eq3A_30 = arith.constant 0 : i32
    %eq3A_31 = arith.cmpi eq, %jit3A, %eq3A_30 : i32
    %jit3A_32 = arith.constant 1 : i32
    %select_n3A = arith.select %eq3A_31, %jit3A_32, %jit3A : i32
    %rem3A = vector.broadcast %select_n3A : i32 to vector<16x128xi32>
    %rem3A_33 = arith.remsi %iota3A, %rem3A : vector<16x128xi32>
    %ne3A = arith.constant 0 : i32
    %ne3A_34 = vector.broadcast %ne3A : i32 to vector<16x128xi32>
    %ne3A_35 = arith.cmpi ne, %rem3A_33, %ne3A_34 : vector<16x128xi32>
    %lt3A = arith.constant 0 : i32
    %lt3A_36 = vector.broadcast %lt3A : i32 to vector<16x128xi32>
    %lt3A_37 = arith.cmpi slt, %rem3A_33, %lt3A_36 : vector<16x128xi32>
    %lt3A_38 = arith.constant 0 : i32
    %lt3A_39 = arith.cmpi slt, %select_n3A, %lt3A_38 : i32
    %ne3A_40 = vector.broadcast %lt3A_39 : i1 to vector<16x128xi1>
    %ne3A_41 = vector.broadcast %ne3A_40 : vector<16x128xi1> to vector<16x128xi1>
    %ne3A_42 = arith.xori %lt3A_37, %ne3A_41 : vector<16x128xi1>
    %and3A = arith.andi %ne3A_42, %ne3A_35 : vector<16x128xi1>
    %add3A_43 = vector.broadcast %select_n3A : i32 to vector<16x128xi32>
    %add3A_44 = arith.addi %rem3A_33, %add3A_43 : vector<16x128xi32>
    %select_n3A_45 = arith.select %and3A, %add3A_44, %rem3A_33 : vector<16x128xi1>, vector<16x128xi32>
    %eq3A_46 = arith.cmpi eq, %select_n3A_45, %iota3A_29 : vector<16x128xi32>
    %convert_element_type3A_47 = arith.extui %eq3A_46 : vector<16x128xi1> to vector<16x128xi32>
    %convert_element_type3A_48 = arith.sitofp %convert_element_type3A_47 : vector<16x128xi32> to vector<16x128xf32>
    %iota3A_49 = tpu.iota {dimensions = array<i32: 1>} : vector<32x128xi32>
    %iota3A_50 = tpu.iota {dimensions = array<i32: 0>} : vector<32x128xi32>
    %jit3A_51 = arith.constant 16 : i32
    %div3A = vector.broadcast %jit3A_51 : i32 to vector<32x128xi32>
    %div3A_52 = arith.divsi %iota3A_49, %div3A : vector<32x128xi32>
    %sign3A = arith.constant 0 : i32
    %sign3A_53 = vector.broadcast %sign3A : i32 to vector<32x128xi32>
    %sign3A_54 = arith.cmpi sgt, %iota3A_49, %sign3A_53 : vector<32x128xi32>
    %sign3A_55 = arith.extui %sign3A_54 : vector<32x128xi1> to vector<32x128xi32>
    %sign3A_56 = arith.constant 0 : i32
    %sign3A_57 = vector.broadcast %sign3A_56 : i32 to vector<32x128xi32>
    %sign3A_58 = arith.cmpi slt, %iota3A_49, %sign3A_57 : vector<32x128xi32>
    %sign3A_59 = arith.extui %sign3A_58 : vector<32x128xi1> to vector<32x128xi32>
    %sign3A_60 = arith.subi %sign3A_55, %sign3A_59 : vector<32x128xi32>
    %sign3A_61 = arith.constant 0 : i32
    %sign3A_62 = arith.cmpi sgt, %jit3A_51, %sign3A_61 : i32
    %sign3A_63 = arith.extui %sign3A_62 : i1 to i32
    %sign3A_64 = arith.constant 0 : i32
    %sign3A_65 = arith.cmpi slt, %jit3A_51, %sign3A_64 : i32
    %sign3A_66 = arith.extui %sign3A_65 : i1 to i32
    %sign3A_67 = arith.subi %sign3A_63, %sign3A_66 : i32
    %ne3A_68 = vector.broadcast %sign3A_67 : i32 to vector<32x128xi32>
    %ne3A_69 = arith.cmpi ne, %sign3A_60, %ne3A_68 : vector<32x128xi32>
    %rem3A_70 = vector.broadcast %jit3A_51 : i32 to vector<32x128xi32>
    %rem3A_71 = arith.remsi %iota3A_49, %rem3A_70 : vector<32x128xi32>
    %ne3A_72 = arith.constant 0 : i32
    %ne3A_73 = vector.broadcast %ne3A_72 : i32 to vector<32x128xi32>
    %ne3A_74 = arith.cmpi ne, %rem3A_71, %ne3A_73 : vector<32x128xi32>
    %and3A_75 = arith.andi %ne3A_69, %ne3A_74 : vector<32x128xi1>
    %sub3A = arith.constant 1 : i32
    %sub3A_76 = vector.broadcast %sub3A : i32 to vector<32x128xi32>
    %sub3A_77 = arith.subi %div3A_52, %sub3A_76 : vector<32x128xi32>
    %select_n3A_78 = arith.select %and3A_75, %sub3A_77, %div3A_52 : vector<32x128xi1>, vector<32x128xi32>
    %mul3A_79 = arith.constant 4 : i32
    %mul3A_80 = vector.broadcast %mul3A_79 : i32 to vector<32x128xi32>
    %mul3A_81 = arith.muli %mul3A_80, %select_n3A_78 : vector<32x128xi32>
    %add3A_82 = arith.constant 0 : i32
    %add3A_83 = vector.broadcast %add3A_82 : i32 to vector<32x128xi32>
    %add3A_84 = arith.addi %mul3A_81, %add3A_83 : vector<32x128xi32>
    %eq3A_85 = arith.cmpi eq, %iota3A_50, %add3A_84 : vector<32x128xi32>
    %convert_element_type3A_86 = arith.extui %eq3A_85 : vector<32x128xi1> to vector<32x128xi32>
    %convert_element_type3A_87 = arith.sitofp %convert_element_type3A_86 : vector<32x128xi32> to vector<32x128xf32>
    %dot_general3A = arith.constant dense<0.000000e+00> : vector<1024x128xf32>
    %dot_general3A_88 = tpu.matmul %get3A_28, %convert_element_type3A_87, %dot_general3A {dimension_numbers = #tpu.dot_dimension_numbers<[1], [0], [0], [1], [0, 0, 1, 1], [], []>, transpose_lhs_hint = false} : vector<1024x32xf32>, vector<32x128xf32>, vector<1024x128xf32> -> vector<1024x128xf32>
    %slice3A_89 = vector.extract_strided_slice %mul3A_25 {offsets = [0, 0], sizes = [1024, 16], strides = [1, 1]} : vector<1024x64xf32> to vector<1024x16xf32>
    %dot_general3A_90 = arith.constant dense<0.000000e+00> : vector<1024x128xf32>
    %dot_general3A_91 = tpu.matmul %slice3A_89, %convert_element_type3A_48, %dot_general3A_90 {dimension_numbers = #tpu.dot_dimension_numbers<[1], [0], [0], [1], [0, 0, 1, 1], [], []>, transpose_lhs_hint = false} : vector<1024x16xf32>, vector<16x128xf32>, vector<1024x128xf32> -> vector<1024x128xf32>
    %mul3A_92 = arith.mulf %dot_general3A_88, %dot_general3A_91 : vector<1024x128xf32>
    %jit3A_93 = arith.constant 16 : i32
    %div3A_94 = vector.broadcast %jit3A_93 : i32 to vector<32x128xi32>
    %div3A_95 = arith.divsi %iota3A_49, %div3A_94 : vector<32x128xi32>
    %sign3A_96 = arith.constant 0 : i32
    %sign3A_97 = vector.broadcast %sign3A_96 : i32 to vector<32x128xi32>
    %sign3A_98 = arith.cmpi sgt, %iota3A_49, %sign3A_97 : vector<32x128xi32>
    %sign3A_99 = arith.extui %sign3A_98 : vector<32x128xi1> to vector<32x128xi32>
    %sign3A_100 = arith.constant 0 : i32
    %sign3A_101 = vector.broadcast %sign3A_100 : i32 to vector<32x128xi32>
    %sign3A_102 = arith.cmpi slt, %iota3A_49, %sign3A_101 : vector<32x128xi32>
    %sign3A_103 = arith.extui %sign3A_102 : vector<32x128xi1> to vector<32x128xi32>
    %sign3A_104 = arith.subi %sign3A_99, %sign3A_103 : vector<32x128xi32>
    %sign3A_105 = arith.constant 0 : i32
    %sign3A_106 = arith.cmpi sgt, %jit3A_93, %sign3A_105 : i32
    %sign3A_107 = arith.extui %sign3A_106 : i1 to i32
    %sign3A_108 = arith.constant 0 : i32
    %sign3A_109 = arith.cmpi slt, %jit3A_93, %sign3A_108 : i32
    %sign3A_110 = arith.extui %sign3A_109 : i1 to i32
    %sign3A_111 = arith.subi %sign3A_107, %sign3A_110 : i32
    %ne3A_112 = vector.broadcast %sign3A_111 : i32 to vector<32x128xi32>
    %ne3A_113 = arith.cmpi ne, %sign3A_104, %ne3A_112 : vector<32x128xi32>
    %rem3A_114 = vector.broadcast %jit3A_93 : i32 to vector<32x128xi32>
    %rem3A_115 = arith.remsi %iota3A_49, %rem3A_114 : vector<32x128xi32>
    %ne3A_116 = arith.constant 0 : i32
    %ne3A_117 = vector.broadcast %ne3A_116 : i32 to vector<32x128xi32>
    %ne3A_118 = arith.cmpi ne, %rem3A_115, %ne3A_117 : vector<32x128xi32>
    %and3A_119 = arith.andi %ne3A_113, %ne3A_118 : vector<32x128xi1>
    %sub3A_120 = arith.constant 1 : i32
    %sub3A_121 = vector.broadcast %sub3A_120 : i32 to vector<32x128xi32>
    %sub3A_122 = arith.subi %div3A_95, %sub3A_121 : vector<32x128xi32>
    %select_n3A_123 = arith.select %and3A_119, %sub3A_122, %div3A_95 : vector<32x128xi1>, vector<32x128xi32>
    %mul3A_124 = arith.constant 4 : i32
    %mul3A_125 = vector.broadcast %mul3A_124 : i32 to vector<32x128xi32>
    %mul3A_126 = arith.muli %mul3A_125, %select_n3A_123 : vector<32x128xi32>
    %add3A_127 = arith.constant 1 : i32
    %add3A_128 = vector.broadcast %add3A_127 : i32 to vector<32x128xi32>
    %add3A_129 = arith.addi %mul3A_126, %add3A_128 : vector<32x128xi32>
    %eq3A_130 = arith.cmpi eq, %iota3A_50, %add3A_129 : vector<32x128xi32>
    %convert_element_type3A_131 = arith.extui %eq3A_130 : vector<32x128xi1> to vector<32x128xi32>
    %convert_element_type3A_132 = arith.sitofp %convert_element_type3A_131 : vector<32x128xi32> to vector<32x128xf32>
    %dot_general3A_133 = arith.constant dense<0.000000e+00> : vector<1024x128xf32>
    %dot_general3A_134 = tpu.matmul %get3A_28, %convert_element_type3A_132, %dot_general3A_133 {dimension_numbers = #tpu.dot_dimension_numbers<[1], [0], [0], [1], [0, 0, 1, 1], [], []>, transpose_lhs_hint = false} : vector<1024x32xf32>, vector<32x128xf32>, vector<1024x128xf32> -> vector<1024x128xf32>
    %slice3A_135 = vector.extract_strided_slice %mul3A_25 {offsets = [0, 16], sizes = [1024, 16], strides = [1, 1]} : vector<1024x64xf32> to vector<1024x16xf32>
    %dot_general3A_136 = arith.constant dense<0.000000e+00> : vector<1024x128xf32>
    %dot_general3A_137 = tpu.matmul %slice3A_135, %convert_element_type3A_48, %dot_general3A_136 {dimension_numbers = #tpu.dot_dimension_numbers<[1], [0], [0], [1], [0, 0, 1, 1], [], []>, transpose_lhs_hint = false} : vector<1024x16xf32>, vector<16x128xf32>, vector<1024x128xf32> -> vector<1024x128xf32>
    %mul3A_138 = arith.mulf %dot_general3A_134, %dot_general3A_137 : vector<1024x128xf32>
    %add3A_139 = arith.addf %mul3A_92, %mul3A_138 : vector<1024x128xf32>
    %jit3A_140 = arith.constant 16 : i32
    %div3A_141 = vector.broadcast %jit3A_140 : i32 to vector<32x128xi32>
    %div3A_142 = arith.divsi %iota3A_49, %div3A_141 : vector<32x128xi32>
    %sign3A_143 = arith.constant 0 : i32
    %sign3A_144 = vector.broadcast %sign3A_143 : i32 to vector<32x128xi32>
    %sign3A_145 = arith.cmpi sgt, %iota3A_49, %sign3A_144 : vector<32x128xi32>
    %sign3A_146 = arith.extui %sign3A_145 : vector<32x128xi1> to vector<32x128xi32>
    %sign3A_147 = arith.constant 0 : i32
    %sign3A_148 = vector.broadcast %sign3A_147 : i32 to vector<32x128xi32>
    %sign3A_149 = arith.cmpi slt, %iota3A_49, %sign3A_148 : vector<32x128xi32>
    %sign3A_150 = arith.extui %sign3A_149 : vector<32x128xi1> to vector<32x128xi32>
    %sign3A_151 = arith.subi %sign3A_146, %sign3A_150 : vector<32x128xi32>
    %sign3A_152 = arith.constant 0 : i32
    %sign3A_153 = arith.cmpi sgt, %jit3A_140, %sign3A_152 : i32
    %sign3A_154 = arith.extui %sign3A_153 : i1 to i32
    %sign3A_155 = arith.constant 0 : i32
    %sign3A_156 = arith.cmpi slt, %jit3A_140, %sign3A_155 : i32
    %sign3A_157 = arith.extui %sign3A_156 : i1 to i32
    %sign3A_158 = arith.subi %sign3A_154, %sign3A_157 : i32
    %ne3A_159 = vector.broadcast %sign3A_158 : i32 to vector<32x128xi32>
    %ne3A_160 = arith.cmpi ne, %sign3A_151, %ne3A_159 : vector<32x128xi32>
    %rem3A_161 = vector.broadcast %jit3A_140 : i32 to vector<32x128xi32>
    %rem3A_162 = arith.remsi %iota3A_49, %rem3A_161 : vector<32x128xi32>
    %ne3A_163 = arith.constant 0 : i32
    %ne3A_164 = vector.broadcast %ne3A_163 : i32 to vector<32x128xi32>
    %ne3A_165 = arith.cmpi ne, %rem3A_162, %ne3A_164 : vector<32x128xi32>
    %and3A_166 = arith.andi %ne3A_160, %ne3A_165 : vector<32x128xi1>
    %sub3A_167 = arith.constant 1 : i32
    %sub3A_168 = vector.broadcast %sub3A_167 : i32 to vector<32x128xi32>
    %sub3A_169 = arith.subi %div3A_142, %sub3A_168 : vector<32x128xi32>
    %select_n3A_170 = arith.select %and3A_166, %sub3A_169, %div3A_142 : vector<32x128xi1>, vector<32x128xi32>
    %mul3A_171 = arith.constant 4 : i32
    %mul3A_172 = vector.broadcast %mul3A_171 : i32 to vector<32x128xi32>
    %mul3A_173 = arith.muli %mul3A_172, %select_n3A_170 : vector<32x128xi32>
    %add3A_174 = arith.constant 2 : i32
    %add3A_175 = vector.broadcast %add3A_174 : i32 to vector<32x128xi32>
    %add3A_176 = arith.addi %mul3A_173, %add3A_175 : vector<32x128xi32>
    %eq3A_177 = arith.cmpi eq, %iota3A_50, %add3A_176 : vector<32x128xi32>
    %convert_element_type3A_178 = arith.extui %eq3A_177 : vector<32x128xi1> to vector<32x128xi32>
    %convert_element_type3A_179 = arith.sitofp %convert_element_type3A_178 : vector<32x128xi32> to vector<32x128xf32>
    %dot_general3A_180 = arith.constant dense<0.000000e+00> : vector<1024x128xf32>
    %dot_general3A_181 = tpu.matmul %get3A_28, %convert_element_type3A_179, %dot_general3A_180 {dimension_numbers = #tpu.dot_dimension_numbers<[1], [0], [0], [1], [0, 0, 1, 1], [], []>, transpose_lhs_hint = false} : vector<1024x32xf32>, vector<32x128xf32>, vector<1024x128xf32> -> vector<1024x128xf32>
    %slice3A_182 = vector.extract_strided_slice %mul3A_25 {offsets = [0, 32], sizes = [1024, 16], strides = [1, 1]} : vector<1024x64xf32> to vector<1024x16xf32>
    %dot_general3A_183 = arith.constant dense<0.000000e+00> : vector<1024x128xf32>
    %dot_general3A_184 = tpu.matmul %slice3A_182, %convert_element_type3A_48, %dot_general3A_183 {dimension_numbers = #tpu.dot_dimension_numbers<[1], [0], [0], [1], [0, 0, 1, 1], [], []>, transpose_lhs_hint = false} : vector<1024x16xf32>, vector<16x128xf32>, vector<1024x128xf32> -> vector<1024x128xf32>
    %mul3A_185 = arith.mulf %dot_general3A_181, %dot_general3A_184 : vector<1024x128xf32>
    %add3A_186 = arith.addf %add3A_139, %mul3A_185 : vector<1024x128xf32>
    %jit3A_187 = arith.constant 16 : i32
    %div3A_188 = vector.broadcast %jit3A_187 : i32 to vector<32x128xi32>
    %div3A_189 = arith.divsi %iota3A_49, %div3A_188 : vector<32x128xi32>
    %sign3A_190 = arith.constant 0 : i32
    %sign3A_191 = vector.broadcast %sign3A_190 : i32 to vector<32x128xi32>
    %sign3A_192 = arith.cmpi sgt, %iota3A_49, %sign3A_191 : vector<32x128xi32>
    %sign3A_193 = arith.extui %sign3A_192 : vector<32x128xi1> to vector<32x128xi32>
    %sign3A_194 = arith.constant 0 : i32
    %sign3A_195 = vector.broadcast %sign3A_194 : i32 to vector<32x128xi32>
    %sign3A_196 = arith.cmpi slt, %iota3A_49, %sign3A_195 : vector<32x128xi32>
    %sign3A_197 = arith.extui %sign3A_196 : vector<32x128xi1> to vector<32x128xi32>
    %sign3A_198 = arith.subi %sign3A_193, %sign3A_197 : vector<32x128xi32>
    %sign3A_199 = arith.constant 0 : i32
    %sign3A_200 = arith.cmpi sgt, %jit3A_187, %sign3A_199 : i32
    %sign3A_201 = arith.extui %sign3A_200 : i1 to i32
    %sign3A_202 = arith.constant 0 : i32
    %sign3A_203 = arith.cmpi slt, %jit3A_187, %sign3A_202 : i32
    %sign3A_204 = arith.extui %sign3A_203 : i1 to i32
    %sign3A_205 = arith.subi %sign3A_201, %sign3A_204 : i32
    %ne3A_206 = vector.broadcast %sign3A_205 : i32 to vector<32x128xi32>
    %ne3A_207 = arith.cmpi ne, %sign3A_198, %ne3A_206 : vector<32x128xi32>
    %rem3A_208 = vector.broadcast %jit3A_187 : i32 to vector<32x128xi32>
    %rem3A_209 = arith.remsi %iota3A_49, %rem3A_208 : vector<32x128xi32>
    %ne3A_210 = arith.constant 0 : i32
    %ne3A_211 = vector.broadcast %ne3A_210 : i32 to vector<32x128xi32>
    %ne3A_212 = arith.cmpi ne, %rem3A_209, %ne3A_211 : vector<32x128xi32>
    %and3A_213 = arith.andi %ne3A_207, %ne3A_212 : vector<32x128xi1>
    %sub3A_214 = arith.constant 1 : i32
    %sub3A_215 = vector.broadcast %sub3A_214 : i32 to vector<32x128xi32>
    %sub3A_216 = arith.subi %div3A_189, %sub3A_215 : vector<32x128xi32>
    %select_n3A_217 = arith.select %and3A_213, %sub3A_216, %div3A_189 : vector<32x128xi1>, vector<32x128xi32>
    %mul3A_218 = arith.constant 4 : i32
    %mul3A_219 = vector.broadcast %mul3A_218 : i32 to vector<32x128xi32>
    %mul3A_220 = arith.muli %mul3A_219, %select_n3A_217 : vector<32x128xi32>
    %add3A_221 = arith.constant 3 : i32
    %add3A_222 = vector.broadcast %add3A_221 : i32 to vector<32x128xi32>
    %add3A_223 = arith.addi %mul3A_220, %add3A_222 : vector<32x128xi32>
    %eq3A_224 = arith.cmpi eq, %iota3A_50, %add3A_223 : vector<32x128xi32>
    %convert_element_type3A_225 = arith.extui %eq3A_224 : vector<32x128xi1> to vector<32x128xi32>
    %convert_element_type3A_226 = arith.sitofp %convert_element_type3A_225 : vector<32x128xi32> to vector<32x128xf32>
    %dot_general3A_227 = arith.constant dense<0.000000e+00> : vector<1024x128xf32>
    %dot_general3A_228 = tpu.matmul %get3A_28, %convert_element_type3A_226, %dot_general3A_227 {dimension_numbers = #tpu.dot_dimension_numbers<[1], [0], [0], [1], [0, 0, 1, 1], [], []>, transpose_lhs_hint = false} : vector<1024x32xf32>, vector<32x128xf32>, vector<1024x128xf32> -> vector<1024x128xf32>
    %slice3A_229 = vector.extract_strided_slice %mul3A_25 {offsets = [0, 48], sizes = [1024, 16], strides = [1, 1]} : vector<1024x64xf32> to vector<1024x16xf32>
    %dot_general3A_230 = arith.constant dense<0.000000e+00> : vector<1024x128xf32>
    %dot_general3A_231 = tpu.matmul %slice3A_229, %convert_element_type3A_48, %dot_general3A_230 {dimension_numbers = #tpu.dot_dimension_numbers<[1], [0], [0], [1], [0, 0, 1, 1], [], []>, transpose_lhs_hint = false} : vector<1024x16xf32>, vector<16x128xf32>, vector<1024x128xf32> -> vector<1024x128xf32>
    %mul3A_232 = arith.mulf %dot_general3A_228, %dot_general3A_231 : vector<1024x128xf32>
    %add3A_233 = arith.addf %add3A_186, %mul3A_232 : vector<1024x128xf32>
    %get3A_234 = arith.constant 0 : index
    %get3A_235 = arith.constant 0 : index
    %get3A_236 = vector.load %arg5[%get3A_234, %get3A_235] : memref<1x128xf32, #tpu.memory_space<vmem>>, vector<1x128xf32>
    %add3A_237 = vector.broadcast %get3A_236 : vector<1x128xf32> to vector<1024x128xf32>
    %add3A_238 = arith.addf %add3A_233, %add3A_237 : vector<1024x128xf32>
    %ge3A = arith.constant 0.000000e+00 : f32
    %ge3A_239 = vector.broadcast %ge3A : f32 to vector<1024x128xf32>
    %ge3A_240 = arith.cmpf oge, %add3A_238, %ge3A_239 : vector<1024x128xf32>
    %mul3A_241 = arith.constant 0.00999999977 : f32
    %mul3A_242 = vector.broadcast %mul3A_241 : f32 to vector<1024x128xf32>
    %mul3A_243 = arith.mulf %mul3A_242, %add3A_238 : vector<1024x128xf32>
    %select_n3A_244 = arith.select %ge3A_240, %add3A_238, %mul3A_243 : vector<1024x128xi1>, vector<1024x128xf32>
    %get3A_245 = arith.constant 0 : index
    %get3A_246 = arith.constant 0 : index
    %get3A_247 = arith.constant 0 : index
    %get3A_248 = vector.load %arg6[%get3A_245, %get3A_246, %get3A_247] : memref<1x1x1024xi32, #tpu.memory_space<vmem>>, vector<1x1x1024xi32>
    %reshape3A = vector.shape_cast %get3A_248 : vector<1x1x1024xi32> to vector<1x1024xi32>
    %broadcast_in_dim3A = vector.shape_cast %reshape3A : vector<1x1024xi32> to vector<1x1024xi32>
    %broadcast_in_dim3A_249 = vector.broadcast %broadcast_in_dim3A : vector<1x1024xi32> to vector<64x1024xi32>
    %iota3A_250 = tpu.iota {dimensions = array<i32: 0>} : vector<64x1024xi32>
    %eq3A_251 = arith.cmpi eq, %iota3A_250, %broadcast_in_dim3A_249 : vector<64x1024xi32>
    %convert_element_type3A_252 = arith.extui %eq3A_251 : vector<64x1024xi1> to vector<64x1024xi32>
    %convert_element_type3A_253 = arith.sitofp %convert_element_type3A_252 : vector<64x1024xi32> to vector<64x1024xf32>
    %get3A_254 = arith.constant 0 : index
    %get3A_255 = arith.constant 0 : index
    %get3A_256 = vector.load %arg19[%get3A_254, %get3A_255] : memref<64x128xf32, #tpu.memory_space<vmem>>, vector<64x128xf32>
    %dot_general3A_257 = arith.constant dense<0.000000e+00> : vector<64x128xf32>
    %dot_general3A_258 = tpu.matmul %convert_element_type3A_253, %select_n3A_244, %dot_general3A_257 {dimension_numbers = #tpu.dot_dimension_numbers<[1], [0], [0], [1], [0, 0, 1, 1], [], []>, transpose_lhs_hint = false} : vector<64x1024xf32>, vector<1024x128xf32>, vector<64x128xf32> -> vector<64x128xf32>
    %add3A_259 = arith.addf %get3A_256, %dot_general3A_258 : vector<64x128xf32>
    %swap3A = arith.constant 0 : index
    %swap3A_260 = arith.constant 0 : index
    %swap3A_261 = vector.load %arg19[%swap3A, %swap3A_260] : memref<64x128xf32, #tpu.memory_space<vmem>>, vector<64x128xf32>
    tpu.vector_store %arg19[%swap3A, %swap3A_260], %add3A_259 {strides = array<i32>} : memref<64x128xf32, #tpu.memory_space<vmem>>, vector<64x128xf32>,
    %get3A_262 = arith.constant 0 : index
    %get3A_263 = arith.constant 0 : index
    %get3A_264 = vector.load %arg20[%get3A_262, %get3A_263] : memref<64x1xf32, #tpu.memory_space<vmem>>, vector<64x1xf32>
    %reduce_sum3A = arith.constant dense<0.000000e+00> : vector<64xf32>
    %reduce_sum3A_265 = vector.multi_reduction <add>, %convert_element_type3A_253, %reduce_sum3A [1] : vector<64x1024xf32> to vector<64xf32>
    %broadcast_in_dim3A_266 = vector.shape_cast %reduce_sum3A_265 : vector<64xf32> to vector<64x1xf32>
    %add3A_267 = arith.addf %get3A_264, %broadcast_in_dim3A_266 : vector<64x1xf32>
    %swap3A_268 = arith.constant 0 : index
    %swap3A_269 = arith.constant 0 : index
    %swap3A_270 = vector.load %arg20[%swap3A_268, %swap3A_269] : memref<64x1xf32, #tpu.memory_space<vmem>>, vector<64x1xf32>
    tpu.vector_store %arg20[%swap3A_268, %swap3A_269], %add3A_267 {strides = array<i32>} : memref<64x1xf32, #tpu.memory_space<vmem>>, vector<64x1xf32>,
    %eq3A_271 = arith.constant 9 : i32
    %eq3A_272 = arith.cmpi eq, %arg0, %eq3A_271 : i32
    %convert_element_type3A_273 = arith.extui %eq3A_272 : i1 to i32
    %cond3A_274 = arith.constant 0 : i32
    %cond3A_275 = arith.cmpi ne, %convert_element_type3A_273, %cond3A_274 : i32
    scf.if %cond3A_275 {
      %get3A_276 = arith.constant 0 : index
      %get3A_277 = arith.constant 0 : index
      %get3A_278 = vector.load %arg20[%get3A_276, %get3A_277] : memref<64x1xf32, #tpu.memory_space<vmem>>, vector<64x1xf32>
      %max3A = arith.constant 1.000000e+00 : f32
      %max3A_279 = vector.broadcast %max3A : f32 to vector<64x1xf32>
      %max3A_280 = arith.maximumf %get3A_278, %max3A_279 : vector<64x1xf32>
      %get3A_281 = arith.constant 0 : index
      %get3A_282 = arith.constant 0 : index
      %get3A_283 = vector.load %arg7[%get3A_281, %get3A_282] : memref<64x128xf32, #tpu.memory_space<vmem>>, vector<64x128xf32>
      %div3A_284 = vector.broadcast %max3A_280 : vector<64x1xf32> to vector<64x128xf32>
      %div3A_285 = arith.divf %get3A_283, %div3A_284 : vector<64x128xf32>
      %get3A_286 = arith.constant 0 : index
      %get3A_287 = arith.constant 0 : index
      %get3A_288 = vector.load %arg8[%get3A_286, %get3A_287] : memref<64x128xf32, #tpu.memory_space<vmem>>, vector<64x128xf32>
      %div3A_289 = vector.broadcast %max3A_280 : vector<64x1xf32> to vector<64x128xf32>
      %div3A_290 = arith.divf %get3A_288, %div3A_289 : vector<64x128xf32>
      %get3A_291 = arith.constant 0 : index
      %get3A_292 = arith.constant 0 : index
      %get3A_293 = vector.load %arg9[%get3A_291, %get3A_292] : memref<64x128xf32, #tpu.memory_space<vmem>>, vector<64x128xf32>
      %div3A_294 = vector.broadcast %max3A_280 : vector<64x1xf32> to vector<64x128xf32>
      %div3A_295 = arith.divf %get3A_293, %div3A_294 : vector<64x128xf32>
      %get3A_296 = arith.constant 0 : index
      %get3A_297 = arith.constant 0 : index
      %get3A_298 = vector.load %arg19[%get3A_296, %get3A_297] : memref<64x128xf32, #tpu.memory_space<vmem>>, vector<64x128xf32>
      %div3A_299 = vector.broadcast %max3A_280 : vector<64x1xf32> to vector<64x128xf32>
      %div3A_300 = arith.divf %get3A_298, %div3A_299 : vector<64x128xf32>
      %concatenate3A = tpu.concatenate %div3A_285, %div3A_290, %div3A_295, %div3A_300 in 1 : vector<64x128xf32>, vector<64x128xf32>, vector<64x128xf32>, vector<64x128xf32> -> vector<64x512xf32>
      %get3A_301 = arith.constant 0 : index
      %get3A_302 = arith.constant 0 : index
      %get3A_303 = vector.load %arg11[%get3A_301, %get3A_302] : memref<512x256xf32, #tpu.memory_space<vmem>>, vector<512x256xf32>
      %dot_general3A_304 = arith.constant dense<0.000000e+00> : vector<64x256xf32>
      %dot_general3A_305 = tpu.matmul %concatenate3A, %get3A_303, %dot_general3A_304 {dimension_numbers = #tpu.dot_dimension_numbers<[1], [0], [0], [1], [0, 0, 1, 1], [], []>, transpose_lhs_hint = false} : vector<64x512xf32>, vector<512x256xf32>, vector<64x256xf32> -> vector<64x256xf32>
      %get3A_306 = arith.constant 0 : index
      %get3A_307 = arith.constant 0 : index
      %get3A_308 = vector.load %arg10[%get3A_306, %get3A_307] : memref<64x1xf32, #tpu.memory_space<vmem>>, vector<64x1xf32>
      %get3A_309 = arith.constant 0 : index
      %get3A_310 = arith.constant 0 : index
      %get3A_311 = vector.load %arg12[%get3A_309, %get3A_310] : memref<1x256xf32, #tpu.memory_space<vmem>>, vector<1x256xf32>
      %dot_general3A_312 = arith.constant dense<0.000000e+00> : vector<64x256xf32>
      %dot_general3A_313 = tpu.matmul %get3A_308, %get3A_311, %dot_general3A_312 {dimension_numbers = #tpu.dot_dimension_numbers<[1], [0], [0], [1], [0, 0, 1, 1], [], []>, transpose_lhs_hint = false} : vector<64x1xf32>, vector<1x256xf32>, vector<64x256xf32> -> vector<64x256xf32>
      %add3A_314 = arith.addf %dot_general3A_305, %dot_general3A_313 : vector<64x256xf32>
      %get3A_315 = arith.constant 0 : index
      %get3A_316 = arith.constant 0 : index
      %get3A_317 = vector.load %arg13[%get3A_315, %get3A_316] : memref<1x256xf32, #tpu.memory_space<vmem>>, vector<1x256xf32>
      %add3A_318 = vector.broadcast %get3A_317 : vector<1x256xf32> to vector<64x256xf32>
      %add3A_319 = arith.addf %add3A_314, %add3A_318 : vector<64x256xf32>
      %ge3A_320 = arith.constant 0.000000e+00 : f32
      %ge3A_321 = vector.broadcast %ge3A_320 : f32 to vector<64x256xf32>
      %ge3A_322 = arith.cmpf oge, %add3A_319, %ge3A_321 : vector<64x256xf32>
      %mul3A_323 = arith.constant 0.00999999977 : f32
      %mul3A_324 = vector.broadcast %mul3A_323 : f32 to vector<64x256xf32>
      %mul3A_325 = arith.mulf %mul3A_324, %add3A_319 : vector<64x256xf32>
      %select_n3A_326 = arith.select %ge3A_322, %add3A_319, %mul3A_325 : vector<64x256xi1>, vector<64x256xf32>
      %get3A_327 = arith.constant 0 : index
      %get3A_328 = arith.constant 0 : index
      %get3A_329 = vector.load %arg14[%get3A_327, %get3A_328] : memref<256x256xf32, #tpu.memory_space<vmem>>, vector<256x256xf32>
      %dot_general3A_330 = arith.constant dense<0.000000e+00> : vector<64x256xf32>
      %dot_general3A_331 = tpu.matmul %select_n3A_326, %get3A_329, %dot_general3A_330 {dimension_numbers = #tpu.dot_dimension_numbers<[1], [0], [0], [1], [0, 0, 1, 1], [], []>, transpose_lhs_hint = false} : vector<64x256xf32>, vector<256x256xf32>, vector<64x256xf32> -> vector<64x256xf32>
      %get3A_332 = arith.constant 0 : index
      %get3A_333 = arith.constant 0 : index
      %get3A_334 = vector.load %arg15[%get3A_332, %get3A_333] : memref<1x256xf32, #tpu.memory_space<vmem>>, vector<1x256xf32>
      %add3A_335 = vector.broadcast %get3A_334 : vector<1x256xf32> to vector<64x256xf32>
      %add3A_336 = arith.addf %dot_general3A_331, %add3A_335 : vector<64x256xf32>
      %ge3A_337 = arith.constant 0.000000e+00 : f32
      %ge3A_338 = vector.broadcast %ge3A_337 : f32 to vector<64x256xf32>
      %ge3A_339 = arith.cmpf oge, %add3A_336, %ge3A_338 : vector<64x256xf32>
      %mul3A_340 = arith.constant 0.00999999977 : f32
      %mul3A_341 = vector.broadcast %mul3A_340 : f32 to vector<64x256xf32>
      %mul3A_342 = arith.mulf %mul3A_341, %add3A_336 : vector<64x256xf32>
      %select_n3A_343 = arith.select %ge3A_339, %add3A_336, %mul3A_342 : vector<64x256xi1>, vector<64x256xf32>
      %get3A_344 = arith.constant 0 : index
      %get3A_345 = arith.constant 0 : index
      %get3A_346 = vector.load %arg16[%get3A_344, %get3A_345] : memref<256x128xf32, #tpu.memory_space<vmem>>, vector<256x128xf32>
      %dot_general3A_347 = arith.constant dense<0.000000e+00> : vector<64x128xf32>
      %dot_general3A_348 = tpu.matmul %select_n3A_343, %get3A_346, %dot_general3A_347 {dimension_numbers = #tpu.dot_dimension_numbers<[1], [0], [0], [1], [0, 0, 1, 1], [], []>, transpose_lhs_hint = false} : vector<64x256xf32>, vector<256x128xf32>, vector<64x128xf32> -> vector<64x128xf32>
      %get3A_349 = arith.constant 0 : index
      %get3A_350 = arith.constant 0 : index
      %get3A_351 = vector.load %arg17[%get3A_349, %get3A_350] : memref<1x128xf32, #tpu.memory_space<vmem>>, vector<1x128xf32>
      %add3A_352 = vector.broadcast %get3A_351 : vector<1x128xf32> to vector<64x128xf32>
      %add3A_353 = arith.addf %dot_general3A_348, %add3A_352 : vector<64x128xf32>
      %swap3A_354 = arith.constant 0 : index
      %swap3A_355 = arith.constant 0 : index
      %swap3A_356 = vector.load %arg18[%swap3A_354, %swap3A_355] : memref<64x128xf32, #tpu.memory_space<vmem>>, vector<64x128xf32>
      tpu.vector_store %arg18[%swap3A_354, %swap3A_355], %add3A_353 {strides = array<i32>} : memref<64x128xf32, #tpu.memory_space<vmem>>, vector<64x128xf32>,
    } else {
    }
    return
  }
  func.func @transform_0(%arg0: i32) -> (i32, i32) {
    %c0_i32 = arith.constant 0 : i32
    %c0_i32_0 = arith.constant 0 : i32
    return %arg0, %c0_i32 : i32, i32
  }
  func.func @transform_1(%arg0: i32) -> (i32, i32) {
    %c0_i32 = arith.constant 0 : i32
    %c0_i32_0 = arith.constant 0 : i32
    return %arg0, %c0_i32 : i32, i32
  }
  func.func @transform_2(%arg0: i32) -> (i32, i32) {
    %c0_i32 = arith.constant 0 : i32
    %c0_i32_0 = arith.constant 0 : i32
    return %arg0, %c0_i32 : i32, i32
  }
  func.func @transform_3(%arg0: i32) -> (i32, i32, i32) {
    %c0_i32 = arith.constant 0 : i32
    %c0_i32_0 = arith.constant 0 : i32
    %c0_i32_1 = arith.constant 0 : i32
    return %c0_i32, %arg0, %c0_i32_0 : i32, i32, i32
  }
  func.func @transform_4(%arg0: i32) -> (i32, i32) {
    %c0_i32 = arith.constant 0 : i32
    %c0_i32_0 = arith.constant 0 : i32
    %c0_i32_1 = arith.constant 0 : i32
    return %c0_i32, %c0_i32_0 : i32, i32
  }
  func.func @transform_5(%arg0: i32) -> (i32, i32, i32) {
    %c0_i32 = arith.constant 0 : i32
    %c0_i32_0 = arith.constant 0 : i32
    %c0_i32_1 = arith.constant 0 : i32
    return %arg0, %c0_i32, %c0_i32_0 : i32, i32, i32
  }
  func.func @transform_6(%arg0: i32) -> (i32, i32) {
    %c0_i32 = arith.constant 0 : i32
    %c0_i32_0 = arith.constant 0 : i32
    %c0_i32_1 = arith.constant 0 : i32
    return %c0_i32, %c0_i32_0 : i32, i32
  }
  func.func @transform_7(%arg0: i32) -> (i32, i32) {
    %c0_i32 = arith.constant 0 : i32
    %c0_i32_0 = arith.constant 0 : i32
    %c0_i32_1 = arith.constant 0 : i32
    return %c0_i32, %c0_i32_0 : i32, i32
  }
  func.func @transform_8(%arg0: i32) -> (i32, i32) {
    %c0_i32 = arith.constant 0 : i32
    %c0_i32_0 = arith.constant 0 : i32
    %c0_i32_1 = arith.constant 0 : i32
    return %c0_i32, %c0_i32_0 : i32, i32
  }
  func.func @transform_9(%arg0: i32) -> (i32, i32) {
    %c0_i32 = arith.constant 0 : i32
    %c0_i32_0 = arith.constant 0 : i32
    %c0_i32_1 = arith.constant 0 : i32
    return %c0_i32, %c0_i32_0 : i32, i32
  }
  func.func @transform_10(%arg0: i32) -> (i32, i32) {
    %c0_i32 = arith.constant 0 : i32
    %c0_i32_0 = arith.constant 0 : i32
    %c0_i32_1 = arith.constant 0 : i32
    return %c0_i32, %c0_i32_0 : i32, i32
  }
  func.func @transform_11(%arg0: i32) -> (i32, i32) {
    %c0_i32 = arith.constant 0 : i32
    %c0_i32_0 = arith.constant 0 : i32
    %c0_i32_1 = arith.constant 0 : i32
    return %c0_i32, %c0_i32_0 : i32, i32
  }
  func.func @transform_12(%arg0: i32) -> (i32, i32) {
    %c0_i32 = arith.constant 0 : i32
    %c0_i32_0 = arith.constant 0 : i32
    %c0_i32_1 = arith.constant 0 : i32
    return %c0_i32, %c0_i32_0 : i32, i32
  }
  func.func @transform_13(%arg0: i32) -> (i32, i32) {
    %c0_i32 = arith.constant 0 : i32
    %c0_i32_0 = arith.constant 0 : i32
    %c0_i32_1 = arith.constant 0 : i32
    return %c0_i32, %c0_i32_0 : i32, i32
  }
  func.func @transform_14(%arg0: i32) -> (i32, i32) {
    %c0_i32 = arith.constant 0 : i32
    %c0_i32_0 = arith.constant 0 : i32
    %c0_i32_1 = arith.constant 0 : i32
    return %c0_i32, %c0_i32_0 : i32, i32
  }
  func.func @transform_15(%arg0: i32) -> (i32, i32) {
    %c0_i32 = arith.constant 0 : i32
    %c0_i32_0 = arith.constant 0 : i32
    %c0_i32_1 = arith.constant 0 : i32
    return %c0_i32, %c0_i32_0 : i32, i32
  }
  func.func @transform_16(%arg0: i32) -> (i32, i32) {
    %c0_i32 = arith.constant 0 : i32
    %c0_i32_0 = arith.constant 0 : i32
    %c0_i32_1 = arith.constant 0 : i32
    return %c0_i32, %c0_i32_0 : i32, i32
  }
  func.func @transform_17(%arg0: i32) -> (i32, i32) {
    %c0_i32 = arith.constant 0 : i32
    %c0_i32_0 = arith.constant 0 : i32
    %c0_i32_1 = arith.constant 0 : i32
    return %c0_i32, %c0_i32_0 : i32, i32
  }
}

module attributes {stable_mosaic.version = 14 : i64} {
  func.func @body(%arg0: i32, %arg1: memref<1024x128xf32, #tpu.memory_space<vmem>>, %arg2: memref<1024x64xf32, #tpu.memory_space<vmem>>, %arg3: memref<1024x32xf32, #tpu.memory_space<vmem>>, %arg4: memref<2x1024x16xf32, #tpu.memory_space<vmem>>, %arg5: memref<1x128xf32, #tpu.memory_space<vmem>>, %arg6: memref<1x1x1024xi32, #tpu.memory_space<vmem>>, %arg7: memref<128x64xf32, #tpu.memory_space<vmem>>, %arg8: memref<128x32xf32, #tpu.memory_space<vmem>>, %arg9: memref<1x32xf32, #tpu.memory_space<vmem>>, %arg10: memref<1024x64xf32, #tpu.memory_space<vmem>>, %arg11: memref<1024x32xf32, #tpu.memory_space<vmem>>, %arg12: memref<64x128xf32, #tpu.memory_space<vmem>>, %arg13: memref<64x128xf32, #tpu.memory_space<vmem>>) attributes {dimension_semantics = [#tpu.dimension_semantics<arbitrary>], iteration_bounds = array<i64: 10>, scalar_prefetch = 0 : i64, scratch_operands = 1 : i64, tpu.core_type = #tpu.core_type<tc>, window_params = [{transform_indices = @transform_0, window_bounds = array<i64: 1024, 128>}, {transform_indices = @transform_1, window_bounds = array<i64: 1024, 64>}, {transform_indices = @transform_2, window_bounds = array<i64: 1024, 32>}, {transform_indices = @transform_3, window_bounds = array<i64: 2, 1024, 16>}, {pipeline_mode = #tpu.pipeline_mode<synchronous>, transform_indices = @transform_4, window_bounds = array<i64: 1, 128>}, {transform_indices = @transform_5, window_bounds = array<i64: 1, 1, 1024>}, {pipeline_mode = #tpu.pipeline_mode<synchronous>, transform_indices = @transform_6, window_bounds = array<i64: 128, 64>}, {pipeline_mode = #tpu.pipeline_mode<synchronous>, transform_indices = @transform_7, window_bounds = array<i64: 128, 32>}, {pipeline_mode = #tpu.pipeline_mode<synchronous>, transform_indices = @transform_8, window_bounds = array<i64: 1, 32>}, {transform_indices = @transform_9, window_bounds = array<i64: 1024, 64>}, {transform_indices = @transform_10, window_bounds = array<i64: 1024, 32>}, {pipeline_mode = #tpu.pipeline_mode<synchronous>, transform_indices = @transform_11, window_bounds = array<i64: 64, 128>}]} {
    %eq3A = arith.constant 0 : i32
    %eq3A_0 = arith.cmpi eq, %arg0, %eq3A : i32
    %convert_element_type3A = arith.extui %eq3A_0 : i1 to i32
    %cond3A = arith.constant 0 : i32
    %cond3A_1 = arith.cmpi ne, %convert_element_type3A, %cond3A : i32
    scf.if %cond3A_1 {
      %broadcast_in_dim3A_290 = arith.constant 0.000000e+00 : f32
      %broadcast_in_dim3A_291 = vector.broadcast %broadcast_in_dim3A_290 : f32 to vector<64x128xf32>
      %swap3A_292 = arith.constant 0 : index
      %swap3A_293 = arith.constant 0 : index
      %swap3A_294 = vector.load %arg13[%swap3A_292, %swap3A_293] : memref<64x128xf32, #tpu.memory_space<vmem>>, vector<64x128xf32>
      tpu.vector_store %arg13[%swap3A_292, %swap3A_293], %broadcast_in_dim3A_291 {strides = array<i32>} : memref<64x128xf32, #tpu.memory_space<vmem>>, vector<64x128xf32>,
    } else {
    }
    %get3A = arith.constant 0 : index
    %get3A_2 = arith.constant 0 : index
    %get3A_3 = arith.constant 0 : index
    %get3A_4 = vector.load %arg4[%get3A, %get3A_2, %get3A_3] : memref<2x1024x16xf32, #tpu.memory_space<vmem>>, vector<1x1024x16xf32>
    %get3A_5 = vector.shape_cast %get3A_4 : vector<1x1024x16xf32> to vector<1024x16xf32>
    %slice3A = vector.extract_strided_slice %get3A_5 {offsets = [0, 0], sizes = [1024, 1], strides = [1, 1]} : vector<1024x16xf32> to vector<1024x1xf32>
    %add3A = arith.constant 1.000000e+00 : f32
    %add3A_6 = vector.broadcast %add3A : f32 to vector<1024x1xf32>
    %add3A_7 = arith.addf %add3A_6, %slice3A : vector<1024x1xf32>
    %get3A_8 = arith.constant 1 : index
    %get3A_9 = arith.constant 0 : index
    %get3A_10 = arith.constant 0 : index
    %get3A_11 = vector.load %arg4[%get3A_8, %get3A_9, %get3A_10] : memref<2x1024x16xf32, #tpu.memory_space<vmem>>, vector<1x1024x16xf32>
    %get3A_12 = vector.shape_cast %get3A_11 : vector<1x1024x16xf32> to vector<1024x16xf32>
    %slice3A_13 = vector.extract_strided_slice %get3A_12 {offsets = [0, 0], sizes = [1024, 1], strides = [1, 1]} : vector<1024x16xf32> to vector<1024x1xf32>
    %add3A_14 = arith.addf %add3A_7, %slice3A_13 : vector<1024x1xf32>
    %rsqrt3A = math.rsqrt %add3A_14 : vector<1024x1xf32>
    %get3A_15 = arith.constant 0 : index
    %get3A_16 = arith.constant 0 : index
    %get3A_17 = vector.load %arg1[%get3A_15, %get3A_16] : memref<1024x128xf32, #tpu.memory_space<vmem>>, vector<1024x128xf32>
    %slice3A_18 = vector.extract_strided_slice %get3A_17 {offsets = [0, 0], sizes = [1024, 64], strides = [1, 1]} : vector<1024x128xf32> to vector<1024x64xf32>
    %slice3A_19 = vector.extract_strided_slice %get3A_17 {offsets = [0, 64], sizes = [1024, 64], strides = [1, 1]} : vector<1024x128xf32> to vector<1024x64xf32>
    %add3A_20 = arith.addf %slice3A_18, %slice3A_19 : vector<1024x64xf32>
    %get3A_21 = arith.constant 0 : index
    %get3A_22 = arith.constant 0 : index
    %get3A_23 = vector.load %arg2[%get3A_21, %get3A_22] : memref<1024x64xf32, #tpu.memory_space<vmem>>, vector<1024x64xf32>
    %add3A_24 = arith.addf %add3A_20, %get3A_23 : vector<1024x64xf32>
    %mul3A = vector.broadcast %rsqrt3A : vector<1024x1xf32> to vector<1024x64xf32>
    %mul3A_25 = arith.mulf %add3A_24, %mul3A : vector<1024x64xf32>
    %get3A_26 = arith.constant 0 : index
    %get3A_27 = arith.constant 0 : index
    %get3A_28 = vector.load %arg3[%get3A_26, %get3A_27] : memref<1024x32xf32, #tpu.memory_space<vmem>>, vector<1024x32xf32>
    %iota3A = tpu.iota {dimensions = array<i32: 1>} : vector<16x128xi32>
    %iota3A_29 = tpu.iota {dimensions = array<i32: 0>} : vector<16x128xi32>
    %jit3A = arith.constant 16 : i32
    %eq3A_30 = arith.constant 0 : i32
    %eq3A_31 = arith.cmpi eq, %jit3A, %eq3A_30 : i32
    %jit3A_32 = arith.constant 1 : i32
    %select_n3A = arith.select %eq3A_31, %jit3A_32, %jit3A : i32
    %rem3A = vector.broadcast %select_n3A : i32 to vector<16x128xi32>
    %rem3A_33 = arith.remsi %iota3A, %rem3A : vector<16x128xi32>
    %ne3A = arith.constant 0 : i32
    %ne3A_34 = vector.broadcast %ne3A : i32 to vector<16x128xi32>
    %ne3A_35 = arith.cmpi ne, %rem3A_33, %ne3A_34 : vector<16x128xi32>
    %lt3A = arith.constant 0 : i32
    %lt3A_36 = vector.broadcast %lt3A : i32 to vector<16x128xi32>
    %lt3A_37 = arith.cmpi slt, %rem3A_33, %lt3A_36 : vector<16x128xi32>
    %lt3A_38 = arith.constant 0 : i32
    %lt3A_39 = arith.cmpi slt, %select_n3A, %lt3A_38 : i32
    %ne3A_40 = vector.broadcast %lt3A_39 : i1 to vector<16x128xi1>
    %ne3A_41 = vector.broadcast %ne3A_40 : vector<16x128xi1> to vector<16x128xi1>
    %ne3A_42 = arith.xori %lt3A_37, %ne3A_41 : vector<16x128xi1>
    %and3A = arith.andi %ne3A_42, %ne3A_35 : vector<16x128xi1>
    %add3A_43 = vector.broadcast %select_n3A : i32 to vector<16x128xi32>
    %add3A_44 = arith.addi %rem3A_33, %add3A_43 : vector<16x128xi32>
    %select_n3A_45 = arith.select %and3A, %add3A_44, %rem3A_33 : vector<16x128xi1>, vector<16x128xi32>
    %eq3A_46 = arith.cmpi eq, %select_n3A_45, %iota3A_29 : vector<16x128xi32>
    %convert_element_type3A_47 = arith.extui %eq3A_46 : vector<16x128xi1> to vector<16x128xi32>
    %convert_element_type3A_48 = arith.sitofp %convert_element_type3A_47 : vector<16x128xi32> to vector<16x128xf32>
    %iota3A_49 = tpu.iota {dimensions = array<i32: 1>} : vector<32x128xi32>
    %iota3A_50 = tpu.iota {dimensions = array<i32: 0>} : vector<32x128xi32>
    %jit3A_51 = arith.constant 16 : i32
    %div3A = vector.broadcast %jit3A_51 : i32 to vector<32x128xi32>
    %div3A_52 = arith.divsi %iota3A_49, %div3A : vector<32x128xi32>
    %sign3A = arith.constant 0 : i32
    %sign3A_53 = vector.broadcast %sign3A : i32 to vector<32x128xi32>
    %sign3A_54 = arith.cmpi sgt, %iota3A_49, %sign3A_53 : vector<32x128xi32>
    %sign3A_55 = arith.extui %sign3A_54 : vector<32x128xi1> to vector<32x128xi32>
    %sign3A_56 = arith.constant 0 : i32
    %sign3A_57 = vector.broadcast %sign3A_56 : i32 to vector<32x128xi32>
    %sign3A_58 = arith.cmpi slt, %iota3A_49, %sign3A_57 : vector<32x128xi32>
    %sign3A_59 = arith.extui %sign3A_58 : vector<32x128xi1> to vector<32x128xi32>
    %sign3A_60 = arith.subi %sign3A_55, %sign3A_59 : vector<32x128xi32>
    %sign3A_61 = arith.constant 0 : i32
    %sign3A_62 = arith.cmpi sgt, %jit3A_51, %sign3A_61 : i32
    %sign3A_63 = arith.extui %sign3A_62 : i1 to i32
    %sign3A_64 = arith.constant 0 : i32
    %sign3A_65 = arith.cmpi slt, %jit3A_51, %sign3A_64 : i32
    %sign3A_66 = arith.extui %sign3A_65 : i1 to i32
    %sign3A_67 = arith.subi %sign3A_63, %sign3A_66 : i32
    %ne3A_68 = vector.broadcast %sign3A_67 : i32 to vector<32x128xi32>
    %ne3A_69 = arith.cmpi ne, %sign3A_60, %ne3A_68 : vector<32x128xi32>
    %rem3A_70 = vector.broadcast %jit3A_51 : i32 to vector<32x128xi32>
    %rem3A_71 = arith.remsi %iota3A_49, %rem3A_70 : vector<32x128xi32>
    %ne3A_72 = arith.constant 0 : i32
    %ne3A_73 = vector.broadcast %ne3A_72 : i32 to vector<32x128xi32>
    %ne3A_74 = arith.cmpi ne, %rem3A_71, %ne3A_73 : vector<32x128xi32>
    %and3A_75 = arith.andi %ne3A_69, %ne3A_74 : vector<32x128xi1>
    %sub3A = arith.constant 1 : i32
    %sub3A_76 = vector.broadcast %sub3A : i32 to vector<32x128xi32>
    %sub3A_77 = arith.subi %div3A_52, %sub3A_76 : vector<32x128xi32>
    %select_n3A_78 = arith.select %and3A_75, %sub3A_77, %div3A_52 : vector<32x128xi1>, vector<32x128xi32>
    %mul3A_79 = arith.constant 4 : i32
    %mul3A_80 = vector.broadcast %mul3A_79 : i32 to vector<32x128xi32>
    %mul3A_81 = arith.muli %mul3A_80, %select_n3A_78 : vector<32x128xi32>
    %add3A_82 = arith.constant 0 : i32
    %add3A_83 = vector.broadcast %add3A_82 : i32 to vector<32x128xi32>
    %add3A_84 = arith.addi %mul3A_81, %add3A_83 : vector<32x128xi32>
    %eq3A_85 = arith.cmpi eq, %iota3A_50, %add3A_84 : vector<32x128xi32>
    %convert_element_type3A_86 = arith.extui %eq3A_85 : vector<32x128xi1> to vector<32x128xi32>
    %convert_element_type3A_87 = arith.sitofp %convert_element_type3A_86 : vector<32x128xi32> to vector<32x128xf32>
    %dot_general3A = arith.constant dense<0.000000e+00> : vector<1024x128xf32>
    %dot_general3A_88 = tpu.matmul %get3A_28, %convert_element_type3A_87, %dot_general3A {dimension_numbers = #tpu.dot_dimension_numbers<[1], [0], [0], [1], [0, 0, 1, 1], [], []>, transpose_lhs_hint = false} : vector<1024x32xf32>, vector<32x128xf32>, vector<1024x128xf32> -> vector<1024x128xf32>
    %slice3A_89 = vector.extract_strided_slice %mul3A_25 {offsets = [0, 0], sizes = [1024, 16], strides = [1, 1]} : vector<1024x64xf32> to vector<1024x16xf32>
    %dot_general3A_90 = arith.constant dense<0.000000e+00> : vector<1024x128xf32>
    %dot_general3A_91 = tpu.matmul %slice3A_89, %convert_element_type3A_48, %dot_general3A_90 {dimension_numbers = #tpu.dot_dimension_numbers<[1], [0], [0], [1], [0, 0, 1, 1], [], []>, transpose_lhs_hint = false} : vector<1024x16xf32>, vector<16x128xf32>, vector<1024x128xf32> -> vector<1024x128xf32>
    %mul3A_92 = arith.mulf %dot_general3A_88, %dot_general3A_91 : vector<1024x128xf32>
    %jit3A_93 = arith.constant 16 : i32
    %div3A_94 = vector.broadcast %jit3A_93 : i32 to vector<32x128xi32>
    %div3A_95 = arith.divsi %iota3A_49, %div3A_94 : vector<32x128xi32>
    %sign3A_96 = arith.constant 0 : i32
    %sign3A_97 = vector.broadcast %sign3A_96 : i32 to vector<32x128xi32>
    %sign3A_98 = arith.cmpi sgt, %iota3A_49, %sign3A_97 : vector<32x128xi32>
    %sign3A_99 = arith.extui %sign3A_98 : vector<32x128xi1> to vector<32x128xi32>
    %sign3A_100 = arith.constant 0 : i32
    %sign3A_101 = vector.broadcast %sign3A_100 : i32 to vector<32x128xi32>
    %sign3A_102 = arith.cmpi slt, %iota3A_49, %sign3A_101 : vector<32x128xi32>
    %sign3A_103 = arith.extui %sign3A_102 : vector<32x128xi1> to vector<32x128xi32>
    %sign3A_104 = arith.subi %sign3A_99, %sign3A_103 : vector<32x128xi32>
    %sign3A_105 = arith.constant 0 : i32
    %sign3A_106 = arith.cmpi sgt, %jit3A_93, %sign3A_105 : i32
    %sign3A_107 = arith.extui %sign3A_106 : i1 to i32
    %sign3A_108 = arith.constant 0 : i32
    %sign3A_109 = arith.cmpi slt, %jit3A_93, %sign3A_108 : i32
    %sign3A_110 = arith.extui %sign3A_109 : i1 to i32
    %sign3A_111 = arith.subi %sign3A_107, %sign3A_110 : i32
    %ne3A_112 = vector.broadcast %sign3A_111 : i32 to vector<32x128xi32>
    %ne3A_113 = arith.cmpi ne, %sign3A_104, %ne3A_112 : vector<32x128xi32>
    %rem3A_114 = vector.broadcast %jit3A_93 : i32 to vector<32x128xi32>
    %rem3A_115 = arith.remsi %iota3A_49, %rem3A_114 : vector<32x128xi32>
    %ne3A_116 = arith.constant 0 : i32
    %ne3A_117 = vector.broadcast %ne3A_116 : i32 to vector<32x128xi32>
    %ne3A_118 = arith.cmpi ne, %rem3A_115, %ne3A_117 : vector<32x128xi32>
    %and3A_119 = arith.andi %ne3A_113, %ne3A_118 : vector<32x128xi1>
    %sub3A_120 = arith.constant 1 : i32
    %sub3A_121 = vector.broadcast %sub3A_120 : i32 to vector<32x128xi32>
    %sub3A_122 = arith.subi %div3A_95, %sub3A_121 : vector<32x128xi32>
    %select_n3A_123 = arith.select %and3A_119, %sub3A_122, %div3A_95 : vector<32x128xi1>, vector<32x128xi32>
    %mul3A_124 = arith.constant 4 : i32
    %mul3A_125 = vector.broadcast %mul3A_124 : i32 to vector<32x128xi32>
    %mul3A_126 = arith.muli %mul3A_125, %select_n3A_123 : vector<32x128xi32>
    %add3A_127 = arith.constant 1 : i32
    %add3A_128 = vector.broadcast %add3A_127 : i32 to vector<32x128xi32>
    %add3A_129 = arith.addi %mul3A_126, %add3A_128 : vector<32x128xi32>
    %eq3A_130 = arith.cmpi eq, %iota3A_50, %add3A_129 : vector<32x128xi32>
    %convert_element_type3A_131 = arith.extui %eq3A_130 : vector<32x128xi1> to vector<32x128xi32>
    %convert_element_type3A_132 = arith.sitofp %convert_element_type3A_131 : vector<32x128xi32> to vector<32x128xf32>
    %dot_general3A_133 = arith.constant dense<0.000000e+00> : vector<1024x128xf32>
    %dot_general3A_134 = tpu.matmul %get3A_28, %convert_element_type3A_132, %dot_general3A_133 {dimension_numbers = #tpu.dot_dimension_numbers<[1], [0], [0], [1], [0, 0, 1, 1], [], []>, transpose_lhs_hint = false} : vector<1024x32xf32>, vector<32x128xf32>, vector<1024x128xf32> -> vector<1024x128xf32>
    %slice3A_135 = vector.extract_strided_slice %mul3A_25 {offsets = [0, 16], sizes = [1024, 16], strides = [1, 1]} : vector<1024x64xf32> to vector<1024x16xf32>
    %dot_general3A_136 = arith.constant dense<0.000000e+00> : vector<1024x128xf32>
    %dot_general3A_137 = tpu.matmul %slice3A_135, %convert_element_type3A_48, %dot_general3A_136 {dimension_numbers = #tpu.dot_dimension_numbers<[1], [0], [0], [1], [0, 0, 1, 1], [], []>, transpose_lhs_hint = false} : vector<1024x16xf32>, vector<16x128xf32>, vector<1024x128xf32> -> vector<1024x128xf32>
    %mul3A_138 = arith.mulf %dot_general3A_134, %dot_general3A_137 : vector<1024x128xf32>
    %add3A_139 = arith.addf %mul3A_92, %mul3A_138 : vector<1024x128xf32>
    %jit3A_140 = arith.constant 16 : i32
    %div3A_141 = vector.broadcast %jit3A_140 : i32 to vector<32x128xi32>
    %div3A_142 = arith.divsi %iota3A_49, %div3A_141 : vector<32x128xi32>
    %sign3A_143 = arith.constant 0 : i32
    %sign3A_144 = vector.broadcast %sign3A_143 : i32 to vector<32x128xi32>
    %sign3A_145 = arith.cmpi sgt, %iota3A_49, %sign3A_144 : vector<32x128xi32>
    %sign3A_146 = arith.extui %sign3A_145 : vector<32x128xi1> to vector<32x128xi32>
    %sign3A_147 = arith.constant 0 : i32
    %sign3A_148 = vector.broadcast %sign3A_147 : i32 to vector<32x128xi32>
    %sign3A_149 = arith.cmpi slt, %iota3A_49, %sign3A_148 : vector<32x128xi32>
    %sign3A_150 = arith.extui %sign3A_149 : vector<32x128xi1> to vector<32x128xi32>
    %sign3A_151 = arith.subi %sign3A_146, %sign3A_150 : vector<32x128xi32>
    %sign3A_152 = arith.constant 0 : i32
    %sign3A_153 = arith.cmpi sgt, %jit3A_140, %sign3A_152 : i32
    %sign3A_154 = arith.extui %sign3A_153 : i1 to i32
    %sign3A_155 = arith.constant 0 : i32
    %sign3A_156 = arith.cmpi slt, %jit3A_140, %sign3A_155 : i32
    %sign3A_157 = arith.extui %sign3A_156 : i1 to i32
    %sign3A_158 = arith.subi %sign3A_154, %sign3A_157 : i32
    %ne3A_159 = vector.broadcast %sign3A_158 : i32 to vector<32x128xi32>
    %ne3A_160 = arith.cmpi ne, %sign3A_151, %ne3A_159 : vector<32x128xi32>
    %rem3A_161 = vector.broadcast %jit3A_140 : i32 to vector<32x128xi32>
    %rem3A_162 = arith.remsi %iota3A_49, %rem3A_161 : vector<32x128xi32>
    %ne3A_163 = arith.constant 0 : i32
    %ne3A_164 = vector.broadcast %ne3A_163 : i32 to vector<32x128xi32>
    %ne3A_165 = arith.cmpi ne, %rem3A_162, %ne3A_164 : vector<32x128xi32>
    %and3A_166 = arith.andi %ne3A_160, %ne3A_165 : vector<32x128xi1>
    %sub3A_167 = arith.constant 1 : i32
    %sub3A_168 = vector.broadcast %sub3A_167 : i32 to vector<32x128xi32>
    %sub3A_169 = arith.subi %div3A_142, %sub3A_168 : vector<32x128xi32>
    %select_n3A_170 = arith.select %and3A_166, %sub3A_169, %div3A_142 : vector<32x128xi1>, vector<32x128xi32>
    %mul3A_171 = arith.constant 4 : i32
    %mul3A_172 = vector.broadcast %mul3A_171 : i32 to vector<32x128xi32>
    %mul3A_173 = arith.muli %mul3A_172, %select_n3A_170 : vector<32x128xi32>
    %add3A_174 = arith.constant 2 : i32
    %add3A_175 = vector.broadcast %add3A_174 : i32 to vector<32x128xi32>
    %add3A_176 = arith.addi %mul3A_173, %add3A_175 : vector<32x128xi32>
    %eq3A_177 = arith.cmpi eq, %iota3A_50, %add3A_176 : vector<32x128xi32>
    %convert_element_type3A_178 = arith.extui %eq3A_177 : vector<32x128xi1> to vector<32x128xi32>
    %convert_element_type3A_179 = arith.sitofp %convert_element_type3A_178 : vector<32x128xi32> to vector<32x128xf32>
    %dot_general3A_180 = arith.constant dense<0.000000e+00> : vector<1024x128xf32>
    %dot_general3A_181 = tpu.matmul %get3A_28, %convert_element_type3A_179, %dot_general3A_180 {dimension_numbers = #tpu.dot_dimension_numbers<[1], [0], [0], [1], [0, 0, 1, 1], [], []>, transpose_lhs_hint = false} : vector<1024x32xf32>, vector<32x128xf32>, vector<1024x128xf32> -> vector<1024x128xf32>
    %slice3A_182 = vector.extract_strided_slice %mul3A_25 {offsets = [0, 32], sizes = [1024, 16], strides = [1, 1]} : vector<1024x64xf32> to vector<1024x16xf32>
    %dot_general3A_183 = arith.constant dense<0.000000e+00> : vector<1024x128xf32>
    %dot_general3A_184 = tpu.matmul %slice3A_182, %convert_element_type3A_48, %dot_general3A_183 {dimension_numbers = #tpu.dot_dimension_numbers<[1], [0], [0], [1], [0, 0, 1, 1], [], []>, transpose_lhs_hint = false} : vector<1024x16xf32>, vector<16x128xf32>, vector<1024x128xf32> -> vector<1024x128xf32>
    %mul3A_185 = arith.mulf %dot_general3A_181, %dot_general3A_184 : vector<1024x128xf32>
    %add3A_186 = arith.addf %add3A_139, %mul3A_185 : vector<1024x128xf32>
    %jit3A_187 = arith.constant 16 : i32
    %div3A_188 = vector.broadcast %jit3A_187 : i32 to vector<32x128xi32>
    %div3A_189 = arith.divsi %iota3A_49, %div3A_188 : vector<32x128xi32>
    %sign3A_190 = arith.constant 0 : i32
    %sign3A_191 = vector.broadcast %sign3A_190 : i32 to vector<32x128xi32>
    %sign3A_192 = arith.cmpi sgt, %iota3A_49, %sign3A_191 : vector<32x128xi32>
    %sign3A_193 = arith.extui %sign3A_192 : vector<32x128xi1> to vector<32x128xi32>
    %sign3A_194 = arith.constant 0 : i32
    %sign3A_195 = vector.broadcast %sign3A_194 : i32 to vector<32x128xi32>
    %sign3A_196 = arith.cmpi slt, %iota3A_49, %sign3A_195 : vector<32x128xi32>
    %sign3A_197 = arith.extui %sign3A_196 : vector<32x128xi1> to vector<32x128xi32>
    %sign3A_198 = arith.subi %sign3A_193, %sign3A_197 : vector<32x128xi32>
    %sign3A_199 = arith.constant 0 : i32
    %sign3A_200 = arith.cmpi sgt, %jit3A_187, %sign3A_199 : i32
    %sign3A_201 = arith.extui %sign3A_200 : i1 to i32
    %sign3A_202 = arith.constant 0 : i32
    %sign3A_203 = arith.cmpi slt, %jit3A_187, %sign3A_202 : i32
    %sign3A_204 = arith.extui %sign3A_203 : i1 to i32
    %sign3A_205 = arith.subi %sign3A_201, %sign3A_204 : i32
    %ne3A_206 = vector.broadcast %sign3A_205 : i32 to vector<32x128xi32>
    %ne3A_207 = arith.cmpi ne, %sign3A_198, %ne3A_206 : vector<32x128xi32>
    %rem3A_208 = vector.broadcast %jit3A_187 : i32 to vector<32x128xi32>
    %rem3A_209 = arith.remsi %iota3A_49, %rem3A_208 : vector<32x128xi32>
    %ne3A_210 = arith.constant 0 : i32
    %ne3A_211 = vector.broadcast %ne3A_210 : i32 to vector<32x128xi32>
    %ne3A_212 = arith.cmpi ne, %rem3A_209, %ne3A_211 : vector<32x128xi32>
    %and3A_213 = arith.andi %ne3A_207, %ne3A_212 : vector<32x128xi1>
    %sub3A_214 = arith.constant 1 : i32
    %sub3A_215 = vector.broadcast %sub3A_214 : i32 to vector<32x128xi32>
    %sub3A_216 = arith.subi %div3A_189, %sub3A_215 : vector<32x128xi32>
    %select_n3A_217 = arith.select %and3A_213, %sub3A_216, %div3A_189 : vector<32x128xi1>, vector<32x128xi32>
    %mul3A_218 = arith.constant 4 : i32
    %mul3A_219 = vector.broadcast %mul3A_218 : i32 to vector<32x128xi32>
    %mul3A_220 = arith.muli %mul3A_219, %select_n3A_217 : vector<32x128xi32>
    %add3A_221 = arith.constant 3 : i32
    %add3A_222 = vector.broadcast %add3A_221 : i32 to vector<32x128xi32>
    %add3A_223 = arith.addi %mul3A_220, %add3A_222 : vector<32x128xi32>
    %eq3A_224 = arith.cmpi eq, %iota3A_50, %add3A_223 : vector<32x128xi32>
    %convert_element_type3A_225 = arith.extui %eq3A_224 : vector<32x128xi1> to vector<32x128xi32>
    %convert_element_type3A_226 = arith.sitofp %convert_element_type3A_225 : vector<32x128xi32> to vector<32x128xf32>
    %dot_general3A_227 = arith.constant dense<0.000000e+00> : vector<1024x128xf32>
    %dot_general3A_228 = tpu.matmul %get3A_28, %convert_element_type3A_226, %dot_general3A_227 {dimension_numbers = #tpu.dot_dimension_numbers<[1], [0], [0], [1], [0, 0, 1, 1], [], []>, transpose_lhs_hint = false} : vector<1024x32xf32>, vector<32x128xf32>, vector<1024x128xf32> -> vector<1024x128xf32>
    %slice3A_229 = vector.extract_strided_slice %mul3A_25 {offsets = [0, 48], sizes = [1024, 16], strides = [1, 1]} : vector<1024x64xf32> to vector<1024x16xf32>
    %dot_general3A_230 = arith.constant dense<0.000000e+00> : vector<1024x128xf32>
    %dot_general3A_231 = tpu.matmul %slice3A_229, %convert_element_type3A_48, %dot_general3A_230 {dimension_numbers = #tpu.dot_dimension_numbers<[1], [0], [0], [1], [0, 0, 1, 1], [], []>, transpose_lhs_hint = false} : vector<1024x16xf32>, vector<16x128xf32>, vector<1024x128xf32> -> vector<1024x128xf32>
    %mul3A_232 = arith.mulf %dot_general3A_228, %dot_general3A_231 : vector<1024x128xf32>
    %add3A_233 = arith.addf %add3A_186, %mul3A_232 : vector<1024x128xf32>
    %get3A_234 = arith.constant 0 : index
    %get3A_235 = arith.constant 0 : index
    %get3A_236 = vector.load %arg5[%get3A_234, %get3A_235] : memref<1x128xf32, #tpu.memory_space<vmem>>, vector<1x128xf32>
    %add3A_237 = vector.broadcast %get3A_236 : vector<1x128xf32> to vector<1024x128xf32>
    %add3A_238 = arith.addf %add3A_233, %add3A_237 : vector<1024x128xf32>
    %ge3A = arith.constant 0.000000e+00 : f32
    %ge3A_239 = vector.broadcast %ge3A : f32 to vector<1024x128xf32>
    %ge3A_240 = arith.cmpf oge, %add3A_238, %ge3A_239 : vector<1024x128xf32>
    %mul3A_241 = arith.constant 0.00999999977 : f32
    %mul3A_242 = vector.broadcast %mul3A_241 : f32 to vector<1024x128xf32>
    %mul3A_243 = arith.mulf %mul3A_242, %add3A_238 : vector<1024x128xf32>
    %select_n3A_244 = arith.select %ge3A_240, %add3A_238, %mul3A_243 : vector<1024x128xi1>, vector<1024x128xf32>
    %get3A_245 = arith.constant 0 : index
    %get3A_246 = arith.constant 0 : index
    %get3A_247 = vector.load %arg7[%get3A_245, %get3A_246] : memref<128x64xf32, #tpu.memory_space<vmem>>, vector<128x64xf32>
    %dot_general3A_248 = arith.constant dense<0.000000e+00> : vector<1024x64xf32>
    %dot_general3A_249 = tpu.matmul %select_n3A_244, %get3A_247, %dot_general3A_248 {dimension_numbers = #tpu.dot_dimension_numbers<[1], [0], [0], [1], [0, 0, 1, 1], [], []>, transpose_lhs_hint = false} : vector<1024x128xf32>, vector<128x64xf32>, vector<1024x64xf32> -> vector<1024x64xf32>
    %mul3A_250 = vector.broadcast %rsqrt3A : vector<1024x1xf32> to vector<1024x64xf32>
    %mul3A_251 = arith.mulf %dot_general3A_249, %mul3A_250 : vector<1024x64xf32>
    %swap3A = arith.constant 0 : index
    %swap3A_252 = arith.constant 0 : index
    %swap3A_253 = vector.load %arg10[%swap3A, %swap3A_252] : memref<1024x64xf32, #tpu.memory_space<vmem>>, vector<1024x64xf32>
    tpu.vector_store %arg10[%swap3A, %swap3A_252], %mul3A_251 {strides = array<i32>} : memref<1024x64xf32, #tpu.memory_space<vmem>>, vector<1024x64xf32>,
    %get3A_254 = arith.constant 0 : index
    %get3A_255 = arith.constant 0 : index
    %get3A_256 = vector.load %arg8[%get3A_254, %get3A_255] : memref<128x32xf32, #tpu.memory_space<vmem>>, vector<128x32xf32>
    %dot_general3A_257 = arith.constant dense<0.000000e+00> : vector<1024x32xf32>
    %dot_general3A_258 = tpu.matmul %select_n3A_244, %get3A_256, %dot_general3A_257 {dimension_numbers = #tpu.dot_dimension_numbers<[1], [0], [0], [1], [0, 0, 1, 1], [], []>, transpose_lhs_hint = false} : vector<1024x128xf32>, vector<128x32xf32>, vector<1024x32xf32> -> vector<1024x32xf32>
    %get3A_259 = arith.constant 0 : index
    %get3A_260 = arith.constant 0 : index
    %get3A_261 = vector.load %arg9[%get3A_259, %get3A_260] : memref<1x32xf32, #tpu.memory_space<vmem>>, vector<1x32xf32>
    %add3A_262 = vector.broadcast %get3A_261 : vector<1x32xf32> to vector<1024x32xf32>
    %add3A_263 = arith.addf %dot_general3A_258, %add3A_262 : vector<1024x32xf32>
    %swap3A_264 = arith.constant 0 : index
    %swap3A_265 = arith.constant 0 : index
    %swap3A_266 = vector.load %arg11[%swap3A_264, %swap3A_265] : memref<1024x32xf32, #tpu.memory_space<vmem>>, vector<1024x32xf32>
    tpu.vector_store %arg11[%swap3A_264, %swap3A_265], %add3A_263 {strides = array<i32>} : memref<1024x32xf32, #tpu.memory_space<vmem>>, vector<1024x32xf32>,
    %get3A_267 = arith.constant 0 : index
    %get3A_268 = arith.constant 0 : index
    %get3A_269 = vector.load %arg13[%get3A_267, %get3A_268] : memref<64x128xf32, #tpu.memory_space<vmem>>, vector<64x128xf32>
    %get3A_270 = arith.constant 0 : index
    %get3A_271 = arith.constant 0 : index
    %get3A_272 = arith.constant 0 : index
    %get3A_273 = vector.load %arg6[%get3A_270, %get3A_271, %get3A_272] : memref<1x1x1024xi32, #tpu.memory_space<vmem>>, vector<1x1x1024xi32>
    %reshape3A = vector.shape_cast %get3A_273 : vector<1x1x1024xi32> to vector<1x1024xi32>
    %broadcast_in_dim3A = vector.shape_cast %reshape3A : vector<1x1024xi32> to vector<1x1024xi32>
    %broadcast_in_dim3A_274 = vector.broadcast %broadcast_in_dim3A : vector<1x1024xi32> to vector<64x1024xi32>
    %iota3A_275 = tpu.iota {dimensions = array<i32: 0>} : vector<64x1024xi32>
    %eq3A_276 = arith.cmpi eq, %iota3A_275, %broadcast_in_dim3A_274 : vector<64x1024xi32>
    %convert_element_type3A_277 = arith.extui %eq3A_276 : vector<64x1024xi1> to vector<64x1024xi32>
    %convert_element_type3A_278 = arith.sitofp %convert_element_type3A_277 : vector<64x1024xi32> to vector<64x1024xf32>
    %dot_general3A_279 = arith.constant dense<0.000000e+00> : vector<64x128xf32>
    %dot_general3A_280 = tpu.matmul %convert_element_type3A_278, %select_n3A_244, %dot_general3A_279 {dimension_numbers = #tpu.dot_dimension_numbers<[1], [0], [0], [1], [0, 0, 1, 1], [], []>, transpose_lhs_hint = false} : vector<64x1024xf32>, vector<1024x128xf32>, vector<64x128xf32> -> vector<64x128xf32>
    %add3A_281 = arith.addf %get3A_269, %dot_general3A_280 : vector<64x128xf32>
    %swap3A_282 = arith.constant 0 : index
    %swap3A_283 = arith.constant 0 : index
    %swap3A_284 = vector.load %arg13[%swap3A_282, %swap3A_283] : memref<64x128xf32, #tpu.memory_space<vmem>>, vector<64x128xf32>
    tpu.vector_store %arg13[%swap3A_282, %swap3A_283], %add3A_281 {strides = array<i32>} : memref<64x128xf32, #tpu.memory_space<vmem>>, vector<64x128xf32>,
    %eq3A_285 = arith.constant 9 : i32
    %eq3A_286 = arith.cmpi eq, %arg0, %eq3A_285 : i32
    %convert_element_type3A_287 = arith.extui %eq3A_286 : i1 to i32
    %cond3A_288 = arith.constant 0 : i32
    %cond3A_289 = arith.cmpi ne, %convert_element_type3A_287, %cond3A_288 : i32
    scf.if %cond3A_289 {
      %get3A_290 = arith.constant 0 : index
      %get3A_291 = arith.constant 0 : index
      %get3A_292 = vector.load %arg13[%get3A_290, %get3A_291] : memref<64x128xf32, #tpu.memory_space<vmem>>, vector<64x128xf32>
      %swap3A_293 = arith.constant 0 : index
      %swap3A_294 = arith.constant 0 : index
      %swap3A_295 = vector.load %arg12[%swap3A_293, %swap3A_294] : memref<64x128xf32, #tpu.memory_space<vmem>>, vector<64x128xf32>
      tpu.vector_store %arg12[%swap3A_293, %swap3A_294], %get3A_292 {strides = array<i32>} : memref<64x128xf32, #tpu.memory_space<vmem>>, vector<64x128xf32>,
    } else {
    }
    return
  }
  func.func @transform_0(%arg0: i32) -> (i32, i32) {
    %c0_i32 = arith.constant 0 : i32
    %c0_i32_0 = arith.constant 0 : i32
    return %arg0, %c0_i32 : i32, i32
  }
  func.func @transform_1(%arg0: i32) -> (i32, i32) {
    %c0_i32 = arith.constant 0 : i32
    %c0_i32_0 = arith.constant 0 : i32
    return %arg0, %c0_i32 : i32, i32
  }
  func.func @transform_2(%arg0: i32) -> (i32, i32) {
    %c0_i32 = arith.constant 0 : i32
    %c0_i32_0 = arith.constant 0 : i32
    return %arg0, %c0_i32 : i32, i32
  }
  func.func @transform_3(%arg0: i32) -> (i32, i32, i32) {
    %c0_i32 = arith.constant 0 : i32
    %c0_i32_0 = arith.constant 0 : i32
    %c0_i32_1 = arith.constant 0 : i32
    return %c0_i32, %arg0, %c0_i32_0 : i32, i32, i32
  }
  func.func @transform_4(%arg0: i32) -> (i32, i32) {
    %c0_i32 = arith.constant 0 : i32
    %c0_i32_0 = arith.constant 0 : i32
    %c0_i32_1 = arith.constant 0 : i32
    return %c0_i32, %c0_i32_0 : i32, i32
  }
  func.func @transform_5(%arg0: i32) -> (i32, i32, i32) {
    %c0_i32 = arith.constant 0 : i32
    %c0_i32_0 = arith.constant 0 : i32
    %c0_i32_1 = arith.constant 0 : i32
    return %arg0, %c0_i32, %c0_i32_0 : i32, i32, i32
  }
  func.func @transform_6(%arg0: i32) -> (i32, i32) {
    %c0_i32 = arith.constant 0 : i32
    %c0_i32_0 = arith.constant 0 : i32
    %c0_i32_1 = arith.constant 0 : i32
    return %c0_i32, %c0_i32_0 : i32, i32
  }
  func.func @transform_7(%arg0: i32) -> (i32, i32) {
    %c0_i32 = arith.constant 0 : i32
    %c0_i32_0 = arith.constant 0 : i32
    %c0_i32_1 = arith.constant 0 : i32
    return %c0_i32, %c0_i32_0 : i32, i32
  }
  func.func @transform_8(%arg0: i32) -> (i32, i32) {
    %c0_i32 = arith.constant 0 : i32
    %c0_i32_0 = arith.constant 0 : i32
    %c0_i32_1 = arith.constant 0 : i32
    return %c0_i32, %c0_i32_0 : i32, i32
  }
  func.func @transform_9(%arg0: i32) -> (i32, i32) {
    %c0_i32 = arith.constant 0 : i32
    %c0_i32_0 = arith.constant 0 : i32
    return %arg0, %c0_i32 : i32, i32
  }
  func.func @transform_10(%arg0: i32) -> (i32, i32) {
    %c0_i32 = arith.constant 0 : i32
    %c0_i32_0 = arith.constant 0 : i32
    return %arg0, %c0_i32 : i32, i32
  }
  func.func @transform_11(%arg0: i32) -> (i32, i32) {
    %c0_i32 = arith.constant 0 : i32
    %c0_i32_0 = arith.constant 0 : i32
    %c0_i32_1 = arith.constant 0 : i32
    return %c0_i32, %c0_i32_0 : i32, i32
  }
}

</mosaic_0001>

<sc_bundles>
// kernel: kernel.10.cloned.1.call-start
scs
__scs_entry_jumppad:
0x0: {  	(pc) =	sbr.rel $0x88, $3  }
0x1: {  	(tag) =	ssettag $0x0;
	lr =	simm.s32 $0x1  }
0x2: {  	[smem:$0x3F8B] =	sst lr;
	_ =	strace $0xD0000000  }
0x3: {  	_ = 	snop  }
0x4: {  	_ = 	snop  }
0x5: {  	_ = 	snop  }
0x6: {  	_ = 	snop  }
0x7: {  	_ = 	snop  }
__scs_overlays_trampoline_lowered:
0x8: {  	[smem:$0x3F9A] =	sst s0  }
0x9: {  	[smem:$0x3F9B] =	sst s1  }
0xa: {  	[smem:$0x3F9C] =	sst s2  }
0xb: {  	[smem:$0x3F9D] =	sst s3  }
0xc: {  	[smem:$0x3F9E] =	sst s4  }
0xd: {  	[smem:$0x3F9F] =	sst s5  }
0xe: {  	[smem:$0x3FA0] =	sst s6  }
0xf: {  	[smem:$0x3FA1] =	sst s7  }
0x10: {  	[smem:$0x3FA2] =	sst s8  }
0x11: {  	[smem:$0x3FA3] =	sst s9;
	s0 =	simm.s32 @!p0 $0x0  }
0x12: {  	s1 =	sld [smem:$0x3F89];
	s0 =	simm.s32 @p0 $0x1  }
0x13: {  	[smem:$0x3FA4] =	sst s0;
	s0 =	simm.s32 @!p1 $0x0  }
0x14: {  	s2 =	sld [smem:$0x3F88];
	s0 =	simm.s32 @p1 $0x1  }
0x15: {  	[smem:$0x3FA5] =	sst s0;
	s0 =	simm.s32 @!p2 $0x0  }
0x16: {  	s3 =	sld [smem:$0x3FDB];
	s0 =	simm.s32 @p2 $0x1  }
0x17: {  	s4 =	simm.s32 $0x1BF5;
	[smem:$0x3FA7] =	sst s0  }
0x18: {  	s0 =	sld [smem:$0x3F8A];
	_ =	swait.ge [sflag:s4], $0x0  }
0x19: {  	s7 =	sld [smem:$0x3F8B]  }
0x1a: {  	s8 =	sadd.s32 $0xFFFFE003, lr  }
0x1b: {  	s9 =	sadd.s32 $0xFFFFFEF7, lr;
	s5 =	simm.s32 $0xFFFFFFFF;
	p2 =	slt.u32 s8, $0xFFFFF086  }
0x1c: {  	p1 =	slt.u32 s9, $0xF7A;
	s5 =	simm.s32 @!p2 $0x0  }
0x1d: {  	s5 =	simm.s32 @p1 $0x1;
	p0 =	seq.s32 s7, s2  }
0x1e: {  	s7 =	smul.u32 @!p0 $0xF7A, s2;
	p2 =	seq.s32 @!p0 s5, $0x0  }
0x1f: {  	s9 =	smul.u32 $0xF7A, s1;
	s8 =	simm.s32 @!p0 $0x1BF5;
	p2 =	por !p2, p0  }
0x20: {  	[sflag:s8] =	ssyncset.s32 @!p0 $0xFFFFF086;
	s6 =	sadd.s32 @!p0 s3, s7;
	s7 =	simm.s32 @!p0 $0x108  }
0x21: {  	s3 =	sadd.s32 s3, s9;
	s6 =	sadd.s32 @!p0 $0x88, s6;
	s7 =	simm.s32 @p2 $0x1082  }
0x22: {  	[simem:s7], [sflag:s8] =	dma.local @!p0 [hbm:s6], $0xF7A  }
0x23: {  	s9 =	sor.u32 $0xD0000000, s2;
	s6 =	simm.s32 $0x108;
	_ =	swait.ge @!p0 [sflag:s8], $0x0  }
0x24: {  	s3 =	sadd.s32 $0x88, s3;
	s6 =	simm.s32 @!p1 $0x1082;
	[sflag:s4] =	ssyncset.s32 $0xFFFFF086  }
0x25: {  	[simem:s6], [sflag:s4] =	dma.local [hbm:s3], $0xF7A  }
0x26: {  	[smem:$0x3F8B] =	sst s1;
	(tag) =	ssettag s2;
	_ =	strace s9  }
0x27: {  	s1 =	sld [smem:$0x3F9B]  }
0x28: {  	s2 =	sld [smem:$0x3F9C]  }
0x29: {  	s4 =	sld [smem:$0x3F9E]  }
0x2a: {  	p0 =	seq.s32 s5, $0x0;
	s5 =	sld [smem:$0x3F9F]  }
0x2b: {  	s6 =	sld [smem:$0x3FA0]  }
0x2c: {  	s7 =	sld [smem:$0x3FA1]  }
0x2d: {  	s3 =	simm.s32 $0x108;
	s8 =	sld [smem:$0x3FA2]  }
0x2e: {  	s3 =	simm.s32 @!p0 $0x1082;
	s9 =	sld [smem:$0x3FA3]  }
0x2f: {  	lr =	sadd.s32 s0, s3;
	s0 =	sld [smem:$0x3F9A]  }
0x30: {  	s3 =	sld [smem:$0x3F9D]  }
0x31: {  	[smem:$0x3FA6] =	sst s10  }
0x32: {  	s10 =	sld [smem:$0x3FA4];
	_ =	sdelay $0x3  }
0x33: {  	p0 =	seq.s32 s10, $0x1;
	s10 =	sld [smem:$0x3FA6];
	_ =	sdelay $0x3  }
0x34: {  	[smem:$0x3FA6] =	sst s10  }
0x35: {  	s10 =	sld [smem:$0x3FA5];
	_ =	sdelay $0x3  }
0x36: {  	p1 =	seq.s32 s10, $0x1;
	s10 =	sld [smem:$0x3FA6];
	_ =	sdelay $0x3  }
0x37: {  	[smem:$0x3FA6] =	sst s10  }
0x38: {  	s10 =	sld [smem:$0x3FA7]  }
0x39: {  	_ = 	snop;
	(pc) =	sbr.ind lr, $3  }
0x3a: {  	_ = 	snop  }
0x3b: {  	_ = 	snop  }
0x3c: {  	p2 =	seq.s32 s10, $0x1;
	s10 =	sld [smem:$0x3FA6]  }
0x3d: {  	_ =	shalt  }
0x3e: {  	_ =	shalt  }
0x3f: {  	_ =	shalt  }
0x40: {  	_ =	shalt  }
0x41: {  	_ =	shalt  }
0x42: {  	_ =	shalt  }
0x43: {  	_ =	shalt  }
0x44: {  	_ =	shalt  }
0x45: {  	_ =	shalt  }
0x46: {  	_ =	shalt  }
0x47: {  	_ =	shalt  }
0x48: {  	_ =	shalt  }
0x49: {  	_ =	shalt  }
0x4a: {  	_ =	shalt  }
0x4b: {  	_ =	shalt  }
0x4c: {  	_ =	shalt  }
0x4d: {  	_ =	shalt  }
0x4e: {  	_ =	shalt  }
0x4f: {  	_ =	shalt  }
0x50: {  	_ =	shalt  }
0x51: {  	_ =	shalt  }
0x52: {  	_ =	shalt  }
0x53: {  	_ =	shalt  }
0x54: {  	_ =	shalt  }
0x55: {  	_ =	shalt  }
0x56: {  	_ =	shalt  }
0x57: {  	_ =	shalt  }
0x58: {  	_ =	shalt  }
0x59: {  	_ =	shalt  }
0x5a: {  	_ =	shalt  }
0x5b: {  	_ =	shalt  }
0x5c: {  	_ =	shalt  }
0x5d: {  	_ =	shalt  }
0x5e: {  	_ =	shalt  }
0x5f: {  	_ =	shalt  }
0x60: {  	_ =	shalt  }
0x61: {  	_ =	shalt  }
0x62: {  	_ =	shalt  }
0x63: {  	_ =	shalt  }
0x64: {  	_ =	shalt  }
0x65: {  	_ =	shalt  }
0x66: {  	_ =	shalt  }
0x67: {  	_ =	shalt  }
0x68: {  	_ =	shalt  }
0x69: {  	_ =	shalt  }
0x6a: {  	_ =	shalt  }
0x6b: {  	_ =	shalt  }
0x6c: {  	_ =	shalt  }
0x6d: {  	_ =	shalt  }
0x6e: {  	_ =	shalt  }
0x6f: {  	_ =	shalt  }
0x70: {  	_ =	shalt  }
0x71: {  	_ =	shalt  }
0x72: {  	_ =	shalt  }
0x73: {  	_ =	shalt  }
0x74: {  	_ =	shalt  }
0x75: {  	_ =	shalt  }
0x76: {  	_ =	shalt  }
0x77: {  	_ =	shalt  }
0x78: {  	_ =	shalt  }
0x79: {  	_ =	shalt  }
0x7a: {  	_ =	shalt  }
0x7b: {  	_ =	shalt  }
0x7c: {  	_ =	shalt  }
0x7d: {  	_ =	shalt  }
0x7e: {  	_ =	shalt  }
0x7f: {  	_ =	shalt  }
0x80: {  	_ =	shalt  }
0x81: {  	_ =	shalt  }
0x82: {  	_ =	shalt  }
0x83: {  	_ =	shalt  }
0x84: {  	_ =	shalt  }
0x85: {  	_ =	shalt  }
0x86: {  	_ =	shalt  }
0x87: {  	_ =	shalt  }
.Lfunc_end0:
.L_simem_size_0:
called_computation_lowered:
.L_overlay_start_0:
0x88: {  	s2 =	sld [smem:$0x3FD9]  }
0x89: {  	s3 =	sld [smem:$0x3FFE];
	_ =	sdelay $0x1  }
0x8a: {  	s1 =	srdreg.scid  }
0x8b: {  	s0 =	sand.u32 $0x1, s1  }
0x8c: {  	s16 =	sshll.u32 s0, $0xA;
	s2 =	sadd.s32 s3, s2  }
0x8d: {  	s2 =	sadd.s32 s2, s16  }
0x8e: {  	[smem:$0x3FB2] =	sst s2  }
0x8f: {  	_ = 	snop  }
0x90: {  	(tm) =	ssettm $0x1  }
0x91: {  	s17 =	sld [smem:$0x3FFB];
	_ =	sdelay $0x3  }
0x92: {  	_ =	strace s17  }
0x93: {  	s2 =	sld [smem:$0x3FFC];
	_ =	sdelay $0x3  }
0x94: {  	_ =	strace s2  }
0x95: {  	s2 =	sld [smem:$0x3FFD];
	_ =	sdelay $0x3  }
0x96: {  	_ =	strace s2  }
0x97: {  	_ =	strace $0x8FFFFFFF  }
0x98: {  	s18 =	sld [smem:$0x3FDB];
	_ =	sdelay $0x1  }
0x99: {  	s19 =	simm.s32 $_scs_section_size  }
0x9a: {  	s4 =	simm.s32 $_size__tile_overlayer_lowered;
	s5 =	simm.s32 $_tile_overlayer_lowered  }
0x9b: {  	s22 =	simm.s32 $0x1BFF;
	s21 =	sshll.u32 s5, $0x1;
	s2 =	sadd.s32 s19, s18  }
0x9c: {  	s6 =	simm.s32 $0x0;
	s20 =	sshll.u32 s4, $0x1;
	s4 =	sadd.s32 s21, s2  }
0x9d: {  	[timem:s6], [sflag:s22] =	dma.local [hbm:s4], s20  }
0x9e: {  	_ =	swait.ge [sflag:s22], s20  }
0x9f: {  	s3 =	ssub.s32 $0x0, s20;
	[sflag:s22] =	ssyncset.done $0x0  }
0xa0: {  	[sflag:s22] =	ssyncadd.s32 s3;
	_ =	sdelay $0x1  }
0xa1: {  	s23 =	simm.s32 $0x1B8B  }
0xa2: {  	_ =	swait.ge [sflag:s23], $0x1  }
0xa3: {  	[sflag:s23] =	ssyncset.done $0x0  }
0xa4: {  	s25 =	simm.s32 $0x1B8E;
	s24 =	sld [smem:$0x3FFE];
	[sflag:s23] =	ssyncadd.s32 $0xFFFFFFFF  }
0xa5: {  	s26 =	simm.s32 $execute0_lowered;
	[smem:$0x3FD2] =	sst s25  }
0xa6: {  	s4 =	sshll.u32 s26, $0x1;
	_ =	strace $0x80000046;
	[dreg:$0x1] =	wrdreg $0xFFFFFFFF  }
0xa7: {  	s28 =	simm.s32 $_size_execute0_lowered;
	s2 =	sadd.s32 s2, s4;
	[dreg:$0x0] =	wrdreg $0x0  }
0xa8: {  	s4 =	sshll.u32 s28, $0x1;
	[dreg:$0x2] =	wrdreg s2  }
0xa9: {  	[dreg:$0x3] =	wrdreg s4  }
0xaa: {  	[dreg:$0x4] =	wrdreg $0xC0  }
0xab: {  	_ =	task [dreg:s6], $0x5FFFF  }
0xac: {  	[dreg:$0x1] =	wrdreg $0xFFFFFFFF  }
0xad: {  	[dreg:$0x0] =	wrdreg $0x60  }
0xae: {  	[dreg:$0x2] =	wrdreg s24  }
0xaf: {  	[dreg:$0x3] =	wrdreg $0x38000  }
0xb0: {  	[dreg:$0x4] =	wrdreg $0x9  }
0xb1: {  	_ =	task.clear_ibuf [dreg:s6], $0x5FFFF;
	_ =	strace $0x90000046  }
0xb2: {  	s29 =	simm.s32 $0x9;
	_ =	strace $0x80000048  }
0xb3: {  	_ =	swait.ge [sflag:s29], $0x1  }
0xb4: {  	[sflag:s29] =	ssyncadd.s32 $0xFFFFFFFF  }
0xb5: {  	_ =	strace $0x90000048  }
0xb6: {  	_ =	sfence  }
0xb7: {  	s30 =	sld [smem:$0x0];
	_ =	sdelay $0x2  }
0xb8: {  	s31 =	sshll.u32 s1, $0xD;
	s1 =	sshrl.u32 s1, $0x2  }
0xb9: {  	s3 =	sand.u32 $0x4000, s31;
	s1 =	sadd.s32 s1, s30  }
0xba: {  	s0 =	sor.u32 s3, s0;
	s1 =	sshll.u32 s1, $0x11  }
0xbb: {  	s0 =	sor.u32 s1, s0  }
0xbc: {  	s0 =	sadd.s32 $0x8F2B, s0  }
0xbd: {  	[sflag:s0] =	ssyncadd.remote.s32 $0x1  }
0xbe: {  	_ =	sfence.sel $0xFFFF  }
0xbf: {  	[dreg:$0x0] =	wrdreg $0xFFFFFFFF;
	(pc) =	sbr.abs _section_cstart, $3  }
0xc0: {  	[dreg:$0x1] =	wrdreg $0xFFFFFFFF  }
0xc1: {  	_ =	task.clear_ibuf [dreg:s6], $0x2FFFF;
	_ =	strace $0x9FFFFFFF  }
0xc2: {  	(tm) =	ssettm $0x7FFFFFFF  }
0xc3: {  	_ =	shalt  }
tec
execute0_lowered:
.L_overlay_start_1:
0x0: {  	(tag) =	ssettag $0x1  }
0x1: {  	s0 =	srdreg.scid;
	s6 =	rddreg [dreg:$0x0]  }
0x2: {  	s2 =	rddreg [dreg:$0x1];
	s3 =	simm.s32 $0x0;
	s5 =	sand.u32 $0x1, s0  }
0x3: {  	s13 =	simm.s32 $0x100;
	s0 =	stileid.u32;
	s7 =	smul.u32 $0x28000, s5  }
0x4: {  	s15 =	simm.s32 $0x0;
	[smem:$0x7FF] =	sst s3;
	s8 =	smul.u32 $0x2800, s0  }
0x5: {  	s1 =	sshll.u32 s5, $0x4;
	s10 =	ssub.s32 $0x2, s5;
	s11 =	smul.u32 $0xA100, s0  }
0x6: {  	s5 =	sadd.s32 $0xEE00, s6;
	s31 =	sshll.u32 s0, $0x6;
	s1 =	sor.u32 s0, s1  }
0x7: {  	s29 =	sshrl.u32 s10, $0x1;
	s4 =	smul.u32 $0x500, s1;
	s1 =	rddreg [dreg:$0x2]  }
0x8: {  	_ =	strace $0x80000047;
	s7 =	sadd.s32 s8, s7;
	s10 =	ssub.s32 s10, s29  }
0x9: {  	s30 =	sshrl.u32 s11, $0x2;
	s14 =	sadd.s32 s8, s2;
	s11 =	sor.u32 $0x1C01, s31  }
0xa: {  	s7 =	sshrl.u32 s7, $0x3;
	s12 =	sadd.s32 s30, s2;
	s8 =	smax.u32 s10, $0x1  }
0xb: {  	s10 =	simm.s32 $0x2800;
	s14 =	sshrl.u32 s14, $0x3;
	s9 =	sadd.s32 s4, s6  }
0xc: {  	s4 =	sadd.s32 $0xE800, s6;
	s7 =	sadd.s32 s7, s6;
	s12 =	sshrl.u32 s12, $0x3  }
0xd: {  	s6 =	sadd.s32 $0x4800, s9;
	s7 =	sadd.s32 $0xF000, s7;
	s9 =	simm.s32 $0x1  }
.LBB2_1:
0xe: {  	[tilespmem:s3], [sflag:$0x1] =	stream.linear.gather [hbm4b:s6+s3], $0x2800, $0x38;
	[tilespmem:$0x6040] =	vst v63  }
0xf: {  	_ =	swait.ge [sflag:s9], $0x2800  }
0x10: {  	[sflag:s9] =	ssyncset.done $0x0  }
0x11: {  	[sflag:s9] =	ssyncadd.s32 $0xFFFFD800  }
0x12: {  	[tilespmem:s10], [sflag:$0x1] =	stream.linear.gather [hbm4b:s5+s3], $0x1000, $0x38;
	[tilespmem:$0x6040] =	vst v63  }
0x13: {  	_ =	swait.ge [sflag:s9], $0x1000  }
0x14: {  	[sflag:s9] =	ssyncset.done $0x0  }
0x15: {  	[sflag:s9] =	ssyncadd.s32 $0xFFFFF000  }
0x16: {  	[spmem:s12], [sflag:s11] =	dma.local [hbm:s4], $0x508  }
0x17: {  	_ =	swait.ge [sflag:s9], $0x508  }
0x18: {  	[sflag:s9] =	ssyncset.done $0x0  }
0x19: {  	[sflag:s9] =	ssyncadd.s32 $0xFFFFFAF8  }
0x1a: {  	s16 =	simm.s32 $0x0;
	[bflag:$0x0] =	sbarrier.arrive $0xFFFF  }
0x1b: {  	[spmem:s2] =	stream.indirect.scatter.add.f32 [tilespmem:s10], [sflag:$0x1], $0x10, s16, s13, $0xb8;
	[tilespmem:$0x6040] =	vst v63  }
0x1c: {  	_ =	swait.ge [sflag:s9], $0x1000  }
0x1d: {  	s16 =	simm.s32 $0x400;
	[sflag:s9] =	ssyncset.done $0x0  }
.LBB2_2:
0x1e: {  	s17 =	sshra.s32 s16, $0x2;
	[sflag:s9] =	ssyncadd.s32 $0xFFFFF000;
	p0 =	sne.s32 s16, $0x9C00  }
0x1f: {  	[spmem:s2] =	stream.indirect.scatter.add.f32 [tilespmem:s10], [sflag:$0x1], $0x10, s17, s13, $0xb8;
	[tilespmem:$0x6040] =	vst v63  }
.Ltmp0:
0x20: {  	_ = 	snop;
	(pc) =	sbr.rel @p0 .LBB2_2-.Ltmp0, $4  }
0x21: {  	_ = 	snop  }
0x22: {  	s16 =	sadd.s32 $0x400, s16  }
0x23: {  	_ =	swait.ge [sflag:s9], $0x1000  }
0x24: {  	[sflag:s9] =	ssyncset.done $0x0  }
0x25: {  	s15 =	sadd.s32 $0x1, s15  }
0x26: {  	[sflag:s9] =	ssyncadd.s32 $0xFFFFF000;
	p0 =	sne.s32 s15, s8  }
.Ltmp1:
0x27: {  	[bflag:$0x0] =	sbarrier.arrive $0xFFFF;
	(pc) =	sbr.rel @p0 .LBB2_1-.Ltmp1, $4  }
0x28: {  	[hbm:s7], [sflag:s11] =	dma.local [spmem:s14], $0x500  }
0x29: {  	_ =	swait.ge [sflag:s9], $0x500  }
0x2a: {  	[sflag:s9] =	ssyncset.done $0x0  }
0x2b: {  	[sflag:s9] =	ssyncadd.s32 $0xFFFFFB00  }
0x2c: {  	_ =	sfence.sel $0x180000  }
0x2d: {  	[bflag:$0x0] =	sbarrier.arrive $0xFFFF  }
0x2e: {  	p0 =	sne.s32 s0, $0x0;
	_ =	strace $0x90000047  }
0x2f: {  	s0 =	sadd.s32 @!p0 $0x100000, s1;
	[bflag:$0x2] =	sbarrier.arrive $0xFFFF  }
0x30: {  	[sflag:s0] =	ssyncadd.tile.s32 @!p0 $0x1;
	_ =	shalt  }
.Lfunc_end2:
_tile_overlayer_lowered:
.L_overlay_start_2:
0x31: {  	(tag) =	ssettag $0x2  }
0x32: {  	s0 =	rddreg [dreg:$0x0];
	s2 =	stileid.u32  }
0x33: {  	s1 =	rddreg [dreg:$0x1];
	p0 =	sne.s32 s2, $0x0  }
0x34: {  	s3 =	rddreg [dreg:$0x2];
	[bflag:$0x3] =	sbarrier.arrive $0xFFFF;
	s2 =	simm.s32 @!p0 $0x1C01  }
0x35: {  	[timem:s3], [sflag:s2] =	dma.local @!p0 [hbm:s0], s1  }
0x36: {  	s0 =	simm.s32 @!p0 $0x1  }
0x37: {  	_ =	swait.ge @!p0 [sflag:s0], s1  }
0x38: {  	s1 =	ssub.s32 @!p0 $0x0, s1;
	[sflag:s0] =	ssyncset.done @!p0 $0x0  }
0x39: {  	[sflag:s0] =	ssyncadd.s32 @!p0 s1  }
0x3a: {  	[bflag:$0x3] =	sbarrier.arrive $0xFFFF  }
0x3b: {  	_ =	shalt  }

// kernel: kernel.13.cloned.1.call-start
scs
__scs_entry_jumppad:
0x0: {  	(pc) =	sbr.rel $0x88, $3  }
0x1: {  	(tag) =	ssettag $0x0;
	lr =	simm.s32 $0x1  }
0x2: {  	[smem:$0x3F8B] =	sst lr;
	_ =	strace $0xD0000000  }
0x3: {  	_ = 	snop  }
0x4: {  	_ = 	snop  }
0x5: {  	_ = 	snop  }
0x6: {  	_ = 	snop  }
0x7: {  	_ = 	snop  }
__scs_overlays_trampoline_lowered:
0x8: {  	[smem:$0x3F9A] =	sst s0  }
0x9: {  	[smem:$0x3F9B] =	sst s1  }
0xa: {  	[smem:$0x3F9C] =	sst s2  }
0xb: {  	[smem:$0x3F9D] =	sst s3  }
0xc: {  	[smem:$0x3F9E] =	sst s4  }
0xd: {  	[smem:$0x3F9F] =	sst s5  }
0xe: {  	[smem:$0x3FA0] =	sst s6  }
0xf: {  	[smem:$0x3FA1] =	sst s7  }
0x10: {  	[smem:$0x3FA2] =	sst s8  }
0x11: {  	[smem:$0x3FA3] =	sst s9;
	s0 =	simm.s32 @!p0 $0x0  }
0x12: {  	s1 =	sld [smem:$0x3F89];
	s0 =	simm.s32 @p0 $0x1  }
0x13: {  	[smem:$0x3FA4] =	sst s0;
	s0 =	simm.s32 @!p1 $0x0  }
0x14: {  	s2 =	sld [smem:$0x3F88];
	s0 =	simm.s32 @p1 $0x1  }
0x15: {  	[smem:$0x3FA5] =	sst s0;
	s0 =	simm.s32 @!p2 $0x0  }
0x16: {  	s3 =	sld [smem:$0x3FDB];
	s0 =	simm.s32 @p2 $0x1  }
0x17: {  	s4 =	simm.s32 $0x1BF5;
	[smem:$0x3FA7] =	sst s0  }
0x18: {  	s0 =	sld [smem:$0x3F8A];
	_ =	swait.ge [sflag:s4], $0x0  }
0x19: {  	s7 =	sld [smem:$0x3F8B]  }
0x1a: {  	s8 =	sadd.s32 $0xFFFFE003, lr  }
0x1b: {  	s9 =	sadd.s32 $0xFFFFFEF7, lr;
	s5 =	simm.s32 $0xFFFFFFFF;
	p2 =	slt.u32 s8, $0xFFFFF086  }
0x1c: {  	p1 =	slt.u32 s9, $0xF7A;
	s5 =	simm.s32 @!p2 $0x0  }
0x1d: {  	s5 =	simm.s32 @p1 $0x1;
	p0 =	seq.s32 s7, s2  }
0x1e: {  	s7 =	smul.u32 @!p0 $0xF7A, s2;
	p2 =	seq.s32 @!p0 s5, $0x0  }
0x1f: {  	s9 =	smul.u32 $0xF7A, s1;
	s8 =	simm.s32 @!p0 $0x1BF5;
	p2 =	por !p2, p0  }
0x20: {  	[sflag:s8] =	ssyncset.s32 @!p0 $0xFFFFF086;
	s6 =	sadd.s32 @!p0 s3, s7;
	s7 =	simm.s32 @!p0 $0x108  }
0x21: {  	s3 =	sadd.s32 s3, s9;
	s6 =	sadd.s32 @!p0 $0x88, s6;
	s7 =	simm.s32 @p2 $0x1082  }
0x22: {  	[simem:s7], [sflag:s8] =	dma.local @!p0 [hbm:s6], $0xF7A  }
0x23: {  	s9 =	sor.u32 $0xD0000000, s2;
	s6 =	simm.s32 $0x108;
	_ =	swait.ge @!p0 [sflag:s8], $0x0  }
0x24: {  	s3 =	sadd.s32 $0x88, s3;
	s6 =	simm.s32 @!p1 $0x1082;
	[sflag:s4] =	ssyncset.s32 $0xFFFFF086  }
0x25: {  	[simem:s6], [sflag:s4] =	dma.local [hbm:s3], $0xF7A  }
0x26: {  	[smem:$0x3F8B] =	sst s1;
	(tag) =	ssettag s2;
	_ =	strace s9  }
0x27: {  	s1 =	sld [smem:$0x3F9B]  }
0x28: {  	s2 =	sld [smem:$0x3F9C]  }
0x29: {  	s4 =	sld [smem:$0x3F9E]  }
0x2a: {  	p0 =	seq.s32 s5, $0x0;
	s5 =	sld [smem:$0x3F9F]  }
0x2b: {  	s6 =	sld [smem:$0x3FA0]  }
0x2c: {  	s7 =	sld [smem:$0x3FA1]  }
0x2d: {  	s3 =	simm.s32 $0x108;
	s8 =	sld [smem:$0x3FA2]  }
0x2e: {  	s3 =	simm.s32 @!p0 $0x1082;
	s9 =	sld [smem:$0x3FA3]  }
0x2f: {  	lr =	sadd.s32 s0, s3;
	s0 =	sld [smem:$0x3F9A]  }
0x30: {  	s3 =	sld [smem:$0x3F9D]  }
0x31: {  	[smem:$0x3FA6] =	sst s10  }
0x32: {  	s10 =	sld [smem:$0x3FA4];
	_ =	sdelay $0x3  }
0x33: {  	p0 =	seq.s32 s10, $0x1;
	s10 =	sld [smem:$0x3FA6];
	_ =	sdelay $0x3  }
0x34: {  	[smem:$0x3FA6] =	sst s10  }
0x35: {  	s10 =	sld [smem:$0x3FA5];
	_ =	sdelay $0x3  }
0x36: {  	p1 =	seq.s32 s10, $0x1;
	s10 =	sld [smem:$0x3FA6];
	_ =	sdelay $0x3  }
0x37: {  	[smem:$0x3FA6] =	sst s10  }
0x38: {  	s10 =	sld [smem:$0x3FA7]  }
0x39: {  	_ = 	snop;
	(pc) =	sbr.ind lr, $3  }
0x3a: {  	_ = 	snop  }
0x3b: {  	_ = 	snop  }
0x3c: {  	p2 =	seq.s32 s10, $0x1;
	s10 =	sld [smem:$0x3FA6]  }
0x3d: {  	_ =	shalt  }
0x3e: {  	_ =	shalt  }
0x3f: {  	_ =	shalt  }
0x40: {  	_ =	shalt  }
0x41: {  	_ =	shalt  }
0x42: {  	_ =	shalt  }
0x43: {  	_ =	shalt  }
0x44: {  	_ =	shalt  }
0x45: {  	_ =	shalt  }
0x46: {  	_ =	shalt  }
0x47: {  	_ =	shalt  }
0x48: {  	_ =	shalt  }
0x49: {  	_ =	shalt  }
0x4a: {  	_ =	shalt  }
0x4b: {  	_ =	shalt  }
0x4c: {  	_ =	shalt  }
0x4d: {  	_ =	shalt  }
0x4e: {  	_ =	shalt  }
0x4f: {  	_ =	shalt  }
0x50: {  	_ =	shalt  }
0x51: {  	_ =	shalt  }
0x52: {  	_ =	shalt  }
0x53: {  	_ =	shalt  }
0x54: {  	_ =	shalt  }
0x55: {  	_ =	shalt  }
0x56: {  	_ =	shalt  }
0x57: {  	_ =	shalt  }
0x58: {  	_ =	shalt  }
0x59: {  	_ =	shalt  }
0x5a: {  	_ =	shalt  }
0x5b: {  	_ =	shalt  }
0x5c: {  	_ =	shalt  }
0x5d: {  	_ =	shalt  }
0x5e: {  	_ =	shalt  }
0x5f: {  	_ =	shalt  }
0x60: {  	_ =	shalt  }
0x61: {  	_ =	shalt  }
0x62: {  	_ =	shalt  }
0x63: {  	_ =	shalt  }
0x64: {  	_ =	shalt  }
0x65: {  	_ =	shalt  }
0x66: {  	_ =	shalt  }
0x67: {  	_ =	shalt  }
0x68: {  	_ =	shalt  }
0x69: {  	_ =	shalt  }
0x6a: {  	_ =	shalt  }
0x6b: {  	_ =	shalt  }
0x6c: {  	_ =	shalt  }
0x6d: {  	_ =	shalt  }
0x6e: {  	_ =	shalt  }
0x6f: {  	_ =	shalt  }
0x70: {  	_ =	shalt  }
0x71: {  	_ =	shalt  }
0x72: {  	_ =	shalt  }
0x73: {  	_ =	shalt  }
0x74: {  	_ =	shalt  }
0x75: {  	_ =	shalt  }
0x76: {  	_ =	shalt  }
0x77: {  	_ =	shalt  }
0x78: {  	_ =	shalt  }
0x79: {  	_ =	shalt  }
0x7a: {  	_ =	shalt  }
0x7b: {  	_ =	shalt  }
0x7c: {  	_ =	shalt  }
0x7d: {  	_ =	shalt  }
0x7e: {  	_ =	shalt  }
0x7f: {  	_ =	shalt  }
0x80: {  	_ =	shalt  }
0x81: {  	_ =	shalt  }
0x82: {  	_ =	shalt  }
0x83: {  	_ =	shalt  }
0x84: {  	_ =	shalt  }
0x85: {  	_ =	shalt  }
0x86: {  	_ =	shalt  }
0x87: {  	_ =	shalt  }
.Lfunc_end0:
.L_simem_size_0:
called_computation.1_lowered:
.L_overlay_start_0:
0x88: {  	s2 =	sld [smem:$0x3FD9]  }
0x89: {  	s3 =	sld [smem:$0x3FFE];
	_ =	sdelay $0x1  }
0x8a: {  	s1 =	srdreg.scid  }
0x8b: {  	s0 =	sand.u32 $0x1, s1  }
0x8c: {  	s16 =	sshll.u32 s0, $0xA;
	s2 =	sadd.s32 s3, s2  }
0x8d: {  	s2 =	sadd.s32 s2, s16  }
0x8e: {  	[smem:$0x3FB2] =	sst s2  }
0x8f: {  	_ = 	snop  }
0x90: {  	(tm) =	ssettm $0x1  }
0x91: {  	s17 =	sld [smem:$0x3FFB];
	_ =	sdelay $0x3  }
0x92: {  	_ =	strace s17  }
0x93: {  	s2 =	sld [smem:$0x3FFC];
	_ =	sdelay $0x3  }
0x94: {  	_ =	strace s2  }
0x95: {  	s2 =	sld [smem:$0x3FFD];
	_ =	sdelay $0x3  }
0x96: {  	_ =	strace s2  }
0x97: {  	_ =	strace $0x8FFFFFFF  }
0x98: {  	s18 =	sld [smem:$0x3FDB];
	_ =	sdelay $0x1  }
0x99: {  	s19 =	simm.s32 $_scs_section_size  }
0x9a: {  	s4 =	simm.s32 $_size__tile_overlayer_lowered;
	s5 =	simm.s32 $_tile_overlayer_lowered  }
0x9b: {  	s22 =	simm.s32 $0x1BFF;
	s21 =	sshll.u32 s5, $0x1;
	s2 =	sadd.s32 s19, s18  }
0x9c: {  	s6 =	simm.s32 $0x0;
	s20 =	sshll.u32 s4, $0x1;
	s4 =	sadd.s32 s21, s2  }
0x9d: {  	[timem:s6], [sflag:s22] =	dma.local [hbm:s4], s20  }
0x9e: {  	_ =	swait.ge [sflag:s22], s20  }
0x9f: {  	s3 =	ssub.s32 $0x0, s20;
	[sflag:s22] =	ssyncset.done $0x0  }
0xa0: {  	[sflag:s22] =	ssyncadd.s32 s3;
	_ =	sdelay $0x1  }
0xa1: {  	s23 =	simm.s32 $0x1B8B  }
0xa2: {  	_ =	swait.ge [sflag:s23], $0x1  }
0xa3: {  	[sflag:s23] =	ssyncset.done $0x0  }
0xa4: {  	s25 =	simm.s32 $0x1B8E;
	s24 =	sld [smem:$0x3FFE];
	[sflag:s23] =	ssyncadd.s32 $0xFFFFFFFF  }
0xa5: {  	s26 =	simm.s32 $execute0_lowered;
	[smem:$0x3FD2] =	sst s25  }
0xa6: {  	s4 =	sshll.u32 s26, $0x1;
	_ =	strace $0x80000049;
	[dreg:$0x1] =	wrdreg $0xFFFFFFFF  }
0xa7: {  	s28 =	simm.s32 $_size_execute0_lowered;
	s2 =	sadd.s32 s2, s4;
	[dreg:$0x0] =	wrdreg $0x0  }
0xa8: {  	s4 =	sshll.u32 s28, $0x1;
	[dreg:$0x2] =	wrdreg s2  }
0xa9: {  	[dreg:$0x3] =	wrdreg s4  }
0xaa: {  	[dreg:$0x4] =	wrdreg $0xC0  }
0xab: {  	_ =	task [dreg:s6], $0x5FFFF  }
0xac: {  	[dreg:$0x1] =	wrdreg $0xFFFFFFFF  }
0xad: {  	[dreg:$0x0] =	wrdreg $0x60  }
0xae: {  	[dreg:$0x2] =	wrdreg s24  }
0xaf: {  	[dreg:$0x3] =	wrdreg $0xA8000  }
0xb0: {  	[dreg:$0x4] =	wrdreg $0x148000  }
0xb1: {  	[dreg:$0x5] =	wrdreg $0x9  }
0xb2: {  	_ =	task.clear_ibuf [dreg:s6], $0x6FFFF;
	_ =	strace $0x90000049  }
0xb3: {  	s29 =	simm.s32 $0x9;
	_ =	strace $0x8000004B  }
0xb4: {  	_ =	swait.ge [sflag:s29], $0x1  }
0xb5: {  	[sflag:s29] =	ssyncadd.s32 $0xFFFFFFFF  }
0xb6: {  	_ =	strace $0x9000004B  }
0xb7: {  	_ =	sfence  }
0xb8: {  	s30 =	sld [smem:$0x0];
	_ =	sdelay $0x2  }
0xb9: {  	s31 =	sshll.u32 s1, $0xD;
	s1 =	sshrl.u32 s1, $0x2  }
0xba: {  	s3 =	sand.u32 $0x4000, s31;
	s1 =	sadd.s32 s1, s30  }
0xbb: {  	s0 =	sor.u32 s3, s0;
	s1 =	sshll.u32 s1, $0x11  }
0xbc: {  	s0 =	sor.u32 s1, s0  }
0xbd: {  	s0 =	sadd.s32 $0x8F2B, s0  }
0xbe: {  	[sflag:s0] =	ssyncadd.remote.s32 $0x1  }
0xbf: {  	_ =	sfence.sel $0xFFFF  }
0xc0: {  	[dreg:$0x0] =	wrdreg $0xFFFFFFFF;
	(pc) =	sbr.abs _section_cstart, $3  }
0xc1: {  	[dreg:$0x1] =	wrdreg $0xFFFFFFFF  }
0xc2: {  	_ =	task.clear_ibuf [dreg:s6], $0x2FFFF;
	_ =	strace $0x9FFFFFFF  }
0xc3: {  	(tm) =	ssettm $0x7FFFFFFF  }
tec
execute0_lowered:
.L_overlay_start_1:
0x0: {  	(tag) =	ssettag $0x1  }
0x1: {  	s6 =	rddreg [dreg:$0x0]  }
0x2: {  	s2 =	rddreg [dreg:$0x1]  }
0x3: {  	s3 =	rddreg [dreg:$0x2]  }
0x4: {  	s0 =	rddreg [dreg:$0x3];
	s4 =	simm.s32 $0x0  }
0x5: {  	s1 =	stileid.u32;
	s5 =	srdreg.scid;
	s19 =	simm.s32 $0x2800  }
0x6: {  	s20 =	simm.s32 $0x1;
	s21 =	simm.s32 $0x3;
	s23 =	simm.s32 $0x10  }
0x7: {  	s24 =	simm.s32 $0x8;
	[smem:$0x7FF] =	sst s4;
	s12 =	smul.u32 $0xA000, s1  }
0x8: {  	s8 =	sand.u32 $0x1, s5;
	s25 =	smul.u32 $0x14000, s1;
	s11 =	sadd.s32 $0x19000, s6  }
0x9: {  	s29 =	sadd.s32 $0x4800, s6;
	s15 =	smul.u32 $0x28400, s1;
	s31 =	sshll.u32 s1, $0x6  }
0xa: {  	_ =	strace $0x8000004A;
	s26 =	sshll.u32 s8, $0x6;
	s10 =	sshll.u32 s8, $0x4  }
0xb: {  	s30 =	ssub.s32 $0x2, s8;
	s7 =	sshrl.u32 s12, $0x3;
	s5 =	sor.u32 s26, s25  }
0xc: {  	s28 =	sor.u32 s1, s10;
	s8 =	sshrl.u32 s30, $0x1;
	s17 =	sadd.s32 s12, s2  }
0xd: {  	s15 =	sshrl.u32 s15, $0x2;
	s22 =	sadd.s32 s12, s3;
	s25 =	simm.s32 $0x0  }
0xe: {  	s9 =	sadd.s32 s7, s6;
	s13 =	sshrl.u32 s5, $0x3;
	s7 =	smul.u32 $0x2800, s28  }
0xf: {  	s5 =	sadd.s32 $0xE800, s6;
	s16 =	ssub.s32 s30, s8;
	s18 =	sadd.s32 s15, s3  }
0x10: {  	s15 =	sor.u32 $0x1C02, s31;
	s22 =	sshrl.u32 s22, $0x3;
	s13 =	sadd.s32 s13, s6  }
.Ltmp0:
0x11: {  	s8 =	sadd.s32 $0x9B000, s9;
	s12 =	smax.u32 s16, $0x1;
	(pc) =	sbr.rel .LBB2_1-.Ltmp0, $4  }
0x12: {  	s16 =	sshrl.u32 s17, $0x3;
	s17 =	sshrl.u32 s18, $0x3;
	s14 =	sshrl.u32 s7, $0x3  }
0x13: {  	s6 =	sadd.s32 s11, s14;
	s7 =	sadd.s32 s29, s14;
	s14 =	sadd.s32 $0x280, s14  }
0x14: {  	s18 =	simm.s32 $0x100;
	s9 =	sadd.s32 s11, s14;
	s10 =	sadd.s32 s29, s14  }
0x15: {  	s11 =	sadd.s32 $0xAF000, s13;
	s13 =	simm.s32 $0x2;
	s14 =	simm.s32 $0x1400  }
.LBB2_8:
0x16: {  	s25 =	sadd.s32 $0x1, s25  }
0x17: {  	p0 =	sne.s32 s25, s12  }
.Ltmp1:
0x18: {  	[bflag:$0x0] =	sbarrier.arrive $0xFFFF;
	(pc) =	sbr.rel @!p0 .LBB2_9-.Ltmp1, $4  }
0x19: {  	[hbm:s11@s23], [sflag:s15] =	dma.strided [spmem:s22@s24], $0x1400, s20, $0x8   }
0x1a: {  	_ =	swait.ge [sflag:s13], $0x1400  }
0x1b: {  	[sflag:s13] =	ssyncset.done $0x0  }
0x1c: {  	[sflag:s13] =	ssyncadd.s32 $0xFFFFEC00  }
.LBB2_1:
0x1d: {  	[tilespmem:s4], [sflag:$0x2] =	stream.linear.gather [hbm4b:s6+s4], $0x1400, $0x38;
	[tilespmem:$0x1E900] =	vst v63  }
0x1e: {  	_ =	swait.ge [sflag:s13], $0x1400  }
0x1f: {  	[sflag:s13] =	ssyncset.done $0x0  }
0x20: {  	[sflag:s13] =	ssyncadd.s32 $0xFFFFEC00  }
0x21: {  	[tilespmem:s14], [sflag:$0x2] =	stream.linear.gather [hbm4b:s7+s4], $0x1400, $0x38;
	[tilespmem:$0x1E900] =	vst v63  }
0x22: {  	_ =	swait.ge [sflag:s13], $0x1400  }
0x23: {  	[sflag:s13] =	ssyncset.done $0x0  }
0x24: {  	[sflag:s13] =	ssyncadd.s32 $0xFFFFEC00  }
0x25: {  	[spmem:s16], [sflag:s15] =	dma.local [hbm:s8], $0x1400  }
0x26: {  	_ =	swait.ge [sflag:s13], $0x1400  }
0x27: {  	[sflag:s13] =	ssyncset.done $0x0  }
0x28: {  	[sflag:s13] =	ssyncadd.s32 $0xFFFFEC00  }
0x29: {  	[spmem:s17], [sflag:s15] =	dma.local [hbm:s5], $0x1420  }
.Ltmp2:
0x2a: {  	_ =	swait.ge [sflag:s13], $0x1420;
	(pc) =	sbr.rel .LBB2_2-.Ltmp2, $4  }
0x2b: {  	[sflag:s13] =	ssyncset.done $0x0  }
0x2c: {  	[sflag:s13] =	ssyncadd.s32 $0xFFFFEBE0  }
0x2d: {  	s26 =	simm.s32 $0x0;
	[bflag:$0x0] =	sbarrier.arrive $0xFFFF  }
0x2e: {  	[tilespmem:s19], [sflag:$0x1] =	stream.indirect.gather [spmem:s2], $0x40, s4, s18, $0xb8;
	[tilespmem:$0x1E900] =	vst v63  }
.LBB2_3:
0x2f: {  	[tilespmem:s4], [sflag:$0x3] =	stream.linear.gather [hbm4b:s9+s4], $0x1400, $0x38;
	[tilespmem:$0x1E900] =	vst v63  }
0x30: {  	_ =	swait.ge [sflag:s21], $0x1400  }
0x31: {  	[sflag:s21] =	ssyncset.done $0x0  }
0x32: {  	s28 =	simm.s32 $0x14;
	[sflag:s21] =	ssyncadd.s32 $0xFFFFEC00  }
.LBB2_6:
0x33: {  	s29 =	sshll.u32 s28, $0xA  }
0x34: {  	p1 =	slt.u32 s28, $0x14;
	s30 =	sshll.u32 s28, $0xE;
	s31 =	sadd.s32 $0xFFFFB000, s29  }
0x35: {  	s30 =	sand.u32 $0x4000, s30;
	s31 =	smov.u32 @p1 s29  }
0x36: {  	s29 =	sor.u32 $0x2800, s30;
	s31 =	sshra.s32 s31, $0x2  }
0x37: {  	[tilespmem:s29], [sflag:$0x1] =	stream.indirect.gather [spmem:s2], $0x40, s31, s18, $0xb8;
	[tilespmem:$0x1E900] =	vst v63  }
.LBB2_7:
0x38: {  	s29 =	sshll.u32 s26, $0xA  }
0x39: {  	p1 =	slt.u32 s26, $0x14;
	s30 =	sadd.s32 $0xFFFFB000, s29  }
0x3a: {  	s31 =	sshll.u32 s26, $0xE;
	s30 =	smov.u32 @p1 s29  }
0x3b: {  	s26 =	sand.u32 $0x4000, s31;
	s29 =	sshra.s32 s30, $0x2  }
0x3c: {  	s26 =	sor.u32 $0x2800, s26;
	s29 =	sadd.s32 $0x1400, s29  }
0x3d: {  	[spmem:s3] =	stream.indirect.scatter.add.f32 [tilespmem:s26], [sflag:$0x3], $0x40, s29, s18, $0xb8;
	[tilespmem:$0x1E900] =	vst v63  }
0x3e: {  	_ =	swait.ge [sflag:s21], $0x4000  }
0x3f: {  	p1 =	slt.u32 s28, $0x28;
	[sflag:s21] =	ssyncset.done $0x0  }
0x40: {  	s26 =	simm.s32 @!p0 $0x0;
	s29 =	simm.s32 @!p0 $0x1400;
	[sflag:s21] =	ssyncadd.s32 $0xFFFFC000  }
0x41: {  	[tilespmem:s29], [sflag:$0x2] =	stream.linear.gather @!p0 [hbm4b:s10+s26], $0x1400, $0x38;
	[tilespmem:$0x1E900] =	vst v63  }
.Ltmp3:
0x42: {  	_ = 	snop;
	(pc) =	sbr.rel @!p1 .LBB2_8-.Ltmp3, $4  }
0x43: {  	s26 =	simm.s32 @!p0 $0x2  }
0x44: {  	_ =	swait.ge @!p0 [sflag:s26], $0x1400  }
0x45: {  	[sflag:s26] =	ssyncset.done @!p0 $0x0  }
0x46: {  	[sflag:s26] =	ssyncadd.s32 @!p0 $0xFFFFEC00;
	s26 =	smov.u32 s28  }
.LBB2_2:
0x47: {  	p0 =	sne.s32 s26, $0x13  }
.Ltmp4:
0x48: {  	_ = 	snop;
	(pc) =	sbr.rel @!p0 .LBB2_3-.Ltmp4, $4  }
0x49: {  	_ = 	snop  }
0x4a: {  	_ =	swait.ge [sflag:s20], $0x4000  }
0x4b: {  	[sflag:s20] =	ssyncset.done $0x0  }
0x4c: {  	[sflag:s20] =	ssyncadd.s32 $0xFFFFC000  }
0x4d: {  	p1 =	seq.s32 s26, $0x27  }
.Ltmp5:
0x4e: {  	_ = 	snop;
	(pc) =	sbr.rel @p1 .LBB2_7-.Ltmp5, $2  }
0x4f: {  	_ =	sdelay $0x2  }
0x50: {  	s28 =	simm.s32 $0x28  }
.Ltmp6:
0x51: {  	(pc) =	sbr.rel .LBB2_6-.Ltmp6, $2  }
0x52: {  	_ =	sdelay $0x2  }
0x53: {  	s28 =	sadd.s32 $0x1, s26  }
.LBB2_9:
0x54: {  	_ =	sfence.sel $0x180000  }
0x55: {  	[bflag:$0x0] =	sbarrier.arrive $0xFFFF  }
0x56: {  	p0 =	sne.s32 s1, $0x0;
	_ =	strace $0x9000004A  }
0x57: {  	s0 =	sadd.s32 @!p0 $0x100000, s0;
	[bflag:$0x2] =	sbarrier.arrive $0xFFFF  }
0x58: {  	[sflag:s0] =	ssyncadd.tile.s32 @!p0 $0x1;
	_ =	shalt  }
.Lfunc_end2:
_tile_overlayer_lowered:
.L_overlay_start_2:
0x59: {  	(tag) =	ssettag $0x2  }
0x5a: {  	s0 =	rddreg [dreg:$0x0];
	s2 =	stileid.u32  }
0x5b: {  	s1 =	rddreg [dreg:$0x1];
	p0 =	sne.s32 s2, $0x0  }
0x5c: {  	s3 =	rddreg [dreg:$0x2];
	[bflag:$0x3] =	sbarrier.arrive $0xFFFF;
	s2 =	simm.s32 @!p0 $0x1C02  }
0x5d: {  	[timem:s3], [sflag:s2] =	dma.local @!p0 [hbm:s0], s1  }
0x5e: {  	s0 =	simm.s32 @!p0 $0x2  }
0x5f: {  	_ =	swait.ge @!p0 [sflag:s0], s1  }
0x60: {  	s1 =	ssub.s32 @!p0 $0x0, s1;
	[sflag:s0] =	ssyncset.done @!p0 $0x0  }
0x61: {  	[sflag:s0] =	ssyncadd.s32 @!p0 s1  }
0x62: {  	[bflag:$0x3] =	sbarrier.arrive $0xFFFF  }
0x63: {  	_ =	shalt  }

// kernel: kernel.16.cloned.1.call-start
scs
__scs_entry_jumppad:
0x0: {  	(pc) =	sbr.rel $0x88, $3  }
0x1: {  	(tag) =	ssettag $0x0;
	lr =	simm.s32 $0x1  }
0x2: {  	[smem:$0x3F8B] =	sst lr;
	_ =	strace $0xD0000000  }
0x3: {  	_ = 	snop  }
0x4: {  	_ = 	snop  }
0x5: {  	_ = 	snop  }
0x6: {  	_ = 	snop  }
0x7: {  	_ = 	snop  }
__scs_overlays_trampoline_lowered:
0x8: {  	[smem:$0x3F9A] =	sst s0  }
0x9: {  	[smem:$0x3F9B] =	sst s1  }
0xa: {  	[smem:$0x3F9C] =	sst s2  }
0xb: {  	[smem:$0x3F9D] =	sst s3  }
0xc: {  	[smem:$0x3F9E] =	sst s4  }
0xd: {  	[smem:$0x3F9F] =	sst s5  }
0xe: {  	[smem:$0x3FA0] =	sst s6  }
0xf: {  	[smem:$0x3FA1] =	sst s7  }
0x10: {  	[smem:$0x3FA2] =	sst s8  }
0x11: {  	[smem:$0x3FA3] =	sst s9;
	s0 =	simm.s32 @!p0 $0x0  }
0x12: {  	s1 =	sld [smem:$0x3F89];
	s0 =	simm.s32 @p0 $0x1  }
0x13: {  	[smem:$0x3FA4] =	sst s0;
	s0 =	simm.s32 @!p1 $0x0  }
0x14: {  	s2 =	sld [smem:$0x3F88];
	s0 =	simm.s32 @p1 $0x1  }
0x15: {  	[smem:$0x3FA5] =	sst s0;
	s0 =	simm.s32 @!p2 $0x0  }
0x16: {  	s3 =	sld [smem:$0x3FDB];
	s0 =	simm.s32 @p2 $0x1  }
0x17: {  	s4 =	simm.s32 $0x1BF5;
	[smem:$0x3FA7] =	sst s0  }
0x18: {  	s0 =	sld [smem:$0x3F8A];
	_ =	swait.ge [sflag:s4], $0x0  }
0x19: {  	s7 =	sld [smem:$0x3F8B]  }
0x1a: {  	s8 =	sadd.s32 $0xFFFFE003, lr  }
0x1b: {  	s9 =	sadd.s32 $0xFFFFFEF7, lr;
	s5 =	simm.s32 $0xFFFFFFFF;
	p2 =	slt.u32 s8, $0xFFFFF086  }
0x1c: {  	p1 =	slt.u32 s9, $0xF7A;
	s5 =	simm.s32 @!p2 $0x0  }
0x1d: {  	s5 =	simm.s32 @p1 $0x1;
	p0 =	seq.s32 s7, s2  }
0x1e: {  	s7 =	smul.u32 @!p0 $0xF7A, s2;
	p2 =	seq.s32 @!p0 s5, $0x0  }
0x1f: {  	s9 =	smul.u32 $0xF7A, s1;
	s8 =	simm.s32 @!p0 $0x1BF5;
	p2 =	por !p2, p0  }
0x20: {  	[sflag:s8] =	ssyncset.s32 @!p0 $0xFFFFF086;
	s6 =	sadd.s32 @!p0 s3, s7;
	s7 =	simm.s32 @!p0 $0x108  }
0x21: {  	s3 =	sadd.s32 s3, s9;
	s6 =	sadd.s32 @!p0 $0x88, s6;
	s7 =	simm.s32 @p2 $0x1082  }
0x22: {  	[simem:s7], [sflag:s8] =	dma.local @!p0 [hbm:s6], $0xF7A  }
0x23: {  	s9 =	sor.u32 $0xD0000000, s2;
	s6 =	simm.s32 $0x108;
	_ =	swait.ge @!p0 [sflag:s8], $0x0  }
0x24: {  	s3 =	sadd.s32 $0x88, s3;
	s6 =	simm.s32 @!p1 $0x1082;
	[sflag:s4] =	ssyncset.s32 $0xFFFFF086  }
0x25: {  	[simem:s6], [sflag:s4] =	dma.local [hbm:s3], $0xF7A  }
0x26: {  	[smem:$0x3F8B] =	sst s1;
	(tag) =	ssettag s2;
	_ =	strace s9  }
0x27: {  	s1 =	sld [smem:$0x3F9B]  }
0x28: {  	s2 =	sld [smem:$0x3F9C]  }
0x29: {  	s4 =	sld [smem:$0x3F9E]  }
0x2a: {  	p0 =	seq.s32 s5, $0x0;
	s5 =	sld [smem:$0x3F9F]  }
0x2b: {  	s6 =	sld [smem:$0x3FA0]  }
0x2c: {  	s7 =	sld [smem:$0x3FA1]  }
0x2d: {  	s3 =	simm.s32 $0x108;
	s8 =	sld [smem:$0x3FA2]  }
0x2e: {  	s3 =	simm.s32 @!p0 $0x1082;
	s9 =	sld [smem:$0x3FA3]  }
0x2f: {  	lr =	sadd.s32 s0, s3;
	s0 =	sld [smem:$0x3F9A]  }
0x30: {  	s3 =	sld [smem:$0x3F9D]  }
0x31: {  	[smem:$0x3FA6] =	sst s10  }
0x32: {  	s10 =	sld [smem:$0x3FA4];
	_ =	sdelay $0x3  }
0x33: {  	p0 =	seq.s32 s10, $0x1;
	s10 =	sld [smem:$0x3FA6];
	_ =	sdelay $0x3  }
0x34: {  	[smem:$0x3FA6] =	sst s10  }
0x35: {  	s10 =	sld [smem:$0x3FA5];
	_ =	sdelay $0x3  }
0x36: {  	p1 =	seq.s32 s10, $0x1;
	s10 =	sld [smem:$0x3FA6];
	_ =	sdelay $0x3  }
0x37: {  	[smem:$0x3FA6] =	sst s10  }
0x38: {  	s10 =	sld [smem:$0x3FA7]  }
0x39: {  	_ = 	snop;
	(pc) =	sbr.ind lr, $3  }
0x3a: {  	_ = 	snop  }
0x3b: {  	_ = 	snop  }
0x3c: {  	p2 =	seq.s32 s10, $0x1;
	s10 =	sld [smem:$0x3FA6]  }
0x3d: {  	_ =	shalt  }
0x3e: {  	_ =	shalt  }
0x3f: {  	_ =	shalt  }
0x40: {  	_ =	shalt  }
0x41: {  	_ =	shalt  }
0x42: {  	_ =	shalt  }
0x43: {  	_ =	shalt  }
0x44: {  	_ =	shalt  }
0x45: {  	_ =	shalt  }
0x46: {  	_ =	shalt  }
0x47: {  	_ =	shalt  }
0x48: {  	_ =	shalt  }
0x49: {  	_ =	shalt  }
0x4a: {  	_ =	shalt  }
0x4b: {  	_ =	shalt  }
0x4c: {  	_ =	shalt  }
0x4d: {  	_ =	shalt  }
0x4e: {  	_ =	shalt  }
0x4f: {  	_ =	shalt  }
0x50: {  	_ =	shalt  }
0x51: {  	_ =	shalt  }
0x52: {  	_ =	shalt  }
0x53: {  	_ =	shalt  }
0x54: {  	_ =	shalt  }
0x55: {  	_ =	shalt  }
0x56: {  	_ =	shalt  }
0x57: {  	_ =	shalt  }
0x58: {  	_ =	shalt  }
0x59: {  	_ =	shalt  }
0x5a: {  	_ =	shalt  }
0x5b: {  	_ =	shalt  }
0x5c: {  	_ =	shalt  }
0x5d: {  	_ =	shalt  }
0x5e: {  	_ =	shalt  }
0x5f: {  	_ =	shalt  }
0x60: {  	_ =	shalt  }
0x61: {  	_ =	shalt  }
0x62: {  	_ =	shalt  }
0x63: {  	_ =	shalt  }
0x64: {  	_ =	shalt  }
0x65: {  	_ =	shalt  }
0x66: {  	_ =	shalt  }
0x67: {  	_ =	shalt  }
0x68: {  	_ =	shalt  }
0x69: {  	_ =	shalt  }
0x6a: {  	_ =	shalt  }
0x6b: {  	_ =	shalt  }
0x6c: {  	_ =	shalt  }
0x6d: {  	_ =	shalt  }
0x6e: {  	_ =	shalt  }
0x6f: {  	_ =	shalt  }
0x70: {  	_ =	shalt  }
0x71: {  	_ =	shalt  }
0x72: {  	_ =	shalt  }
0x73: {  	_ =	shalt  }
0x74: {  	_ =	shalt  }
0x75: {  	_ =	shalt  }
0x76: {  	_ =	shalt  }
0x77: {  	_ =	shalt  }
0x78: {  	_ =	shalt  }
0x79: {  	_ =	shalt  }
0x7a: {  	_ =	shalt  }
0x7b: {  	_ =	shalt  }
0x7c: {  	_ =	shalt  }
0x7d: {  	_ =	shalt  }
0x7e: {  	_ =	shalt  }
0x7f: {  	_ =	shalt  }
0x80: {  	_ =	shalt  }
0x81: {  	_ =	shalt  }
0x82: {  	_ =	shalt  }
0x83: {  	_ =	shalt  }
0x84: {  	_ =	shalt  }
0x85: {  	_ =	shalt  }
0x86: {  	_ =	shalt  }
0x87: {  	_ =	shalt  }
.Lfunc_end0:
.L_simem_size_0:
called_computation.2_lowered:
.L_overlay_start_0:
0x88: {  	s2 =	sld [smem:$0x3FD9]  }
0x89: {  	s3 =	sld [smem:$0x3FFE];
	_ =	sdelay $0x1  }
0x8a: {  	s1 =	srdreg.scid  }
0x8b: {  	s0 =	sand.u32 $0x1, s1  }
0x8c: {  	s16 =	sshll.u32 s0, $0xA;
	s2 =	sadd.s32 s3, s2  }
0x8d: {  	s2 =	sadd.s32 s2, s16  }
0x8e: {  	[smem:$0x3FB2] =	sst s2  }
0x8f: {  	_ = 	snop  }
0x90: {  	(tm) =	ssettm $0x1  }
0x91: {  	s17 =	sld [smem:$0x3FFB];
	_ =	sdelay $0x3  }
0x92: {  	_ =	strace s17  }
0x93: {  	s2 =	sld [smem:$0x3FFC];
	_ =	sdelay $0x3  }
0x94: {  	_ =	strace s2  }
0x95: {  	s2 =	sld [smem:$0x3FFD];
	_ =	sdelay $0x3  }
0x96: {  	_ =	strace s2  }
0x97: {  	_ =	strace $0x8FFFFFFF  }
0x98: {  	s18 =	sld [smem:$0x3FDB];
	_ =	sdelay $0x1  }
0x99: {  	s19 =	simm.s32 $_scs_section_size  }
0x9a: {  	s4 =	simm.s32 $_size__tile_overlayer_lowered;
	s5 =	simm.s32 $_tile_overlayer_lowered  }
0x9b: {  	s22 =	simm.s32 $0x1BFF;
	s21 =	sshll.u32 s5, $0x1;
	s2 =	sadd.s32 s19, s18  }
0x9c: {  	s6 =	simm.s32 $0x0;
	s20 =	sshll.u32 s4, $0x1;
	s4 =	sadd.s32 s21, s2  }
0x9d: {  	[timem:s6], [sflag:s22] =	dma.local [hbm:s4], s20  }
0x9e: {  	_ =	swait.ge [sflag:s22], s20  }
0x9f: {  	s3 =	ssub.s32 $0x0, s20;
	[sflag:s22] =	ssyncset.done $0x0  }
0xa0: {  	[sflag:s22] =	ssyncadd.s32 s3;
	_ =	sdelay $0x1  }
0xa1: {  	s23 =	simm.s32 $0x1B8B  }
0xa2: {  	_ =	swait.ge [sflag:s23], $0x1  }
0xa3: {  	[sflag:s23] =	ssyncset.done $0x0  }
0xa4: {  	s25 =	simm.s32 $0x1B8E;
	s24 =	sld [smem:$0x3FFE];
	[sflag:s23] =	ssyncadd.s32 $0xFFFFFFFF  }
0xa5: {  	s26 =	simm.s32 $execute0_lowered;
	[smem:$0x3FD2] =	sst s25  }
0xa6: {  	s4 =	sshll.u32 s26, $0x1;
	_ =	strace $0x8000004C;
	[dreg:$0x1] =	wrdreg $0xFFFFFFFF  }
0xa7: {  	s28 =	simm.s32 $_size_execute0_lowered;
	s2 =	sadd.s32 s2, s4;
	[dreg:$0x0] =	wrdreg $0x0  }
0xa8: {  	s4 =	sshll.u32 s28, $0x1;
	[dreg:$0x2] =	wrdreg s2  }
0xa9: {  	[dreg:$0x3] =	wrdreg s4  }
0xaa: {  	[dreg:$0x4] =	wrdreg $0xC0  }
0xab: {  	_ =	task [dreg:s6], $0x5FFFF  }
0xac: {  	[dreg:$0x1] =	wrdreg $0xFFFFFFFF  }
0xad: {  	[dreg:$0x0] =	wrdreg $0x60  }
0xae: {  	[dreg:$0x2] =	wrdreg s24  }
0xaf: {  	[dreg:$0x3] =	wrdreg $0xA8000  }
0xb0: {  	[dreg:$0x4] =	wrdreg $0x148000  }
0xb1: {  	[dreg:$0x5] =	wrdreg $0x9  }
0xb2: {  	_ =	task.clear_ibuf [dreg:s6], $0x6FFFF;
	_ =	strace $0x9000004C  }
0xb3: {  	s29 =	simm.s32 $0x9;
	_ =	strace $0x8000004E  }
0xb4: {  	_ =	swait.ge [sflag:s29], $0x1  }
0xb5: {  	[sflag:s29] =	ssyncadd.s32 $0xFFFFFFFF  }
0xb6: {  	_ =	strace $0x9000004E  }
0xb7: {  	_ =	sfence  }
0xb8: {  	s30 =	sld [smem:$0x0];
	_ =	sdelay $0x2  }
0xb9: {  	s31 =	sshll.u32 s1, $0xD;
	s1 =	sshrl.u32 s1, $0x2  }
0xba: {  	s3 =	sand.u32 $0x4000, s31;
	s1 =	sadd.s32 s1, s30  }
0xbb: {  	s0 =	sor.u32 s3, s0;
	s1 =	sshll.u32 s1, $0x11  }
0xbc: {  	s0 =	sor.u32 s1, s0  }
0xbd: {  	s0 =	sadd.s32 $0x8F2B, s0  }
0xbe: {  	[sflag:s0] =	ssyncadd.remote.s32 $0x1  }
0xbf: {  	_ =	sfence.sel $0xFFFF  }
0xc0: {  	[dreg:$0x0] =	wrdreg $0xFFFFFFFF;
	(pc) =	sbr.abs _section_cstart, $3  }
0xc1: {  	[dreg:$0x1] =	wrdreg $0xFFFFFFFF  }
0xc2: {  	_ =	task.clear_ibuf [dreg:s6], $0x2FFFF;
	_ =	strace $0x9FFFFFFF  }
0xc3: {  	(tm) =	ssettm $0x7FFFFFFF  }
tec
execute0_lowered:
.L_overlay_start_1:
0x0: {  	(tag) =	ssettag $0x1  }
0x1: {  	s6 =	rddreg [dreg:$0x0]  }
0x2: {  	s2 =	rddreg [dreg:$0x1]  }
0x3: {  	s3 =	rddreg [dreg:$0x2]  }
0x4: {  	s0 =	rddreg [dreg:$0x3];
	s4 =	simm.s32 $0x0  }
0x5: {  	s1 =	stileid.u32;
	s5 =	srdreg.scid;
	s19 =	simm.s32 $0x2800  }
0x6: {  	s20 =	simm.s32 $0x1;
	s21 =	simm.s32 $0x3;
	s23 =	simm.s32 $0x10  }
0x7: {  	s24 =	simm.s32 $0x8;
	[smem:$0x7FF] =	sst s4;
	s12 =	smul.u32 $0xA000, s1  }
0x8: {  	s8 =	sand.u32 $0x1, s5;
	s25 =	smul.u32 $0x14000, s1;
	s11 =	sadd.s32 $0x19000, s6  }
0x9: {  	s29 =	sadd.s32 $0x4800, s6;
	s15 =	smul.u32 $0x28400, s1;
	s31 =	sshll.u32 s1, $0x6  }
0xa: {  	_ =	strace $0x8000004D;
	s26 =	sshll.u32 s8, $0x6;
	s10 =	sshll.u32 s8, $0x4  }
0xb: {  	s30 =	ssub.s32 $0x2, s8;
	s7 =	sshrl.u32 s12, $0x3;
	s5 =	sor.u32 s26, s25  }
0xc: {  	s28 =	sor.u32 s1, s10;
	s8 =	sshrl.u32 s30, $0x1;
	s17 =	sadd.s32 s12, s2  }
0xd: {  	s15 =	sshrl.u32 s15, $0x2;
	s22 =	sadd.s32 s12, s3;
	s25 =	simm.s32 $0x0  }
0xe: {  	s9 =	sadd.s32 s7, s6;
	s13 =	sshrl.u32 s5, $0x3;
	s7 =	smul.u32 $0x2800, s28  }
0xf: {  	s5 =	sadd.s32 $0xE800, s6;
	s16 =	ssub.s32 s30, s8;
	s18 =	sadd.s32 s15, s3  }
0x10: {  	s15 =	sor.u32 $0x1C02, s31;
	s22 =	sshrl.u32 s22, $0x3;
	s13 =	sadd.s32 s13, s6  }
.Ltmp0:
0x11: {  	s8 =	sadd.s32 $0x9B000, s9;
	s12 =	smax.u32 s16, $0x1;
	(pc) =	sbr.rel .LBB2_1-.Ltmp0, $4  }
0x12: {  	s16 =	sshrl.u32 s17, $0x3;
	s17 =	sshrl.u32 s18, $0x3;
	s14 =	sshrl.u32 s7, $0x3  }
0x13: {  	s6 =	sadd.s32 s11, s14;
	s7 =	sadd.s32 s29, s14;
	s14 =	sadd.s32 $0x280, s14  }
0x14: {  	s18 =	simm.s32 $0x100;
	s9 =	sadd.s32 s11, s14;
	s10 =	sadd.s32 s29, s14  }
0x15: {  	s11 =	sadd.s32 $0xAF000, s13;
	s13 =	simm.s32 $0x2;
	s14 =	simm.s32 $0x1400  }
.LBB2_8:
0x16: {  	s25 =	sadd.s32 $0x1, s25  }
0x17: {  	p0 =	sne.s32 s25, s12  }
.Ltmp1:
0x18: {  	[bflag:$0x0] =	sbarrier.arrive $0xFFFF;
	(pc) =	sbr.rel @!p0 .LBB2_9-.Ltmp1, $4  }
0x19: {  	[hbm:s11@s23], [sflag:s15] =	dma.strided [spmem:s22@s24], $0x1400, s20, $0x8   }
0x1a: {  	_ =	swait.ge [sflag:s13], $0x1400  }
0x1b: {  	[sflag:s13] =	ssyncset.done $0x0  }
0x1c: {  	[sflag:s13] =	ssyncadd.s32 $0xFFFFEC00  }
.LBB2_1:
0x1d: {  	[tilespmem:s4], [sflag:$0x2] =	stream.linear.gather [hbm4b:s6+s4], $0x1400, $0x38;
	[tilespmem:$0x1E900] =	vst v63  }
0x1e: {  	_ =	swait.ge [sflag:s13], $0x1400  }
0x1f: {  	[sflag:s13] =	ssyncset.done $0x0  }
0x20: {  	[sflag:s13] =	ssyncadd.s32 $0xFFFFEC00  }
0x21: {  	[tilespmem:s14], [sflag:$0x2] =	stream.linear.gather [hbm4b:s7+s4], $0x1400, $0x38;
	[tilespmem:$0x1E900] =	vst v63  }
0x22: {  	_ =	swait.ge [sflag:s13], $0x1400  }
0x23: {  	[sflag:s13] =	ssyncset.done $0x0  }
0x24: {  	[sflag:s13] =	ssyncadd.s32 $0xFFFFEC00  }
0x25: {  	[spmem:s16], [sflag:s15] =	dma.local [hbm:s8], $0x1400  }
0x26: {  	_ =	swait.ge [sflag:s13], $0x1400  }
0x27: {  	[sflag:s13] =	ssyncset.done $0x0  }
0x28: {  	[sflag:s13] =	ssyncadd.s32 $0xFFFFEC00  }
0x29: {  	[spmem:s17], [sflag:s15] =	dma.local [hbm:s5], $0x1420  }
.Ltmp2:
0x2a: {  	_ =	swait.ge [sflag:s13], $0x1420;
	(pc) =	sbr.rel .LBB2_2-.Ltmp2, $4  }
0x2b: {  	[sflag:s13] =	ssyncset.done $0x0  }
0x2c: {  	[sflag:s13] =	ssyncadd.s32 $0xFFFFEBE0  }
0x2d: {  	s26 =	simm.s32 $0x0;
	[bflag:$0x0] =	sbarrier.arrive $0xFFFF  }
0x2e: {  	[tilespmem:s19], [sflag:$0x1] =	stream.indirect.gather [spmem:s2], $0x40, s4, s18, $0xb8;
	[tilespmem:$0x1E900] =	vst v63  }
.LBB2_3:
0x2f: {  	[tilespmem:s4], [sflag:$0x3] =	stream.linear.gather [hbm4b:s9+s4], $0x1400, $0x38;
	[tilespmem:$0x1E900] =	vst v63  }
0x30: {  	_ =	swait.ge [sflag:s21], $0x1400  }
0x31: {  	[sflag:s21] =	ssyncset.done $0x0  }
0x32: {  	s28 =	simm.s32 $0x14;
	[sflag:s21] =	ssyncadd.s32 $0xFFFFEC00  }
.LBB2_6:
0x33: {  	s29 =	sshll.u32 s28, $0xA  }
0x34: {  	p1 =	slt.u32 s28, $0x14;
	s30 =	sshll.u32 s28, $0xE;
	s31 =	sadd.s32 $0xFFFFB000, s29  }
0x35: {  	s30 =	sand.u32 $0x4000, s30;
	s31 =	smov.u32 @p1 s29  }
0x36: {  	s29 =	sor.u32 $0x2800, s30;
	s31 =	sshra.s32 s31, $0x2  }
0x37: {  	[tilespmem:s29], [sflag:$0x1] =	stream.indirect.gather [spmem:s2], $0x40, s31, s18, $0xb8;
	[tilespmem:$0x1E900] =	vst v63  }
.LBB2_7:
0x38: {  	s29 =	sshll.u32 s26, $0xA  }
0x39: {  	p1 =	slt.u32 s26, $0x14;
	s30 =	sadd.s32 $0xFFFFB000, s29  }
0x3a: {  	s31 =	sshll.u32 s26, $0xE;
	s30 =	smov.u32 @p1 s29  }
0x3b: {  	s26 =	sand.u32 $0x4000, s31;
	s29 =	sshra.s32 s30, $0x2  }
0x3c: {  	s26 =	sor.u32 $0x2800, s26;
	s29 =	sadd.s32 $0x1400, s29  }
0x3d: {  	[spmem:s3] =	stream.indirect.scatter.add.f32 [tilespmem:s26], [sflag:$0x3], $0x40, s29, s18, $0xb8;
	[tilespmem:$0x1E900] =	vst v63  }
0x3e: {  	_ =	swait.ge [sflag:s21], $0x4000  }
0x3f: {  	p1 =	slt.u32 s28, $0x28;
	[sflag:s21] =	ssyncset.done $0x0  }
0x40: {  	s26 =	simm.s32 @!p0 $0x0;
	s29 =	simm.s32 @!p0 $0x1400;
	[sflag:s21] =	ssyncadd.s32 $0xFFFFC000  }
0x41: {  	[tilespmem:s29], [sflag:$0x2] =	stream.linear.gather @!p0 [hbm4b:s10+s26], $0x1400, $0x38;
	[tilespmem:$0x1E900] =	vst v63  }
.Ltmp3:
0x42: {  	_ = 	snop;
	(pc) =	sbr.rel @!p1 .LBB2_8-.Ltmp3, $4  }
0x43: {  	s26 =	simm.s32 @!p0 $0x2  }
0x44: {  	_ =	swait.ge @!p0 [sflag:s26], $0x1400  }
0x45: {  	[sflag:s26] =	ssyncset.done @!p0 $0x0  }
0x46: {  	[sflag:s26] =	ssyncadd.s32 @!p0 $0xFFFFEC00;
	s26 =	smov.u32 s28  }
.LBB2_2:
0x47: {  	p0 =	sne.s32 s26, $0x13  }
.Ltmp4:
0x48: {  	_ = 	snop;
	(pc) =	sbr.rel @!p0 .LBB2_3-.Ltmp4, $4  }
0x49: {  	_ = 	snop  }
0x4a: {  	_ =	swait.ge [sflag:s20], $0x4000  }
0x4b: {  	[sflag:s20] =	ssyncset.done $0x0  }
0x4c: {  	[sflag:s20] =	ssyncadd.s32 $0xFFFFC000  }
0x4d: {  	p1 =	seq.s32 s26, $0x27  }
.Ltmp5:
0x4e: {  	_ = 	snop;
	(pc) =	sbr.rel @p1 .LBB2_7-.Ltmp5, $2  }
0x4f: {  	_ =	sdelay $0x2  }
0x50: {  	s28 =	simm.s32 $0x28  }
.Ltmp6:
0x51: {  	(pc) =	sbr.rel .LBB2_6-.Ltmp6, $2  }
0x52: {  	_ =	sdelay $0x2  }
0x53: {  	s28 =	sadd.s32 $0x1, s26  }
.LBB2_9:
0x54: {  	_ =	sfence.sel $0x180000  }
0x55: {  	[bflag:$0x0] =	sbarrier.arrive $0xFFFF  }
0x56: {  	p0 =	sne.s32 s1, $0x0;
	_ =	strace $0x9000004D  }
0x57: {  	s0 =	sadd.s32 @!p0 $0x100000, s0;
	[bflag:$0x2] =	sbarrier.arrive $0xFFFF  }
0x58: {  	[sflag:s0] =	ssyncadd.tile.s32 @!p0 $0x1;
	_ =	shalt  }
.Lfunc_end2:
_tile_overlayer_lowered:
.L_overlay_start_2:
0x59: {  	(tag) =	ssettag $0x2  }
0x5a: {  	s0 =	rddreg [dreg:$0x0];
	s2 =	stileid.u32  }
0x5b: {  	s1 =	rddreg [dreg:$0x1];
	p0 =	sne.s32 s2, $0x0  }
0x5c: {  	s3 =	rddreg [dreg:$0x2];
	[bflag:$0x3] =	sbarrier.arrive $0xFFFF;
	s2 =	simm.s32 @!p0 $0x1C02  }
0x5d: {  	[timem:s3], [sflag:s2] =	dma.local @!p0 [hbm:s0], s1  }
0x5e: {  	s0 =	simm.s32 @!p0 $0x2  }
0x5f: {  	_ =	swait.ge @!p0 [sflag:s0], s1  }
0x60: {  	s1 =	ssub.s32 @!p0 $0x0, s1;
	[sflag:s0] =	ssyncset.done @!p0 $0x0  }
0x61: {  	[sflag:s0] =	ssyncadd.s32 @!p0 s1  }
0x62: {  	[bflag:$0x3] =	sbarrier.arrive $0xFFFF  }
0x63: {  	_ =	shalt  }

// kernel: kernel.19.cloned.1.call-start
scs
__scs_entry_jumppad:
0x0: {  	(pc) =	sbr.rel $0x88, $3  }
0x1: {  	(tag) =	ssettag $0x0;
	lr =	simm.s32 $0x1  }
0x2: {  	[smem:$0x3F8B] =	sst lr;
	_ =	strace $0xD0000000  }
0x3: {  	_ = 	snop  }
0x4: {  	_ = 	snop  }
0x5: {  	_ = 	snop  }
0x6: {  	_ = 	snop  }
0x7: {  	_ = 	snop  }
__scs_overlays_trampoline_lowered:
0x8: {  	[smem:$0x3F9A] =	sst s0  }
0x9: {  	[smem:$0x3F9B] =	sst s1  }
0xa: {  	[smem:$0x3F9C] =	sst s2  }
0xb: {  	[smem:$0x3F9D] =	sst s3  }
0xc: {  	[smem:$0x3F9E] =	sst s4  }
0xd: {  	[smem:$0x3F9F] =	sst s5  }
0xe: {  	[smem:$0x3FA0] =	sst s6  }
0xf: {  	[smem:$0x3FA1] =	sst s7  }
0x10: {  	[smem:$0x3FA2] =	sst s8  }
0x11: {  	[smem:$0x3FA3] =	sst s9;
	s0 =	simm.s32 @!p0 $0x0  }
0x12: {  	s1 =	sld [smem:$0x3F89];
	s0 =	simm.s32 @p0 $0x1  }
0x13: {  	[smem:$0x3FA4] =	sst s0;
	s0 =	simm.s32 @!p1 $0x0  }
0x14: {  	s2 =	sld [smem:$0x3F88];
	s0 =	simm.s32 @p1 $0x1  }
0x15: {  	[smem:$0x3FA5] =	sst s0;
	s0 =	simm.s32 @!p2 $0x0  }
0x16: {  	s3 =	sld [smem:$0x3FDB];
	s0 =	simm.s32 @p2 $0x1  }
0x17: {  	s4 =	simm.s32 $0x1BF5;
	[smem:$0x3FA7] =	sst s0  }
0x18: {  	s0 =	sld [smem:$0x3F8A];
	_ =	swait.ge [sflag:s4], $0x0  }
0x19: {  	s7 =	sld [smem:$0x3F8B]  }
0x1a: {  	s8 =	sadd.s32 $0xFFFFE003, lr  }
0x1b: {  	s9 =	sadd.s32 $0xFFFFFEF7, lr;
	s5 =	simm.s32 $0xFFFFFFFF;
	p2 =	slt.u32 s8, $0xFFFFF086  }
0x1c: {  	p1 =	slt.u32 s9, $0xF7A;
	s5 =	simm.s32 @!p2 $0x0  }
0x1d: {  	s5 =	simm.s32 @p1 $0x1;
	p0 =	seq.s32 s7, s2  }
0x1e: {  	s7 =	smul.u32 @!p0 $0xF7A, s2;
	p2 =	seq.s32 @!p0 s5, $0x0  }
0x1f: {  	s9 =	smul.u32 $0xF7A, s1;
	s8 =	simm.s32 @!p0 $0x1BF5;
	p2 =	por !p2, p0  }
0x20: {  	[sflag:s8] =	ssyncset.s32 @!p0 $0xFFFFF086;
	s6 =	sadd.s32 @!p0 s3, s7;
	s7 =	simm.s32 @!p0 $0x108  }
0x21: {  	s3 =	sadd.s32 s3, s9;
	s6 =	sadd.s32 @!p0 $0x88, s6;
	s7 =	simm.s32 @p2 $0x1082  }
0x22: {  	[simem:s7], [sflag:s8] =	dma.local @!p0 [hbm:s6], $0xF7A  }
0x23: {  	s9 =	sor.u32 $0xD0000000, s2;
	s6 =	simm.s32 $0x108;
	_ =	swait.ge @!p0 [sflag:s8], $0x0  }
0x24: {  	s3 =	sadd.s32 $0x88, s3;
	s6 =	simm.s32 @!p1 $0x1082;
	[sflag:s4] =	ssyncset.s32 $0xFFFFF086  }
0x25: {  	[simem:s6], [sflag:s4] =	dma.local [hbm:s3], $0xF7A  }
0x26: {  	[smem:$0x3F8B] =	sst s1;
	(tag) =	ssettag s2;
	_ =	strace s9  }
0x27: {  	s1 =	sld [smem:$0x3F9B]  }
0x28: {  	s2 =	sld [smem:$0x3F9C]  }
0x29: {  	s4 =	sld [smem:$0x3F9E]  }
0x2a: {  	p0 =	seq.s32 s5, $0x0;
	s5 =	sld [smem:$0x3F9F]  }
0x2b: {  	s6 =	sld [smem:$0x3FA0]  }
0x2c: {  	s7 =	sld [smem:$0x3FA1]  }
0x2d: {  	s3 =	simm.s32 $0x108;
	s8 =	sld [smem:$0x3FA2]  }
0x2e: {  	s3 =	simm.s32 @!p0 $0x1082;
	s9 =	sld [smem:$0x3FA3]  }
0x2f: {  	lr =	sadd.s32 s0, s3;
	s0 =	sld [smem:$0x3F9A]  }
0x30: {  	s3 =	sld [smem:$0x3F9D]  }
0x31: {  	[smem:$0x3FA6] =	sst s10  }
0x32: {  	s10 =	sld [smem:$0x3FA4];
	_ =	sdelay $0x3  }
0x33: {  	p0 =	seq.s32 s10, $0x1;
	s10 =	sld [smem:$0x3FA6];
	_ =	sdelay $0x3  }
0x34: {  	[smem:$0x3FA6] =	sst s10  }
0x35: {  	s10 =	sld [smem:$0x3FA5];
	_ =	sdelay $0x3  }
0x36: {  	p1 =	seq.s32 s10, $0x1;
	s10 =	sld [smem:$0x3FA6];
	_ =	sdelay $0x3  }
0x37: {  	[smem:$0x3FA6] =	sst s10  }
0x38: {  	s10 =	sld [smem:$0x3FA7]  }
0x39: {  	_ = 	snop;
	(pc) =	sbr.ind lr, $3  }
0x3a: {  	_ = 	snop  }
0x3b: {  	_ = 	snop  }
0x3c: {  	p2 =	seq.s32 s10, $0x1;
	s10 =	sld [smem:$0x3FA6]  }
0x3d: {  	_ =	shalt  }
0x3e: {  	_ =	shalt  }
0x3f: {  	_ =	shalt  }
0x40: {  	_ =	shalt  }
0x41: {  	_ =	shalt  }
0x42: {  	_ =	shalt  }
0x43: {  	_ =	shalt  }
0x44: {  	_ =	shalt  }
0x45: {  	_ =	shalt  }
0x46: {  	_ =	shalt  }
0x47: {  	_ =	shalt  }
0x48: {  	_ =	shalt  }
0x49: {  	_ =	shalt  }
0x4a: {  	_ =	shalt  }
0x4b: {  	_ =	shalt  }
0x4c: {  	_ =	shalt  }
0x4d: {  	_ =	shalt  }
0x4e: {  	_ =	shalt  }
0x4f: {  	_ =	shalt  }
0x50: {  	_ =	shalt  }
0x51: {  	_ =	shalt  }
0x52: {  	_ =	shalt  }
0x53: {  	_ =	shalt  }
0x54: {  	_ =	shalt  }
0x55: {  	_ =	shalt  }
0x56: {  	_ =	shalt  }
0x57: {  	_ =	shalt  }
0x58: {  	_ =	shalt  }
0x59: {  	_ =	shalt  }
0x5a: {  	_ =	shalt  }
0x5b: {  	_ =	shalt  }
0x5c: {  	_ =	shalt  }
0x5d: {  	_ =	shalt  }
0x5e: {  	_ =	shalt  }
0x5f: {  	_ =	shalt  }
0x60: {  	_ =	shalt  }
0x61: {  	_ =	shalt  }
0x62: {  	_ =	shalt  }
0x63: {  	_ =	shalt  }
0x64: {  	_ =	shalt  }
0x65: {  	_ =	shalt  }
0x66: {  	_ =	shalt  }
0x67: {  	_ =	shalt  }
0x68: {  	_ =	shalt  }
0x69: {  	_ =	shalt  }
0x6a: {  	_ =	shalt  }
0x6b: {  	_ =	shalt  }
0x6c: {  	_ =	shalt  }
0x6d: {  	_ =	shalt  }
0x6e: {  	_ =	shalt  }
0x6f: {  	_ =	shalt  }
0x70: {  	_ =	shalt  }
0x71: {  	_ =	shalt  }
0x72: {  	_ =	shalt  }
0x73: {  	_ =	shalt  }
0x74: {  	_ =	shalt  }
0x75: {  	_ =	shalt  }
0x76: {  	_ =	shalt  }
0x77: {  	_ =	shalt  }
0x78: {  	_ =	shalt  }
0x79: {  	_ =	shalt  }
0x7a: {  	_ =	shalt  }
0x7b: {  	_ =	shalt  }
0x7c: {  	_ =	shalt  }
0x7d: {  	_ =	shalt  }
0x7e: {  	_ =	shalt  }
0x7f: {  	_ =	shalt  }
0x80: {  	_ =	shalt  }
0x81: {  	_ =	shalt  }
0x82: {  	_ =	shalt  }
0x83: {  	_ =	shalt  }
0x84: {  	_ =	shalt  }
0x85: {  	_ =	shalt  }
0x86: {  	_ =	shalt  }
0x87: {  	_ =	shalt  }
.Lfunc_end0:
.L_simem_size_0:
called_computation.3_lowered:
.L_overlay_start_0:
0x88: {  	s2 =	sld [smem:$0x3FD9]  }
0x89: {  	s3 =	sld [smem:$0x3FFE];
	_ =	sdelay $0x1  }
0x8a: {  	s1 =	srdreg.scid  }
0x8b: {  	s0 =	sand.u32 $0x1, s1  }
0x8c: {  	s16 =	sshll.u32 s0, $0xA;
	s2 =	sadd.s32 s3, s2  }
0x8d: {  	s2 =	sadd.s32 s2, s16  }
0x8e: {  	[smem:$0x3FB2] =	sst s2  }
0x8f: {  	_ = 	snop  }
0x90: {  	(tm) =	ssettm $0x1  }
0x91: {  	s17 =	sld [smem:$0x3FFB];
	_ =	sdelay $0x3  }
0x92: {  	_ =	strace s17  }
0x93: {  	s2 =	sld [smem:$0x3FFC];
	_ =	sdelay $0x3  }
0x94: {  	_ =	strace s2  }
0x95: {  	s2 =	sld [smem:$0x3FFD];
	_ =	sdelay $0x3  }
0x96: {  	_ =	strace s2  }
0x97: {  	_ =	strace $0x8FFFFFFF  }
0x98: {  	s18 =	sld [smem:$0x3FDB];
	_ =	sdelay $0x1  }
0x99: {  	s19 =	simm.s32 $_scs_section_size  }
0x9a: {  	s4 =	simm.s32 $_size__tile_overlayer_lowered;
	s5 =	simm.s32 $_tile_overlayer_lowered  }
0x9b: {  	s22 =	simm.s32 $0x1BFF;
	s21 =	sshll.u32 s5, $0x1;
	s2 =	sadd.s32 s19, s18  }
0x9c: {  	s6 =	simm.s32 $0x0;
	s20 =	sshll.u32 s4, $0x1;
	s4 =	sadd.s32 s21, s2  }
0x9d: {  	[timem:s6], [sflag:s22] =	dma.local [hbm:s4], s20  }
0x9e: {  	_ =	swait.ge [sflag:s22], s20  }
0x9f: {  	s3 =	ssub.s32 $0x0, s20;
	[sflag:s22] =	ssyncset.done $0x0  }
0xa0: {  	[sflag:s22] =	ssyncadd.s32 s3;
	_ =	sdelay $0x1  }
0xa1: {  	s23 =	simm.s32 $0x1B8B  }
0xa2: {  	_ =	swait.ge [sflag:s23], $0x1  }
0xa3: {  	[sflag:s23] =	ssyncset.done $0x0  }
0xa4: {  	s25 =	simm.s32 $0x1B8E;
	s24 =	sld [smem:$0x3FFE];
	[sflag:s23] =	ssyncadd.s32 $0xFFFFFFFF  }
0xa5: {  	s26 =	simm.s32 $execute0_lowered;
	[smem:$0x3FD2] =	sst s25  }
0xa6: {  	s4 =	sshll.u32 s26, $0x1;
	_ =	strace $0x8000004F;
	[dreg:$0x1] =	wrdreg $0xFFFFFFFF  }
0xa7: {  	s28 =	simm.s32 $_size_execute0_lowered;
	s2 =	sadd.s32 s2, s4;
	[dreg:$0x0] =	wrdreg $0x0  }
0xa8: {  	s4 =	sshll.u32 s28, $0x1;
	[dreg:$0x2] =	wrdreg s2  }
0xa9: {  	[dreg:$0x3] =	wrdreg s4  }
0xaa: {  	[dreg:$0x4] =	wrdreg $0xC0  }
0xab: {  	_ =	task [dreg:s6], $0x5FFFF  }
0xac: {  	[dreg:$0x1] =	wrdreg $0xFFFFFFFF  }
0xad: {  	[dreg:$0x0] =	wrdreg $0x60  }
0xae: {  	[dreg:$0x2] =	wrdreg s24  }
0xaf: {  	[dreg:$0x3] =	wrdreg $0xA8000  }
0xb0: {  	[dreg:$0x4] =	wrdreg $0x148000  }
0xb1: {  	[dreg:$0x5] =	wrdreg $0x9  }
0xb2: {  	_ =	task.clear_ibuf [dreg:s6], $0x6FFFF;
	_ =	strace $0x9000004F  }
0xb3: {  	s29 =	simm.s32 $0x9;
	_ =	strace $0x80000051  }
0xb4: {  	_ =	swait.ge [sflag:s29], $0x1  }
0xb5: {  	[sflag:s29] =	ssyncadd.s32 $0xFFFFFFFF  }
0xb6: {  	_ =	strace $0x90000051  }
0xb7: {  	_ =	sfence  }
0xb8: {  	s30 =	sld [smem:$0x0];
	_ =	sdelay $0x2  }
0xb9: {  	s31 =	sshll.u32 s1, $0xD;
	s1 =	sshrl.u32 s1, $0x2  }
0xba: {  	s3 =	sand.u32 $0x4000, s31;
	s1 =	sadd.s32 s1, s30  }
0xbb: {  	s0 =	sor.u32 s3, s0;
	s1 =	sshll.u32 s1, $0x11  }
0xbc: {  	s0 =	sor.u32 s1, s0  }
0xbd: {  	s0 =	sadd.s32 $0x8F2B, s0  }
0xbe: {  	[sflag:s0] =	ssyncadd.remote.s32 $0x1  }
0xbf: {  	_ =	sfence.sel $0xFFFF  }
0xc0: {  	[dreg:$0x0] =	wrdreg $0xFFFFFFFF;
	(pc) =	sbr.abs _section_cstart, $3  }
0xc1: {  	[dreg:$0x1] =	wrdreg $0xFFFFFFFF  }
0xc2: {  	_ =	task.clear_ibuf [dreg:s6], $0x2FFFF;
	_ =	strace $0x9FFFFFFF  }
0xc3: {  	(tm) =	ssettm $0x7FFFFFFF  }
tec
execute0_lowered:
.L_overlay_start_1:
0x0: {  	(tag) =	ssettag $0x1  }
0x1: {  	s6 =	rddreg [dreg:$0x0]  }
0x2: {  	s2 =	rddreg [dreg:$0x1]  }
0x3: {  	s3 =	rddreg [dreg:$0x2]  }
0x4: {  	s0 =	rddreg [dreg:$0x3];
	s4 =	simm.s32 $0x0  }
0x5: {  	s1 =	stileid.u32;
	s5 =	srdreg.scid;
	s19 =	simm.s32 $0x2800  }
0x6: {  	s20 =	simm.s32 $0x1;
	s21 =	simm.s32 $0x3;
	s23 =	simm.s32 $0x10  }
0x7: {  	s24 =	simm.s32 $0x8;
	[smem:$0x7FF] =	sst s4;
	s12 =	smul.u32 $0xA000, s1  }
0x8: {  	s8 =	sand.u32 $0x1, s5;
	s25 =	smul.u32 $0x14000, s1;
	s11 =	sadd.s32 $0x19000, s6  }
0x9: {  	s29 =	sadd.s32 $0x4800, s6;
	s15 =	smul.u32 $0x28400, s1;
	s31 =	sshll.u32 s1, $0x6  }
0xa: {  	_ =	strace $0x80000050;
	s26 =	sshll.u32 s8, $0x6;
	s10 =	sshll.u32 s8, $0x4  }
0xb: {  	s30 =	ssub.s32 $0x2, s8;
	s7 =	sshrl.u32 s12, $0x3;
	s5 =	sor.u32 s26, s25  }
0xc: {  	s28 =	sor.u32 s1, s10;
	s8 =	sshrl.u32 s30, $0x1;
	s17 =	sadd.s32 s12, s2  }
0xd: {  	s15 =	sshrl.u32 s15, $0x2;
	s22 =	sadd.s32 s12, s3;
	s25 =	simm.s32 $0x0  }
0xe: {  	s9 =	sadd.s32 s7, s6;
	s13 =	sshrl.u32 s5, $0x3;
	s7 =	smul.u32 $0x2800, s28  }
0xf: {  	s5 =	sadd.s32 $0xE800, s6;
	s16 =	ssub.s32 s30, s8;
	s18 =	sadd.s32 s15, s3  }
0x10: {  	s15 =	sor.u32 $0x1C02, s31;
	s22 =	sshrl.u32 s22, $0x3;
	s13 =	sadd.s32 s13, s6  }
.Ltmp0:
0x11: {  	s8 =	sadd.s32 $0x73000, s9;
	s12 =	smax.u32 s16, $0x1;
	(pc) =	sbr.rel .LBB2_1-.Ltmp0, $4  }
0x12: {  	s16 =	sshrl.u32 s17, $0x3;
	s17 =	sshrl.u32 s18, $0x3;
	s14 =	sshrl.u32 s7, $0x3  }
0x13: {  	s6 =	sadd.s32 s11, s14;
	s7 =	sadd.s32 s29, s14;
	s14 =	sadd.s32 $0x280, s14  }
0x14: {  	s18 =	simm.s32 $0x100;
	s9 =	sadd.s32 s11, s14;
	s10 =	sadd.s32 s29, s14  }
0x15: {  	s11 =	sadd.s32 $0x87000, s13;
	s13 =	simm.s32 $0x2;
	s14 =	simm.s32 $0x1400  }
.LBB2_8:
0x16: {  	s25 =	sadd.s32 $0x1, s25  }
0x17: {  	p0 =	sne.s32 s25, s12  }
.Ltmp1:
0x18: {  	[bflag:$0x0] =	sbarrier.arrive $0xFFFF;
	(pc) =	sbr.rel @!p0 .LBB2_9-.Ltmp1, $4  }
0x19: {  	[hbm:s11@s23], [sflag:s15] =	dma.strided [spmem:s22@s24], $0x1400, s20, $0x8   }
0x1a: {  	_ =	swait.ge [sflag:s13], $0x1400  }
0x1b: {  	[sflag:s13] =	ssyncset.done $0x0  }
0x1c: {  	[sflag:s13] =	ssyncadd.s32 $0xFFFFEC00  }
.LBB2_1:
0x1d: {  	[tilespmem:s4], [sflag:$0x2] =	stream.linear.gather [hbm4b:s6+s4], $0x1400, $0x38;
	[tilespmem:$0x1E900] =	vst v63  }
0x1e: {  	_ =	swait.ge [sflag:s13], $0x1400  }
0x1f: {  	[sflag:s13] =	ssyncset.done $0x0  }
0x20: {  	[sflag:s13] =	ssyncadd.s32 $0xFFFFEC00  }
0x21: {  	[tilespmem:s14], [sflag:$0x2] =	stream.linear.gather [hbm4b:s7+s4], $0x1400, $0x38;
	[tilespmem:$0x1E900] =	vst v63  }
0x22: {  	_ =	swait.ge [sflag:s13], $0x1400  }
0x23: {  	[sflag:s13] =	ssyncset.done $0x0  }
0x24: {  	[sflag:s13] =	ssyncadd.s32 $0xFFFFEC00  }
0x25: {  	[spmem:s16], [sflag:s15] =	dma.local [hbm:s8], $0x1400  }
0x26: {  	_ =	swait.ge [sflag:s13], $0x1400  }
0x27: {  	[sflag:s13] =	ssyncset.done $0x0  }
0x28: {  	[sflag:s13] =	ssyncadd.s32 $0xFFFFEC00  }
0x29: {  	[spmem:s17], [sflag:s15] =	dma.local [hbm:s5], $0x1420  }
.Ltmp2:
0x2a: {  	_ =	swait.ge [sflag:s13], $0x1420;
	(pc) =	sbr.rel .LBB2_2-.Ltmp2, $4  }
0x2b: {  	[sflag:s13] =	ssyncset.done $0x0  }
0x2c: {  	[sflag:s13] =	ssyncadd.s32 $0xFFFFEBE0  }
0x2d: {  	s26 =	simm.s32 $0x0;
	[bflag:$0x0] =	sbarrier.arrive $0xFFFF  }
0x2e: {  	[tilespmem:s19], [sflag:$0x1] =	stream.indirect.gather [spmem:s2], $0x40, s4, s18, $0xb8;
	[tilespmem:$0x1E900] =	vst v63  }
.LBB2_3:
0x2f: {  	[tilespmem:s4], [sflag:$0x3] =	stream.linear.gather [hbm4b:s9+s4], $0x1400, $0x38;
	[tilespmem:$0x1E900] =	vst v63  }
0x30: {  	_ =	swait.ge [sflag:s21], $0x1400  }
0x31: {  	[sflag:s21] =	ssyncset.done $0x0  }
0x32: {  	s28 =	simm.s32 $0x14;
	[sflag:s21] =	ssyncadd.s32 $0xFFFFEC00  }
.LBB2_6:
0x33: {  	s29 =	sshll.u32 s28, $0xA  }
0x34: {  	p1 =	slt.u32 s28, $0x14;
	s30 =	sshll.u32 s28, $0xE;
	s31 =	sadd.s32 $0xFFFFB000, s29  }
0x35: {  	s30 =	sand.u32 $0x4000, s30;
	s31 =	smov.u32 @p1 s29  }
0x36: {  	s29 =	sor.u32 $0x2800, s30;
	s31 =	sshra.s32 s31, $0x2  }
0x37: {  	[tilespmem:s29], [sflag:$0x1] =	stream.indirect.gather [spmem:s2], $0x40, s31, s18, $0xb8;
	[tilespmem:$0x1E900] =	vst v63  }
.LBB2_7:
0x38: {  	s29 =	sshll.u32 s26, $0xA  }
0x39: {  	p1 =	slt.u32 s26, $0x14;
	s30 =	sadd.s32 $0xFFFFB000, s29  }
0x3a: {  	s31 =	sshll.u32 s26, $0xE;
	s30 =	smov.u32 @p1 s29  }
0x3b: {  	s26 =	sand.u32 $0x4000, s31;
	s29 =	sshra.s32 s30, $0x2  }
0x3c: {  	s26 =	sor.u32 $0x2800, s26;
	s29 =	sadd.s32 $0x1400, s29  }
0x3d: {  	[spmem:s3] =	stream.indirect.scatter.add.f32 [tilespmem:s26], [sflag:$0x3], $0x40, s29, s18, $0xb8;
	[tilespmem:$0x1E900] =	vst v63  }
0x3e: {  	_ =	swait.ge [sflag:s21], $0x4000  }
0x3f: {  	p1 =	slt.u32 s28, $0x28;
	[sflag:s21] =	ssyncset.done $0x0  }
0x40: {  	s26 =	simm.s32 @!p0 $0x0;
	s29 =	simm.s32 @!p0 $0x1400;
	[sflag:s21] =	ssyncadd.s32 $0xFFFFC000  }
0x41: {  	[tilespmem:s29], [sflag:$0x2] =	stream.linear.gather @!p0 [hbm4b:s10+s26], $0x1400, $0x38;
	[tilespmem:$0x1E900] =	vst v63  }
.Ltmp3:
0x42: {  	_ = 	snop;
	(pc) =	sbr.rel @!p1 .LBB2_8-.Ltmp3, $4  }
0x43: {  	s26 =	simm.s32 @!p0 $0x2  }
0x44: {  	_ =	swait.ge @!p0 [sflag:s26], $0x1400  }
0x45: {  	[sflag:s26] =	ssyncset.done @!p0 $0x0  }
0x46: {  	[sflag:s26] =	ssyncadd.s32 @!p0 $0xFFFFEC00;
	s26 =	smov.u32 s28  }
.LBB2_2:
0x47: {  	p0 =	sne.s32 s26, $0x13  }
.Ltmp4:
0x48: {  	_ = 	snop;
	(pc) =	sbr.rel @!p0 .LBB2_3-.Ltmp4, $4  }
0x49: {  	_ = 	snop  }
0x4a: {  	_ =	swait.ge [sflag:s20], $0x4000  }
0x4b: {  	[sflag:s20] =	ssyncset.done $0x0  }
0x4c: {  	[sflag:s20] =	ssyncadd.s32 $0xFFFFC000  }
0x4d: {  	p1 =	seq.s32 s26, $0x27  }
.Ltmp5:
0x4e: {  	_ = 	snop;
	(pc) =	sbr.rel @p1 .LBB2_7-.Ltmp5, $2  }
0x4f: {  	_ =	sdelay $0x2  }
0x50: {  	s28 =	simm.s32 $0x28  }
.Ltmp6:
0x51: {  	(pc) =	sbr.rel .LBB2_6-.Ltmp6, $2  }
0x52: {  	_ =	sdelay $0x2  }
0x53: {  	s28 =	sadd.s32 $0x1, s26  }
.LBB2_9:
0x54: {  	_ =	sfence.sel $0x180000  }
0x55: {  	[bflag:$0x0] =	sbarrier.arrive $0xFFFF  }
0x56: {  	p0 =	sne.s32 s1, $0x0;
	_ =	strace $0x90000050  }
0x57: {  	s0 =	sadd.s32 @!p0 $0x100000, s0;
	[bflag:$0x2] =	sbarrier.arrive $0xFFFF  }
0x58: {  	[sflag:s0] =	ssyncadd.tile.s32 @!p0 $0x1;
	_ =	shalt  }
.Lfunc_end2:
_tile_overlayer_lowered:
.L_overlay_start_2:
0x59: {  	(tag) =	ssettag $0x2  }
0x5a: {  	s0 =	rddreg [dreg:$0x0];
	s2 =	stileid.u32  }
0x5b: {  	s1 =	rddreg [dreg:$0x1];
	p0 =	sne.s32 s2, $0x0  }
0x5c: {  	s3 =	rddreg [dreg:$0x2];
	[bflag:$0x3] =	sbarrier.arrive $0xFFFF;
	s2 =	simm.s32 @!p0 $0x1C02  }
0x5d: {  	[timem:s3], [sflag:s2] =	dma.local @!p0 [hbm:s0], s1  }
0x5e: {  	s0 =	simm.s32 @!p0 $0x2  }
0x5f: {  	_ =	swait.ge @!p0 [sflag:s0], s1  }
0x60: {  	s1 =	ssub.s32 @!p0 $0x0, s1;
	[sflag:s0] =	ssyncset.done @!p0 $0x0  }
0x61: {  	[sflag:s0] =	ssyncadd.s32 @!p0 s1  }
0x62: {  	[bflag:$0x3] =	sbarrier.arrive $0xFFFF  }
0x63: {  	_ =	shalt  }

</sc_bundles>
